<compile_context>
chip_gen: v7x
topology: tpu7x:2x2x1
jax: 0.10.2.dev20260603
libtpu: 0.0.44.dev20260713+nightly
codegen_flags: <defaults>
</compile_context>

<pallas_src>
import functools

import jax
import jax.numpy as jnp
from jax import lax
from jax.experimental import pallas as pl
from jax.experimental.pallas import tpu as pltpu
from jax.experimental.pallas import tpu_sc as plsc

N = 10000
E = 320000
D = 128
R = 8
B = 4

NPAD = 10240
NC = 2
NS = 16
NW = NC * NS
C = 96
K = 6 * (-(-E // (NW * C * 6)))
EPW = K * C
EPAD = NW * EPW
NACC = 10112

BN = 2048
NB = NPAD // BN


def _table_body(comp_ref, x_ref, v_ref, out_ref):
    r = pl.program_id(1)
    w = (comp_ref[r, 0] * v_ref[0]
         + comp_ref[r, 1] * v_ref[1]
         + comp_ref[r, 2] * v_ref[2]
         + comp_ref[r, 3] * v_ref[3])
    out_ref[...] = jnp.dot(x_ref[...], w, preferred_element_type=jnp.float32)


def _make_table(x, v, comp):
    return pl.pallas_call(
        _table_body,
        grid=(NB, R),
        in_specs=[
            pl.BlockSpec(memory_space=pltpu.SMEM),
            pl.BlockSpec((BN, D), lambda i, r: (i, 0)),
            pl.BlockSpec((B, D, D), lambda i, r: (0, 0, 0)),
        ],
        out_specs=pl.BlockSpec((BN, D), lambda i, r: (r * NB + i, 0)),
        out_shape=jax.ShapeDtypeStruct((R * NPAD, D), jnp.float32),
    )(comp, x, v)


@functools.cache
def _sc_edges_fn():
    mesh = plsc.VectorSubcoreMesh(
        core_axis_name="c", subcore_axis_name="s",
        num_cores=NC, num_subcores=NS)

    @functools.partial(
        pl.kernel,
        out_type=jax.ShapeDtypeStruct((NC * NPAD, D), jnp.float32),
        mesh=mesh,
        scratch_types=[
            [pltpu.VMEM((C, D), jnp.float32) for _ in range(3)],
            [[pltpu.VMEM((C,), jnp.int32) for _ in range(2)] for _ in range(3)],
            [[pltpu.VMEM((C,), jnp.int32) for _ in range(2)] for _ in range(3)],
            pltpu.VMEM_SHARED((NACC, D), jnp.float32),
            [pltpu.SemaphoreType.DMA for _ in range(3)],
            [[pltpu.SemaphoreType.DMA for _ in range(2)] for _ in range(3)],
            [[pltpu.SemaphoreType.DMA for _ in range(2)] for _ in range(3)],
        ],
    )
    def _sc_edges(table_hbm, gidx_hbm, didx_hbm, zeros_hbm, out_hbm,
                  rows, gbuf, dbuf, acc, gs, isem, dsem):
        cid = lax.axis_index("c")
        sid = lax.axis_index("s")
        wid = cid * NS + sid
        stripe = NACC // NS

        pltpu.sync_copy(zeros_hbm.at[pl.ds(sid * stripe, stripe)],
                        acc.at[pl.ds(sid * stripe, stripe)])
        plsc.subcore_barrier()

        for p in range(2):
            for u in range(3):
                c = 3 * p + u
                pltpu.async_copy(gidx_hbm.at[wid, c], gbuf[u][p], isem[u][p])
                pltpu.async_copy(didx_hbm.at[wid, c], dbuf[u][p], dsem[u][p])
        for u in range(3):
            pltpu.make_async_copy(
                gidx_hbm.at[wid, u], gbuf[u][0], isem[u][0]).wait()
            pltpu.async_copy(table_hbm.at[gbuf[u][0]], rows[u], gs[u])

        def slot(t, u, p, q):
            c = 3 * t + u
            pltpu.make_async_copy(
                table_hbm.at[gbuf[u][p]], rows[u], gs[u]).wait()
            pltpu.make_async_copy(
                didx_hbm.at[wid, c], dbuf[u][p], dsem[u][p]).wait()
            pltpu.sync_copy(rows[u], acc.at[dbuf[u][p]], add=True)
            nc1 = c + 3

            @pl.when(nc1 < K)
            def _():
                pltpu.make_async_copy(
                    gidx_hbm.at[wid, nc1], gbuf[u][q], isem[u][q]).wait()
                pltpu.async_copy(table_hbm.at[gbuf[u][q]], rows[u], gs[u])

            nc2 = c + 6

            @pl.when(nc2 < K)
            def _():
                pltpu.async_copy(gidx_hbm.at[wid, nc2], gbuf[u][p], isem[u][p])
                pltpu.async_copy(didx_hbm.at[wid, nc2], dbuf[u][p], dsem[u][p])

        def pair(m, carry):
            t = 2 * m
            for u in range(3):
                slot(t, u, 0, 1)
            for u in range(3):
                slot(t + 1, u, 1, 0)
            return carry

        lax.fori_loop(0, K // 6, pair, 0)
        plsc.subcore_barrier()

        pltpu.sync_copy(acc.at[pl.ds(sid * stripe, stripe)],
                        out_hbm.at[pl.ds(cid * NPAD + sid * stripe, stripe)])

    return _sc_edges


def _combine_body(p0_ref, p1_ref, x_ref, w_ref, b_ref, out_ref, *, relu):
    h = (p0_ref[...] + p1_ref[...] + b_ref[...]
         + jnp.dot(x_ref[...], w_ref[...], preferred_element_type=jnp.float32))
    out_ref[...] = jnp.maximum(h, 0.0) if relu else h


def _comb_table_body(comp_ref, p0_ref, p1_ref, x_ref, w_ref, b_ref, v_ref,
                     t_ref, h_ref):
    h = (p0_ref[...] + p1_ref[...] + b_ref[...]
         + jnp.dot(x_ref[...], w_ref[...], preferred_element_type=jnp.float32))
    h = jnp.maximum(h, 0.0)
    h_ref[...] = h
    for r in range(R):
        w = (comp_ref[r, 0] * v_ref[0]
             + comp_ref[r, 1] * v_ref[1]
             + comp_ref[r, 2] * v_ref[2]
             + comp_ref[r, 3] * v_ref[3])
        t_ref[r] = jnp.dot(h, w, preferred_element_type=jnp.float32)


def _combine_and_table(p, x, wself, b, v, comp):
    t, h = pl.pallas_call(
        _comb_table_body,
        grid=(NB,),
        in_specs=[
            pl.BlockSpec(memory_space=pltpu.SMEM),
            pl.BlockSpec((BN, D), lambda i: (i, 0)),
            pl.BlockSpec((BN, D), lambda i: (NB + i, 0)),
            pl.BlockSpec((BN, D), lambda i: (i, 0)),
            pl.BlockSpec((D, D), lambda i: (0, 0)),
            pl.BlockSpec((1, D), lambda i: (0, 0)),
            pl.BlockSpec((B, D, D), lambda i: (0, 0, 0)),
        ],
        out_specs=[
            pl.BlockSpec((R, BN, D), lambda i: (0, i, 0)),
            pl.BlockSpec((BN, D), lambda i: (i, 0)),
        ],
        out_shape=[
            jax.ShapeDtypeStruct((R, NPAD, D), jnp.float32),
            jax.ShapeDtypeStruct((NPAD, D), jnp.float32),
        ],
    )(comp, p, p, x, wself, b.reshape(1, D), v)
    return t.reshape(R * NPAD, D), h


def _combine(p, x, wself, b, relu):
    return pl.pallas_call(
        functools.partial(_combine_body, relu=relu),
        grid=(NB,),
        in_specs=[
            pl.BlockSpec((BN, D), lambda i: (i, 0)),
            pl.BlockSpec((BN, D), lambda i: (NB + i, 0)),
            pl.BlockSpec((BN, D), lambda i: (i, 0)),
            pl.BlockSpec((D, D), lambda i: (0, 0)),
            pl.BlockSpec((1, D), lambda i: (0, 0)),
        ],
        out_specs=pl.BlockSpec((BN, D), lambda i: (i, 0)),
        out_shape=jax.ShapeDtypeStruct((NPAD, D), jnp.float32),
    )(p, p, x, wself, b.reshape(1, D))


def kernel(G, emb, etypes, V1, comp1, Wself1, b1, V2, comp2, Wself2, b2):
    src = G[0].astype(jnp.int32)
    dst = G[1].astype(jnp.int32)
    et = etypes.astype(jnp.int32)

    gidx = et * NPAD + src
    npad_e = EPAD - E
    pad_g = jnp.arange(npad_e, dtype=jnp.int32) % (R * NPAD)
    pad_d = N + jnp.arange(npad_e, dtype=jnp.int32) % (NACC - N)
    gidx = jnp.concatenate([gidx, pad_g])
    didx = jnp.concatenate([dst, pad_d])
    gidx = gidx.reshape(NW, K, C)
    didx = didx.reshape(NW, K, C)

    x0 = jnp.pad(emb, ((0, NPAD - N), (0, 0)))
    zeros = jnp.zeros((NPAD, D), jnp.float32)

    sc = _sc_edges_fn()
    table1 = _make_table(x0, V1, comp1)
    p1 = sc(table1, gidx, didx, zeros)
    table2, h1 = _combine_and_table(p1, x0, Wself1, b1, V2, comp2)
    p2 = sc(table2, gidx, didx, zeros)
    h2 = _combine(p2, h1, Wself2, b2, False)
    return h2[:N]

# --- scband reference (transcript-rebuilt; emitter-appended) ---
"""Pipeline reference for scband-rgcn-34780645163650 (READ-ONLY COPY).

The authoritative reference and input builder live on the scoring server;
editing this copy changes nothing except your own understanding.
"""

import jax, jax.numpy as jnp
import numpy as np

N = 10000
E = 320000
D = 128
R = 8
B = 4


def setup_inputs(seed: int = 0) -> dict:
    key = jax.random.key(seed)
    ks = jax.random.split(key, 12)
    emb = jax.random.normal(ks[0], (N, D), dtype=jnp.float32)
    G = jax.random.randint(ks[1], (2, E), 0, N, dtype=jnp.int64)
    etypes = jax.random.randint(ks[2], (E,), 0, R, dtype=jnp.int64)
    s = 1.0 / np.sqrt(D)
    # layer 1 params (basis regularizer)
    V1 = jax.random.normal(ks[3], (B, D, D), dtype=jnp.float32) * s
    comp1 = jax.random.normal(ks[4], (R, B), dtype=jnp.float32) * (1.0 / np.sqrt(B))
    Wself1 = jax.random.normal(ks[5], (D, D), dtype=jnp.float32) * s
    b1 = jnp.zeros((D,), dtype=jnp.float32)
    # layer 2 params
    V2 = jax.random.normal(ks[6], (B, D, D), dtype=jnp.float32) * s
    comp2 = jax.random.normal(ks[7], (R, B), dtype=jnp.float32) * (1.0 / np.sqrt(B))
    Wself2 = jax.random.normal(ks[8], (D, D), dtype=jnp.float32) * s
    b2 = jnp.zeros((D,), dtype=jnp.float32)
    return {"G": G, "emb": emb, "etypes": etypes,
            "V1": V1, "comp1": comp1, "Wself1": Wself1, "b1": b1,
            "V2": V2, "comp2": comp2, "Wself2": Wself2, "b2": b2}


def _rel_graph_conv(x, src, dst, etypes, V, comp, W_self, bias, use_relu):
    # basis-decomposed relation weights: W_r = sum_b comp[r,b] * V[b]
    W = jnp.einsum('rb,bio->rio', comp, V)            # [R, in, out]
    xW = jnp.einsum('ni,rio->rno', x, W)              # [R, N, out]
    msg = xW[etypes, src]                             # gather per-edge messages [E, out]
    agg = jax.ops.segment_sum(msg, dst, num_segments=x.shape[0])
    h = agg + x @ W_self + bias                       # self-loop + bias
    if use_relu:
        h = jax.nn.relu(h)
    return h


def reference(G, emb, etypes, V1, comp1, Wself1, b1, V2, comp2, Wself2, b2):
    src = G[0]
    dst = G[1]
    h = _rel_graph_conv(emb, src, dst, etypes, V1, comp1, Wself1, b1, True)
    h = _rel_graph_conv(h, src, dst, etypes, V2, comp2, Wself2, b2, False)
    return h

if __name__ == "__main__":
    import jax
    _d = setup_inputs()
    print(jax.jit(kernel)(*tuple(_d.values())))

</pallas_src>

<mosaic_0001>
#map = affine_map<(d0, d1) -> (0, 0)>
#map1 = affine_map<(d0, d1) -> (0, 0, 0)>
module attributes {stable_mosaic.version = 14 : i64} {
  func.func @_sc_edges(%arg0: i32, %arg1: i32, %arg2: memref<81920x128xf32, #tpu.memory_space<hbm>>, %arg3: memref<32x108x96xi32, #tpu.memory_space<hbm>>, %arg4: memref<32x108x96xi32, #tpu.memory_space<hbm>>, %arg5: memref<10240x128xf32, #tpu.memory_space<hbm>>, %arg6: memref<20480x128xf32, #tpu.memory_space<hbm>>, %arg7: memref<96x128xf32, #tpu.memory_space<vmem>>, %arg8: memref<96x128xf32, #tpu.memory_space<vmem>>, %arg9: memref<96x128xf32, #tpu.memory_space<vmem>>, %arg10: memref<96xi32, #tpu.memory_space<vmem>>, %arg11: memref<96xi32, #tpu.memory_space<vmem>>, %arg12: memref<96xi32, #tpu.memory_space<vmem>>, %arg13: memref<96xi32, #tpu.memory_space<vmem>>, %arg14: memref<96xi32, #tpu.memory_space<vmem>>, %arg15: memref<96xi32, #tpu.memory_space<vmem>>, %arg16: memref<96xi32, #tpu.memory_space<vmem>>, %arg17: memref<96xi32, #tpu.memory_space<vmem>>, %arg18: memref<96xi32, #tpu.memory_space<vmem>>, %arg19: memref<96xi32, #tpu.memory_space<vmem>>, %arg20: memref<96xi32, #tpu.memory_space<vmem>>, %arg21: memref<96xi32, #tpu.memory_space<vmem>>, %arg22: memref<10112x128xf32, #tpu.memory_space<vmem_shared>>, %arg23: memref<!tpu.dma_semaphore, #tpu.memory_space<semaphore_mem>>, %arg24: memref<!tpu.dma_semaphore, #tpu.memory_space<semaphore_mem>>, %arg25: memref<!tpu.dma_semaphore, #tpu.memory_space<semaphore_mem>>, %arg26: memref<!tpu.dma_semaphore, #tpu.memory_space<semaphore_mem>>, %arg27: memref<!tpu.dma_semaphore, #tpu.memory_space<semaphore_mem>>, %arg28: memref<!tpu.dma_semaphore, #tpu.memory_space<semaphore_mem>>, %arg29: memref<!tpu.dma_semaphore, #tpu.memory_space<semaphore_mem>>, %arg30: memref<!tpu.dma_semaphore, #tpu.memory_space<semaphore_mem>>, %arg31: memref<!tpu.dma_semaphore, #tpu.memory_space<semaphore_mem>>, %arg32: memref<!tpu.dma_semaphore, #tpu.memory_space<semaphore_mem>>, %arg33: memref<!tpu.dma_semaphore, #tpu.memory_space<semaphore_mem>>, %arg34: memref<!tpu.dma_semaphore, #tpu.memory_space<semaphore_mem>>, %arg35: memref<!tpu.dma_semaphore, #tpu.memory_space<semaphore_mem>>, %arg36: memref<!tpu.dma_semaphore, #tpu.memory_space<semaphore_mem>>, %arg37: memref<!tpu.dma_semaphore, #tpu.memory_space<semaphore_mem>>) attributes {dimension_semantics = [#tpu.dimension_semantics<core_parallel>, #tpu.dimension_semantics<subcore_parallel>], iteration_bounds = array<i64: 2, 16>, scalar_prefetch = 0 : i64, scratch_operands = 31 : i64, tpu.core_type = #tpu.core_type<sc_vector_subcore>, window_params = [{transform_indices = #map}, {transform_indices = #map1}, {transform_indices = #map1}, {transform_indices = #map}, {transform_indices = #map}]} {
    %mul3A = arith.constant 16 : i32
    %mul3A_0 = arith.muli %arg0, %mul3A : i32
    %add3A = arith.addi %mul3A_0, %arg1 : i32
    %mul3A_1 = arith.constant 632 : i32
    %mul3A_2 = arith.muli %arg1, %mul3A_1 : i32
    %mul3A_3 = arith.constant 632 : i32
    %mul3A_4 = arith.muli %arg1, %mul3A_3 : i32
    "tpu.region"() ({
      %run_scoped3A = tpu.sem_alloc : memref<!tpu.dma_semaphore, #tpu.memory_space<semaphore_mem>>
      %dma_start3A_130 = arith.constant 0 : i32
      %dma_start3A_131 = tpu.memref_slice %arg22[%mul3A_4, %dma_start3A_130] : memref<10112x128xf32, #tpu.memory_space<vmem_shared>> -> memref<632x128xf32, #tpu.memory_space<vmem_shared>>
      %dma_start3A_132 = arith.constant 0 : i32
      %dma_start3A_133 = tpu.memref_slice %arg5[%mul3A_2, %dma_start3A_132] : memref<10240x128xf32, #tpu.memory_space<hbm>> -> memref<632x128xf32, #tpu.memory_space<hbm>>
      tpu.enqueue_dma source(%dma_start3A_133 : memref<632x128xf32, #tpu.memory_space<hbm>>) target(%dma_start3A_131 : memref<632x128xf32, #tpu.memory_space<vmem_shared>>) target_semaphore(%run_scoped3A : memref<!tpu.dma_semaphore, #tpu.memory_space<semaphore_mem>>)
      %dma_wait3A_134 = arith.constant 0 : i32
      %dma_wait3A_135 = tpu.memref_slice %arg22[%mul3A_4, %dma_wait3A_134] : memref<10112x128xf32, #tpu.memory_space<vmem_shared>> -> memref<632x128xf32, #tpu.memory_space<vmem_shared>>
      %dma_wait3A_136 = arith.constant 0 : i32
      %dma_wait3A_137 = tpu.memref_slice %arg5[%mul3A_2, %dma_wait3A_136] : memref<10240x128xf32, #tpu.memory_space<hbm>> -> memref<632x128xf32, #tpu.memory_space<hbm>>
      tpu.wait_dma2 semaphore(%run_scoped3A : memref<!tpu.dma_semaphore, #tpu.memory_space<semaphore_mem>>) src(%dma_wait3A_137 : memref<632x128xf32, #tpu.memory_space<hbm>>) dst(%dma_wait3A_135 : memref<632x128xf32, #tpu.memory_space<vmem_shared>>)
      tpu.yield
    }) : () -> ()
    %barrier3A = arith.constant 0 : index
    tpu.barrier barrier_id(%barrier3A)
    %dma_start3A = arith.constant 0 : i32
    %dma_start3A_5 = arith.constant 0 : i32
    %dma_start3A_6 = tpu.memref_slice %arg3[%add3A, %dma_start3A, %dma_start3A_5] : memref<32x108x96xi32, #tpu.memory_space<hbm>> -> memref<1x1x96xi32, #tpu.memory_space<hbm>>
    %dma_start3A_7 = tpu.memref_squeeze %dma_start3A_6 : memref<1x1x96xi32, #tpu.memory_space<hbm>> -> memref<96xi32, #tpu.memory_space<hbm>>
    %dma_start3A_8 = arith.constant 0 : i32
    %dma_start3A_9 = tpu.memref_slice %arg3[%add3A, %dma_start3A, %dma_start3A_8] : memref<32x108x96xi32, #tpu.memory_space<hbm>> -> memref<1x1x96xi32, #tpu.memory_space<hbm>>
    %dma_start3A_10 = tpu.memref_squeeze %dma_start3A_9 : memref<1x1x96xi32, #tpu.memory_space<hbm>> -> memref<96xi32, #tpu.memory_space<hbm>>
    tpu.enqueue_dma source(%dma_start3A_10 : memref<96xi32, #tpu.memory_space<hbm>>) target(%arg10 : memref<96xi32, #tpu.memory_space<vmem>>) target_semaphore(%arg26 : memref<!tpu.dma_semaphore, #tpu.memory_space<semaphore_mem>>)
    %dma_start3A_11 = arith.constant 0 : i32
    %dma_start3A_12 = arith.constant 0 : i32
    %dma_start3A_13 = tpu.memref_slice %arg4[%add3A, %dma_start3A_11, %dma_start3A_12] : memref<32x108x96xi32, #tpu.memory_space<hbm>> -> memref<1x1x96xi32, #tpu.memory_space<hbm>>
    %dma_start3A_14 = tpu.memref_squeeze %dma_start3A_13 : memref<1x1x96xi32, #tpu.memory_space<hbm>> -> memref<96xi32, #tpu.memory_space<hbm>>
    %dma_start3A_15 = arith.constant 0 : i32
    %dma_start3A_16 = tpu.memref_slice %arg4[%add3A, %dma_start3A_11, %dma_start3A_15] : memref<32x108x96xi32, #tpu.memory_space<hbm>> -> memref<1x1x96xi32, #tpu.memory_space<hbm>>
    %dma_start3A_17 = tpu.memref_squeeze %dma_start3A_16 : memref<1x1x96xi32, #tpu.memory_space<hbm>> -> memref<96xi32, #tpu.memory_space<hbm>>
    tpu.enqueue_dma source(%dma_start3A_17 : memref<96xi32, #tpu.memory_space<hbm>>) target(%arg16 : memref<96xi32, #tpu.memory_space<vmem>>) target_semaphore(%arg32 : memref<!tpu.dma_semaphore, #tpu.memory_space<semaphore_mem>>)
    %dma_start3A_18 = arith.constant 1 : i32
    %dma_start3A_19 = arith.constant 0 : i32
    %dma_start3A_20 = tpu.memref_slice %arg3[%add3A, %dma_start3A_18, %dma_start3A_19] : memref<32x108x96xi32, #tpu.memory_space<hbm>> -> memref<1x1x96xi32, #tpu.memory_space<hbm>>
    %dma_start3A_21 = tpu.memref_squeeze %dma_start3A_20 : memref<1x1x96xi32, #tpu.memory_space<hbm>> -> memref<96xi32, #tpu.memory_space<hbm>>
    %dma_start3A_22 = arith.constant 0 : i32
    %dma_start3A_23 = tpu.memref_slice %arg3[%add3A, %dma_start3A_18, %dma_start3A_22] : memref<32x108x96xi32, #tpu.memory_space<hbm>> -> memref<1x1x96xi32, #tpu.memory_space<hbm>>
    %dma_start3A_24 = tpu.memref_squeeze %dma_start3A_23 : memref<1x1x96xi32, #tpu.memory_space<hbm>> -> memref<96xi32, #tpu.memory_space<hbm>>
    tpu.enqueue_dma source(%dma_start3A_24 : memref<96xi32, #tpu.memory_space<hbm>>) target(%arg12 : memref<96xi32, #tpu.memory_space<vmem>>) target_semaphore(%arg28 : memref<!tpu.dma_semaphore, #tpu.memory_space<semaphore_mem>>)
    %dma_start3A_25 = arith.constant 1 : i32
    %dma_start3A_26 = arith.constant 0 : i32
    %dma_start3A_27 = tpu.memref_slice %arg4[%add3A, %dma_start3A_25, %dma_start3A_26] : memref<32x108x96xi32, #tpu.memory_space<hbm>> -> memref<1x1x96xi32, #tpu.memory_space<hbm>>
    %dma_start3A_28 = tpu.memref_squeeze %dma_start3A_27 : memref<1x1x96xi32, #tpu.memory_space<hbm>> -> memref<96xi32, #tpu.memory_space<hbm>>
    %dma_start3A_29 = arith.constant 0 : i32
    %dma_start3A_30 = tpu.memref_slice %arg4[%add3A, %dma_start3A_25, %dma_start3A_29] : memref<32x108x96xi32, #tpu.memory_space<hbm>> -> memref<1x1x96xi32, #tpu.memory_space<hbm>>
    %dma_start3A_31 = tpu.memref_squeeze %dma_start3A_30 : memref<1x1x96xi32, #tpu.memory_space<hbm>> -> memref<96xi32, #tpu.memory_space<hbm>>
    tpu.enqueue_dma source(%dma_start3A_31 : memref<96xi32, #tpu.memory_space<hbm>>) target(%arg18 : memref<96xi32, #tpu.memory_space<vmem>>) target_semaphore(%arg34 : memref<!tpu.dma_semaphore, #tpu.memory_space<semaphore_mem>>)
    %dma_start3A_32 = arith.constant 2 : i32
    %dma_start3A_33 = arith.constant 0 : i32
    %dma_start3A_34 = tpu.memref_slice %arg3[%add3A, %dma_start3A_32, %dma_start3A_33] : memref<32x108x96xi32, #tpu.memory_space<hbm>> -> memref<1x1x96xi32, #tpu.memory_space<hbm>>
    %dma_start3A_35 = tpu.memref_squeeze %dma_start3A_34 : memref<1x1x96xi32, #tpu.memory_space<hbm>> -> memref<96xi32, #tpu.memory_space<hbm>>
    %dma_start3A_36 = arith.constant 0 : i32
    %dma_start3A_37 = tpu.memref_slice %arg3[%add3A, %dma_start3A_32, %dma_start3A_36] : memref<32x108x96xi32, #tpu.memory_space<hbm>> -> memref<1x1x96xi32, #tpu.memory_space<hbm>>
    %dma_start3A_38 = tpu.memref_squeeze %dma_start3A_37 : memref<1x1x96xi32, #tpu.memory_space<hbm>> -> memref<96xi32, #tpu.memory_space<hbm>>
    tpu.enqueue_dma source(%dma_start3A_38 : memref<96xi32, #tpu.memory_space<hbm>>) target(%arg14 : memref<96xi32, #tpu.memory_space<vmem>>) target_semaphore(%arg30 : memref<!tpu.dma_semaphore, #tpu.memory_space<semaphore_mem>>)
    %dma_start3A_39 = arith.constant 2 : i32
    %dma_start3A_40 = arith.constant 0 : i32
    %dma_start3A_41 = tpu.memref_slice %arg4[%add3A, %dma_start3A_39, %dma_start3A_40] : memref<32x108x96xi32, #tpu.memory_space<hbm>> -> memref<1x1x96xi32, #tpu.memory_space<hbm>>
    %dma_start3A_42 = tpu.memref_squeeze %dma_start3A_41 : memref<1x1x96xi32, #tpu.memory_space<hbm>> -> memref<96xi32, #tpu.memory_space<hbm>>
    %dma_start3A_43 = arith.constant 0 : i32
    %dma_start3A_44 = tpu.memref_slice %arg4[%add3A, %dma_start3A_39, %dma_start3A_43] : memref<32x108x96xi32, #tpu.memory_space<hbm>> -> memref<1x1x96xi32, #tpu.memory_space<hbm>>
    %dma_start3A_45 = tpu.memref_squeeze %dma_start3A_44 : memref<1x1x96xi32, #tpu.memory_space<hbm>> -> memref<96xi32, #tpu.memory_space<hbm>>
    tpu.enqueue_dma source(%dma_start3A_45 : memref<96xi32, #tpu.memory_space<hbm>>) target(%arg20 : memref<96xi32, #tpu.memory_space<vmem>>) target_semaphore(%arg36 : memref<!tpu.dma_semaphore, #tpu.memory_space<semaphore_mem>>)
    %dma_start3A_46 = arith.constant 3 : i32
    %dma_start3A_47 = arith.constant 0 : i32
    %dma_start3A_48 = tpu.memref_slice %arg3[%add3A, %dma_start3A_46, %dma_start3A_47] : memref<32x108x96xi32, #tpu.memory_space<hbm>> -> memref<1x1x96xi32, #tpu.memory_space<hbm>>
    %dma_start3A_49 = tpu.memref_squeeze %dma_start3A_48 : memref<1x1x96xi32, #tpu.memory_space<hbm>> -> memref<96xi32, #tpu.memory_space<hbm>>
    %dma_start3A_50 = arith.constant 0 : i32
    %dma_start3A_51 = tpu.memref_slice %arg3[%add3A, %dma_start3A_46, %dma_start3A_50] : memref<32x108x96xi32, #tpu.memory_space<hbm>> -> memref<1x1x96xi32, #tpu.memory_space<hbm>>
    %dma_start3A_52 = tpu.memref_squeeze %dma_start3A_51 : memref<1x1x96xi32, #tpu.memory_space<hbm>> -> memref<96xi32, #tpu.memory_space<hbm>>
    tpu.enqueue_dma source(%dma_start3A_52 : memref<96xi32, #tpu.memory_space<hbm>>) target(%arg11 : memref<96xi32, #tpu.memory_space<vmem>>) target_semaphore(%arg27 : memref<!tpu.dma_semaphore, #tpu.memory_space<semaphore_mem>>)
    %dma_start3A_53 = arith.constant 3 : i32
    %dma_start3A_54 = arith.constant 0 : i32
    %dma_start3A_55 = tpu.memref_slice %arg4[%add3A, %dma_start3A_53, %dma_start3A_54] : memref<32x108x96xi32, #tpu.memory_space<hbm>> -> memref<1x1x96xi32, #tpu.memory_space<hbm>>
    %dma_start3A_56 = tpu.memref_squeeze %dma_start3A_55 : memref<1x1x96xi32, #tpu.memory_space<hbm>> -> memref<96xi32, #tpu.memory_space<hbm>>
    %dma_start3A_57 = arith.constant 0 : i32
    %dma_start3A_58 = tpu.memref_slice %arg4[%add3A, %dma_start3A_53, %dma_start3A_57] : memref<32x108x96xi32, #tpu.memory_space<hbm>> -> memref<1x1x96xi32, #tpu.memory_space<hbm>>
    %dma_start3A_59 = tpu.memref_squeeze %dma_start3A_58 : memref<1x1x96xi32, #tpu.memory_space<hbm>> -> memref<96xi32, #tpu.memory_space<hbm>>
    tpu.enqueue_dma source(%dma_start3A_59 : memref<96xi32, #tpu.memory_space<hbm>>) target(%arg17 : memref<96xi32, #tpu.memory_space<vmem>>) target_semaphore(%arg33 : memref<!tpu.dma_semaphore, #tpu.memory_space<semaphore_mem>>)
    %dma_start3A_60 = arith.constant 4 : i32
    %dma_start3A_61 = arith.constant 0 : i32
    %dma_start3A_62 = tpu.memref_slice %arg3[%add3A, %dma_start3A_60, %dma_start3A_61] : memref<32x108x96xi32, #tpu.memory_space<hbm>> -> memref<1x1x96xi32, #tpu.memory_space<hbm>>
    %dma_start3A_63 = tpu.memref_squeeze %dma_start3A_62 : memref<1x1x96xi32, #tpu.memory_space<hbm>> -> memref<96xi32, #tpu.memory_space<hbm>>
    %dma_start3A_64 = arith.constant 0 : i32
    %dma_start3A_65 = tpu.memref_slice %arg3[%add3A, %dma_start3A_60, %dma_start3A_64] : memref<32x108x96xi32, #tpu.memory_space<hbm>> -> memref<1x1x96xi32, #tpu.memory_space<hbm>>
    %dma_start3A_66 = tpu.memref_squeeze %dma_start3A_65 : memref<1x1x96xi32, #tpu.memory_space<hbm>> -> memref<96xi32, #tpu.memory_space<hbm>>
    tpu.enqueue_dma source(%dma_start3A_66 : memref<96xi32, #tpu.memory_space<hbm>>) target(%arg13 : memref<96xi32, #tpu.memory_space<vmem>>) target_semaphore(%arg29 : memref<!tpu.dma_semaphore, #tpu.memory_space<semaphore_mem>>)
    %dma_start3A_67 = arith.constant 4 : i32
    %dma_start3A_68 = arith.constant 0 : i32
    %dma_start3A_69 = tpu.memref_slice %arg4[%add3A, %dma_start3A_67, %dma_start3A_68] : memref<32x108x96xi32, #tpu.memory_space<hbm>> -> memref<1x1x96xi32, #tpu.memory_space<hbm>>
    %dma_start3A_70 = tpu.memref_squeeze %dma_start3A_69 : memref<1x1x96xi32, #tpu.memory_space<hbm>> -> memref<96xi32, #tpu.memory_space<hbm>>
    %dma_start3A_71 = arith.constant 0 : i32
    %dma_start3A_72 = tpu.memref_slice %arg4[%add3A, %dma_start3A_67, %dma_start3A_71] : memref<32x108x96xi32, #tpu.memory_space<hbm>> -> memref<1x1x96xi32, #tpu.memory_space<hbm>>
    %dma_start3A_73 = tpu.memref_squeeze %dma_start3A_72 : memref<1x1x96xi32, #tpu.memory_space<hbm>> -> memref<96xi32, #tpu.memory_space<hbm>>
    tpu.enqueue_dma source(%dma_start3A_73 : memref<96xi32, #tpu.memory_space<hbm>>) target(%arg19 : memref<96xi32, #tpu.memory_space<vmem>>) target_semaphore(%arg35 : memref<!tpu.dma_semaphore, #tpu.memory_space<semaphore_mem>>)
    %dma_start3A_74 = arith.constant 5 : i32
    %dma_start3A_75 = arith.constant 0 : i32
    %dma_start3A_76 = tpu.memref_slice %arg3[%add3A, %dma_start3A_74, %dma_start3A_75] : memref<32x108x96xi32, #tpu.memory_space<hbm>> -> memref<1x1x96xi32, #tpu.memory_space<hbm>>
    %dma_start3A_77 = tpu.memref_squeeze %dma_start3A_76 : memref<1x1x96xi32, #tpu.memory_space<hbm>> -> memref<96xi32, #tpu.memory_space<hbm>>
    %dma_start3A_78 = arith.constant 0 : i32
    %dma_start3A_79 = tpu.memref_slice %arg3[%add3A, %dma_start3A_74, %dma_start3A_78] : memref<32x108x96xi32, #tpu.memory_space<hbm>> -> memref<1x1x96xi32, #tpu.memory_space<hbm>>
    %dma_start3A_80 = tpu.memref_squeeze %dma_start3A_79 : memref<1x1x96xi32, #tpu.memory_space<hbm>> -> memref<96xi32, #tpu.memory_space<hbm>>
    tpu.enqueue_dma source(%dma_start3A_80 : memref<96xi32, #tpu.memory_space<hbm>>) target(%arg15 : memref<96xi32, #tpu.memory_space<vmem>>) target_semaphore(%arg31 : memref<!tpu.dma_semaphore, #tpu.memory_space<semaphore_mem>>)
    %dma_start3A_81 = arith.constant 5 : i32
    %dma_start3A_82 = arith.constant 0 : i32
    %dma_start3A_83 = tpu.memref_slice %arg4[%add3A, %dma_start3A_81, %dma_start3A_82] : memref<32x108x96xi32, #tpu.memory_space<hbm>> -> memref<1x1x96xi32, #tpu.memory_space<hbm>>
    %dma_start3A_84 = tpu.memref_squeeze %dma_start3A_83 : memref<1x1x96xi32, #tpu.memory_space<hbm>> -> memref<96xi32, #tpu.memory_space<hbm>>
    %dma_start3A_85 = arith.constant 0 : i32
    %dma_start3A_86 = tpu.memref_slice %arg4[%add3A, %dma_start3A_81, %dma_start3A_85] : memref<32x108x96xi32, #tpu.memory_space<hbm>> -> memref<1x1x96xi32, #tpu.memory_space<hbm>>
    %dma_start3A_87 = tpu.memref_squeeze %dma_start3A_86 : memref<1x1x96xi32, #tpu.memory_space<hbm>> -> memref<96xi32, #tpu.memory_space<hbm>>
    tpu.enqueue_dma source(%dma_start3A_87 : memref<96xi32, #tpu.memory_space<hbm>>) target(%arg21 : memref<96xi32, #tpu.memory_space<vmem>>) target_semaphore(%arg37 : memref<!tpu.dma_semaphore, #tpu.memory_space<semaphore_mem>>)
    %dma_wait3A = arith.constant 0 : i32
    %dma_wait3A_88 = arith.constant 0 : i32
    %dma_wait3A_89 = tpu.memref_slice %arg3[%add3A, %dma_wait3A, %dma_wait3A_88] : memref<32x108x96xi32, #tpu.memory_space<hbm>> -> memref<1x1x96xi32, #tpu.memory_space<hbm>>
    %dma_wait3A_90 = tpu.memref_squeeze %dma_wait3A_89 : memref<1x1x96xi32, #tpu.memory_space<hbm>> -> memref<96xi32, #tpu.memory_space<hbm>>
    %dma_wait3A_91 = arith.constant 0 : i32
    %dma_wait3A_92 = tpu.memref_slice %arg3[%add3A, %dma_wait3A, %dma_wait3A_91] : memref<32x108x96xi32, #tpu.memory_space<hbm>> -> memref<1x1x96xi32, #tpu.memory_space<hbm>>
    %dma_wait3A_93 = tpu.memref_squeeze %dma_wait3A_92 : memref<1x1x96xi32, #tpu.memory_space<hbm>> -> memref<96xi32, #tpu.memory_space<hbm>>
    tpu.wait_dma2 semaphore(%arg26 : memref<!tpu.dma_semaphore, #tpu.memory_space<semaphore_mem>>) src(%dma_wait3A_93 : memref<96xi32, #tpu.memory_space<hbm>>) dst(%arg10 : memref<96xi32, #tpu.memory_space<vmem>>)
    %dma_start3A_94 = arith.constant 0 : i32
    %dma_start3A_95 = arith.constant 0 : i32
    %dma_start3A_96 = tpu.memref_slice %arg2[%dma_start3A_94, %dma_start3A_95] : memref<81920x128xf32, #tpu.memory_space<hbm>> -> memref<81920x128xf32, #tpu.memory_space<hbm>>
    tpu.enqueue_indirect_dma source(%dma_start3A_96 : memref<81920x128xf32, #tpu.memory_space<hbm>>) target(%arg7 : memref<96x128xf32, #tpu.memory_space<vmem>>) offsets(%arg10 : memref<96xi32, #tpu.memory_space<vmem>>) semaphore(%arg23 : memref<!tpu.dma_semaphore, #tpu.memory_space<semaphore_mem>>)
    %dma_wait3A_97 = arith.constant 1 : i32
    %dma_wait3A_98 = arith.constant 0 : i32
    %dma_wait3A_99 = tpu.memref_slice %arg3[%add3A, %dma_wait3A_97, %dma_wait3A_98] : memref<32x108x96xi32, #tpu.memory_space<hbm>> -> memref<1x1x96xi32, #tpu.memory_space<hbm>>
    %dma_wait3A_100 = tpu.memref_squeeze %dma_wait3A_99 : memref<1x1x96xi32, #tpu.memory_space<hbm>> -> memref<96xi32, #tpu.memory_space<hbm>>
    %dma_wait3A_101 = arith.constant 0 : i32
    %dma_wait3A_102 = tpu.memref_slice %arg3[%add3A, %dma_wait3A_97, %dma_wait3A_101] : memref<32x108x96xi32, #tpu.memory_space<hbm>> -> memref<1x1x96xi32, #tpu.memory_space<hbm>>
    %dma_wait3A_103 = tpu.memref_squeeze %dma_wait3A_102 : memref<1x1x96xi32, #tpu.memory_space<hbm>> -> memref<96xi32, #tpu.memory_space<hbm>>
    tpu.wait_dma2 semaphore(%arg28 : memref<!tpu.dma_semaphore, #tpu.memory_space<semaphore_mem>>) src(%dma_wait3A_103 : memref<96xi32, #tpu.memory_space<hbm>>) dst(%arg12 : memref<96xi32, #tpu.memory_space<vmem>>)
    %dma_start3A_104 = arith.constant 0 : i32
    %dma_start3A_105 = arith.constant 0 : i32
    %dma_start3A_106 = tpu.memref_slice %arg2[%dma_start3A_104, %dma_start3A_105] : memref<81920x128xf32, #tpu.memory_space<hbm>> -> memref<81920x128xf32, #tpu.memory_space<hbm>>
    tpu.enqueue_indirect_dma source(%dma_start3A_106 : memref<81920x128xf32, #tpu.memory_space<hbm>>) target(%arg8 : memref<96x128xf32, #tpu.memory_space<vmem>>) offsets(%arg12 : memref<96xi32, #tpu.memory_space<vmem>>) semaphore(%arg24 : memref<!tpu.dma_semaphore, #tpu.memory_space<semaphore_mem>>)
    %dma_wait3A_107 = arith.constant 2 : i32
    %dma_wait3A_108 = arith.constant 0 : i32
    %dma_wait3A_109 = tpu.memref_slice %arg3[%add3A, %dma_wait3A_107, %dma_wait3A_108] : memref<32x108x96xi32, #tpu.memory_space<hbm>> -> memref<1x1x96xi32, #tpu.memory_space<hbm>>
    %dma_wait3A_110 = tpu.memref_squeeze %dma_wait3A_109 : memref<1x1x96xi32, #tpu.memory_space<hbm>> -> memref<96xi32, #tpu.memory_space<hbm>>
    %dma_wait3A_111 = arith.constant 0 : i32
    %dma_wait3A_112 = tpu.memref_slice %arg3[%add3A, %dma_wait3A_107, %dma_wait3A_111] : memref<32x108x96xi32, #tpu.memory_space<hbm>> -> memref<1x1x96xi32, #tpu.memory_space<hbm>>
    %dma_wait3A_113 = tpu.memref_squeeze %dma_wait3A_112 : memref<1x1x96xi32, #tpu.memory_space<hbm>> -> memref<96xi32, #tpu.memory_space<hbm>>
    tpu.wait_dma2 semaphore(%arg30 : memref<!tpu.dma_semaphore, #tpu.memory_space<semaphore_mem>>) src(%dma_wait3A_113 : memref<96xi32, #tpu.memory_space<hbm>>) dst(%arg14 : memref<96xi32, #tpu.memory_space<vmem>>)
    %dma_start3A_114 = arith.constant 0 : i32
    %dma_start3A_115 = arith.constant 0 : i32
    %dma_start3A_116 = tpu.memref_slice %arg2[%dma_start3A_114, %dma_start3A_115] : memref<81920x128xf32, #tpu.memory_space<hbm>> -> memref<81920x128xf32, #tpu.memory_space<hbm>>
    tpu.enqueue_indirect_dma source(%dma_start3A_116 : memref<81920x128xf32, #tpu.memory_space<hbm>>) target(%arg9 : memref<96x128xf32, #tpu.memory_space<vmem>>) offsets(%arg14 : memref<96xi32, #tpu.memory_space<vmem>>) semaphore(%arg25 : memref<!tpu.dma_semaphore, #tpu.memory_space<semaphore_mem>>)
    %scan3A = arith.constant 0 : i32
    %scan3A_117 = arith.constant 0 : i32
    %scan3A_118 = arith.constant 18 : i32
    %scan3A_119 = arith.addi %scan3A_117, %scan3A_118 : i32
    %scan3A_120 = arith.constant 1 : i32
    scf.for %scan3A_130 = %scan3A_117 to %scan3A_119 step %scan3A_120  : i32 {
      %mul3A_131 = arith.constant 2 : i32
      %mul3A_132 = arith.muli %mul3A_131, %scan3A_130 : i32
      %mul3A_133 = arith.constant 3 : i32
      %mul3A_134 = arith.muli %mul3A_133, %mul3A_132 : i32
      %add3A_135 = arith.constant 0 : i32
      %add3A_136 = arith.addi %mul3A_134, %add3A_135 : i32
      %dma_wait3A_137 = arith.constant 0 : i32
      %dma_wait3A_138 = arith.constant 0 : i32
      %dma_wait3A_139 = tpu.memref_slice %arg2[%dma_wait3A_137, %dma_wait3A_138] : memref<81920x128xf32, #tpu.memory_space<hbm>> -> memref<81920x128xf32, #tpu.memory_space<hbm>>
      tpu.wait_indirect_dma semaphore(%arg23 : memref<!tpu.dma_semaphore, #tpu.memory_space<semaphore_mem>>) src(%dma_wait3A_139 : memref<81920x128xf32, #tpu.memory_space<hbm>>) dst(%arg7 : memref<96x128xf32, #tpu.memory_space<vmem>>)
      %dma_wait3A_140 = arith.constant 0 : i32
      %dma_wait3A_141 = tpu.memref_slice %arg4[%add3A, %add3A_136, %dma_wait3A_140] : memref<32x108x96xi32, #tpu.memory_space<hbm>> -> memref<1x1x96xi32, #tpu.memory_space<hbm>>
      %dma_wait3A_142 = tpu.memref_squeeze %dma_wait3A_141 : memref<1x1x96xi32, #tpu.memory_space<hbm>> -> memref<96xi32, #tpu.memory_space<hbm>>
      %dma_wait3A_143 = arith.constant 0 : i32
      %dma_wait3A_144 = tpu.memref_slice %arg4[%add3A, %add3A_136, %dma_wait3A_143] : memref<32x108x96xi32, #tpu.memory_space<hbm>> -> memref<1x1x96xi32, #tpu.memory_space<hbm>>
      %dma_wait3A_145 = tpu.memref_squeeze %dma_wait3A_144 : memref<1x1x96xi32, #tpu.memory_space<hbm>> -> memref<96xi32, #tpu.memory_space<hbm>>
      tpu.wait_dma2 semaphore(%arg32 : memref<!tpu.dma_semaphore, #tpu.memory_space<semaphore_mem>>) src(%dma_wait3A_145 : memref<96xi32, #tpu.memory_space<hbm>>) dst(%arg16 : memref<96xi32, #tpu.memory_space<vmem>>)
      "tpu.region"() ({
        %run_scoped3A = tpu.sem_alloc : memref<!tpu.dma_semaphore, #tpu.memory_space<semaphore_mem>>
        %dma_start3A_298 = arith.constant 0 : i32
        %dma_start3A_299 = arith.constant 0 : i32
        %dma_start3A_300 = tpu.memref_slice %arg22[%dma_start3A_298, %dma_start3A_299] : memref<10112x128xf32, #tpu.memory_space<vmem_shared>> -> memref<10112x128xf32, #tpu.memory_space<vmem_shared>>
        tpu.enqueue_indirect_dma source(%arg7 : memref<96x128xf32, #tpu.memory_space<vmem>>) target(%dma_start3A_300 : memref<10112x128xf32, #tpu.memory_space<vmem_shared>>) offsets(%arg16 : memref<96xi32, #tpu.memory_space<vmem>>) semaphore(%run_scoped3A : memref<!tpu.dma_semaphore, #tpu.memory_space<semaphore_mem>>) {add = true}
        %dma_wait3A_301 = arith.constant 0 : i32
        %dma_wait3A_302 = arith.constant 0 : i32
        %dma_wait3A_303 = tpu.memref_slice %arg22[%dma_wait3A_301, %dma_wait3A_302] : memref<10112x128xf32, #tpu.memory_space<vmem_shared>> -> memref<10112x128xf32, #tpu.memory_space<vmem_shared>>
        tpu.wait_indirect_dma semaphore(%run_scoped3A : memref<!tpu.dma_semaphore, #tpu.memory_space<semaphore_mem>>) src(%arg7 : memref<96x128xf32, #tpu.memory_space<vmem>>) dst(%dma_wait3A_303 : memref<10112x128xf32, #tpu.memory_space<vmem_shared>>)
        tpu.yield
      }) : () -> ()
      %add3A_146 = arith.constant 3 : i32
      %add3A_147 = arith.addi %add3A_136, %add3A_146 : i32
      %lt3A = arith.constant 108 : i32
      %lt3A_148 = arith.cmpi slt, %add3A_147, %lt3A : i32
      %convert_element_type3A = arith.extui %lt3A_148 : i1 to i32
      %cond3A = arith.constant 0 : i32
      %cond3A_149 = arith.cmpi ne, %convert_element_type3A, %cond3A : i32
      scf.if %cond3A_149 {
        %dma_wait3A_298 = arith.constant 0 : i32
        %dma_wait3A_299 = tpu.memref_slice %arg3[%add3A, %add3A_147, %dma_wait3A_298] : memref<32x108x96xi32, #tpu.memory_space<hbm>> -> memref<1x1x96xi32, #tpu.memory_space<hbm>>
        %dma_wait3A_300 = tpu.memref_squeeze %dma_wait3A_299 : memref<1x1x96xi32, #tpu.memory_space<hbm>> -> memref<96xi32, #tpu.memory_space<hbm>>
        %dma_wait3A_301 = arith.constant 0 : i32
        %dma_wait3A_302 = tpu.memref_slice %arg3[%add3A, %add3A_147, %dma_wait3A_301] : memref<32x108x96xi32, #tpu.memory_space<hbm>> -> memref<1x1x96xi32, #tpu.memory_space<hbm>>
        %dma_wait3A_303 = tpu.memref_squeeze %dma_wait3A_302 : memref<1x1x96xi32, #tpu.memory_space<hbm>> -> memref<96xi32, #tpu.memory_space<hbm>>
        tpu.wait_dma2 semaphore(%arg27 : memref<!tpu.dma_semaphore, #tpu.memory_space<semaphore_mem>>) src(%dma_wait3A_303 : memref<96xi32, #tpu.memory_space<hbm>>) dst(%arg11 : memref<96xi32, #tpu.memory_space<vmem>>)
        %dma_start3A_304 = arith.constant 0 : i32
        %dma_start3A_305 = arith.constant 0 : i32
        %dma_start3A_306 = tpu.memref_slice %arg2[%dma_start3A_304, %dma_start3A_305] : memref<81920x128xf32, #tpu.memory_space<hbm>> -> memref<81920x128xf32, #tpu.memory_space<hbm>>
        tpu.enqueue_indirect_dma source(%dma_start3A_306 : memref<81920x128xf32, #tpu.memory_space<hbm>>) target(%arg7 : memref<96x128xf32, #tpu.memory_space<vmem>>) offsets(%arg11 : memref<96xi32, #tpu.memory_space<vmem>>) semaphore(%arg23 : memref<!tpu.dma_semaphore, #tpu.memory_space<semaphore_mem>>)
      } else {
      }
      %add3A_150 = arith.constant 6 : i32
      %add3A_151 = arith.addi %add3A_136, %add3A_150 : i32
      %lt3A_152 = arith.constant 108 : i32
      %lt3A_153 = arith.cmpi slt, %add3A_151, %lt3A_152 : i32
      %convert_element_type3A_154 = arith.extui %lt3A_153 : i1 to i32
      %cond3A_155 = arith.constant 0 : i32
      %cond3A_156 = arith.cmpi ne, %convert_element_type3A_154, %cond3A_155 : i32
      scf.if %cond3A_156 {
        %dma_start3A_298 = arith.constant 0 : i32
        %dma_start3A_299 = tpu.memref_slice %arg3[%add3A, %add3A_151, %dma_start3A_298] : memref<32x108x96xi32, #tpu.memory_space<hbm>> -> memref<1x1x96xi32, #tpu.memory_space<hbm>>
        %dma_start3A_300 = tpu.memref_squeeze %dma_start3A_299 : memref<1x1x96xi32, #tpu.memory_space<hbm>> -> memref<96xi32, #tpu.memory_space<hbm>>
        %dma_start3A_301 = arith.constant 0 : i32
        %dma_start3A_302 = tpu.memref_slice %arg3[%add3A, %add3A_151, %dma_start3A_301] : memref<32x108x96xi32, #tpu.memory_space<hbm>> -> memref<1x1x96xi32, #tpu.memory_space<hbm>>
        %dma_start3A_303 = tpu.memref_squeeze %dma_start3A_302 : memref<1x1x96xi32, #tpu.memory_space<hbm>> -> memref<96xi32, #tpu.memory_space<hbm>>
        tpu.enqueue_dma source(%dma_start3A_303 : memref<96xi32, #tpu.memory_space<hbm>>) target(%arg10 : memref<96xi32, #tpu.memory_space<vmem>>) target_semaphore(%arg26 : memref<!tpu.dma_semaphore, #tpu.memory_space<semaphore_mem>>)
        %dma_start3A_304 = arith.constant 0 : i32
        %dma_start3A_305 = tpu.memref_slice %arg4[%add3A, %add3A_151, %dma_start3A_304] : memref<32x108x96xi32, #tpu.memory_space<hbm>> -> memref<1x1x96xi32, #tpu.memory_space<hbm>>
        %dma_start3A_306 = tpu.memref_squeeze %dma_start3A_305 : memref<1x1x96xi32, #tpu.memory_space<hbm>> -> memref<96xi32, #tpu.memory_space<hbm>>
        %dma_start3A_307 = arith.constant 0 : i32
        %dma_start3A_308 = tpu.memref_slice %arg4[%add3A, %add3A_151, %dma_start3A_307] : memref<32x108x96xi32, #tpu.memory_space<hbm>> -> memref<1x1x96xi32, #tpu.memory_space<hbm>>
        %dma_start3A_309 = tpu.memref_squeeze %dma_start3A_308 : memref<1x1x96xi32, #tpu.memory_space<hbm>> -> memref<96xi32, #tpu.memory_space<hbm>>
        tpu.enqueue_dma source(%dma_start3A_309 : memref<96xi32, #tpu.memory_space<hbm>>) target(%arg16 : memref<96xi32, #tpu.memory_space<vmem>>) target_semaphore(%arg32 : memref<!tpu.dma_semaphore, #tpu.memory_space<semaphore_mem>>)
      } else {
      }
      %mul3A_157 = arith.constant 3 : i32
      %mul3A_158 = arith.muli %mul3A_157, %mul3A_132 : i32
      %add3A_159 = arith.constant 1 : i32
      %add3A_160 = arith.addi %mul3A_158, %add3A_159 : i32
      %dma_wait3A_161 = arith.constant 0 : i32
      %dma_wait3A_162 = arith.constant 0 : i32
      %dma_wait3A_163 = tpu.memref_slice %arg2[%dma_wait3A_161, %dma_wait3A_162] : memref<81920x128xf32, #tpu.memory_space<hbm>> -> memref<81920x128xf32, #tpu.memory_space<hbm>>
      tpu.wait_indirect_dma semaphore(%arg24 : memref<!tpu.dma_semaphore, #tpu.memory_space<semaphore_mem>>) src(%dma_wait3A_163 : memref<81920x128xf32, #tpu.memory_space<hbm>>) dst(%arg8 : memref<96x128xf32, #tpu.memory_space<vmem>>)
      %dma_wait3A_164 = arith.constant 0 : i32
      %dma_wait3A_165 = tpu.memref_slice %arg4[%add3A, %add3A_160, %dma_wait3A_164] : memref<32x108x96xi32, #tpu.memory_space<hbm>> -> memref<1x1x96xi32, #tpu.memory_space<hbm>>
      %dma_wait3A_166 = tpu.memref_squeeze %dma_wait3A_165 : memref<1x1x96xi32, #tpu.memory_space<hbm>> -> memref<96xi32, #tpu.memory_space<hbm>>
      %dma_wait3A_167 = arith.constant 0 : i32
      %dma_wait3A_168 = tpu.memref_slice %arg4[%add3A, %add3A_160, %dma_wait3A_167] : memref<32x108x96xi32, #tpu.memory_space<hbm>> -> memref<1x1x96xi32, #tpu.memory_space<hbm>>
      %dma_wait3A_169 = tpu.memref_squeeze %dma_wait3A_168 : memref<1x1x96xi32, #tpu.memory_space<hbm>> -> memref<96xi32, #tpu.memory_space<hbm>>
      tpu.wait_dma2 semaphore(%arg34 : memref<!tpu.dma_semaphore, #tpu.memory_space<semaphore_mem>>) src(%dma_wait3A_169 : memref<96xi32, #tpu.memory_space<hbm>>) dst(%arg18 : memref<96xi32, #tpu.memory_space<vmem>>)
      "tpu.region"() ({
        %run_scoped3A = tpu.sem_alloc : memref<!tpu.dma_semaphore, #tpu.memory_space<semaphore_mem>>
        %dma_start3A_298 = arith.constant 0 : i32
        %dma_start3A_299 = arith.constant 0 : i32
        %dma_start3A_300 = tpu.memref_slice %arg22[%dma_start3A_298, %dma_start3A_299] : memref<10112x128xf32, #tpu.memory_space<vmem_shared>> -> memref<10112x128xf32, #tpu.memory_space<vmem_shared>>
        tpu.enqueue_indirect_dma source(%arg8 : memref<96x128xf32, #tpu.memory_space<vmem>>) target(%dma_start3A_300 : memref<10112x128xf32, #tpu.memory_space<vmem_shared>>) offsets(%arg18 : memref<96xi32, #tpu.memory_space<vmem>>) semaphore(%run_scoped3A : memref<!tpu.dma_semaphore, #tpu.memory_space<semaphore_mem>>) {add = true}
        %dma_wait3A_301 = arith.constant 0 : i32
        %dma_wait3A_302 = arith.constant 0 : i32
        %dma_wait3A_303 = tpu.memref_slice %arg22[%dma_wait3A_301, %dma_wait3A_302] : memref<10112x128xf32, #tpu.memory_space<vmem_shared>> -> memref<10112x128xf32, #tpu.memory_space<vmem_shared>>
        tpu.wait_indirect_dma semaphore(%run_scoped3A : memref<!tpu.dma_semaphore, #tpu.memory_space<semaphore_mem>>) src(%arg8 : memref<96x128xf32, #tpu.memory_space<vmem>>) dst(%dma_wait3A_303 : memref<10112x128xf32, #tpu.memory_space<vmem_shared>>)
        tpu.yield
      }) : () -> ()
      %add3A_170 = arith.constant 3 : i32
      %add3A_171 = arith.addi %add3A_160, %add3A_170 : i32
      %lt3A_172 = arith.constant 108 : i32
      %lt3A_173 = arith.cmpi slt, %add3A_171, %lt3A_172 : i32
      %convert_element_type3A_174 = arith.extui %lt3A_173 : i1 to i32
      %cond3A_175 = arith.constant 0 : i32
      %cond3A_176 = arith.cmpi ne, %convert_element_type3A_174, %cond3A_175 : i32
      scf.if %cond3A_176 {
        %dma_wait3A_298 = arith.constant 0 : i32
        %dma_wait3A_299 = tpu.memref_slice %arg3[%add3A, %add3A_171, %dma_wait3A_298] : memref<32x108x96xi32, #tpu.memory_space<hbm>> -> memref<1x1x96xi32, #tpu.memory_space<hbm>>
        %dma_wait3A_300 = tpu.memref_squeeze %dma_wait3A_299 : memref<1x1x96xi32, #tpu.memory_space<hbm>> -> memref<96xi32, #tpu.memory_space<hbm>>
        %dma_wait3A_301 = arith.constant 0 : i32
        %dma_wait3A_302 = tpu.memref_slice %arg3[%add3A, %add3A_171, %dma_wait3A_301] : memref<32x108x96xi32, #tpu.memory_space<hbm>> -> memref<1x1x96xi32, #tpu.memory_space<hbm>>
        %dma_wait3A_303 = tpu.memref_squeeze %dma_wait3A_302 : memref<1x1x96xi32, #tpu.memory_space<hbm>> -> memref<96xi32, #tpu.memory_space<hbm>>
        tpu.wait_dma2 semaphore(%arg29 : memref<!tpu.dma_semaphore, #tpu.memory_space<semaphore_mem>>) src(%dma_wait3A_303 : memref<96xi32, #tpu.memory_space<hbm>>) dst(%arg13 : memref<96xi32, #tpu.memory_space<vmem>>)
        %dma_start3A_304 = arith.constant 0 : i32
        %dma_start3A_305 = arith.constant 0 : i32
        %dma_start3A_306 = tpu.memref_slice %arg2[%dma_start3A_304, %dma_start3A_305] : memref<81920x128xf32, #tpu.memory_space<hbm>> -> memref<81920x128xf32, #tpu.memory_space<hbm>>
        tpu.enqueue_indirect_dma source(%dma_start3A_306 : memref<81920x128xf32, #tpu.memory_space<hbm>>) target(%arg8 : memref<96x128xf32, #tpu.memory_space<vmem>>) offsets(%arg13 : memref<96xi32, #tpu.memory_space<vmem>>) semaphore(%arg24 : memref<!tpu.dma_semaphore, #tpu.memory_space<semaphore_mem>>)
      } else {
      }
      %add3A_177 = arith.constant 6 : i32
      %add3A_178 = arith.addi %add3A_160, %add3A_177 : i32
      %lt3A_179 = arith.constant 108 : i32
      %lt3A_180 = arith.cmpi slt, %add3A_178, %lt3A_179 : i32
      %convert_element_type3A_181 = arith.extui %lt3A_180 : i1 to i32
      %cond3A_182 = arith.constant 0 : i32
      %cond3A_183 = arith.cmpi ne, %convert_element_type3A_181, %cond3A_182 : i32
      scf.if %cond3A_183 {
        %dma_start3A_298 = arith.constant 0 : i32
        %dma_start3A_299 = tpu.memref_slice %arg3[%add3A, %add3A_178, %dma_start3A_298] : memref<32x108x96xi32, #tpu.memory_space<hbm>> -> memref<1x1x96xi32, #tpu.memory_space<hbm>>
        %dma_start3A_300 = tpu.memref_squeeze %dma_start3A_299 : memref<1x1x96xi32, #tpu.memory_space<hbm>> -> memref<96xi32, #tpu.memory_space<hbm>>
        %dma_start3A_301 = arith.constant 0 : i32
        %dma_start3A_302 = tpu.memref_slice %arg3[%add3A, %add3A_178, %dma_start3A_301] : memref<32x108x96xi32, #tpu.memory_space<hbm>> -> memref<1x1x96xi32, #tpu.memory_space<hbm>>
        %dma_start3A_303 = tpu.memref_squeeze %dma_start3A_302 : memref<1x1x96xi32, #tpu.memory_space<hbm>> -> memref<96xi32, #tpu.memory_space<hbm>>
        tpu.enqueue_dma source(%dma_start3A_303 : memref<96xi32, #tpu.memory_space<hbm>>) target(%arg12 : memref<96xi32, #tpu.memory_space<vmem>>) target_semaphore(%arg28 : memref<!tpu.dma_semaphore, #tpu.memory_space<semaphore_mem>>)
        %dma_start3A_304 = arith.constant 0 : i32
        %dma_start3A_305 = tpu.memref_slice %arg4[%add3A, %add3A_178, %dma_start3A_304] : memref<32x108x96xi32, #tpu.memory_space<hbm>> -> memref<1x1x96xi32, #tpu.memory_space<hbm>>
        %dma_start3A_306 = tpu.memref_squeeze %dma_start3A_305 : memref<1x1x96xi32, #tpu.memory_space<hbm>> -> memref<96xi32, #tpu.memory_space<hbm>>
        %dma_start3A_307 = arith.constant 0 : i32
        %dma_start3A_308 = tpu.memref_slice %arg4[%add3A, %add3A_178, %dma_start3A_307] : memref<32x108x96xi32, #tpu.memory_space<hbm>> -> memref<1x1x96xi32, #tpu.memory_space<hbm>>
        %dma_start3A_309 = tpu.memref_squeeze %dma_start3A_308 : memref<1x1x96xi32, #tpu.memory_space<hbm>> -> memref<96xi32, #tpu.memory_space<hbm>>
        tpu.enqueue_dma source(%dma_start3A_309 : memref<96xi32, #tpu.memory_space<hbm>>) target(%arg18 : memref<96xi32, #tpu.memory_space<vmem>>) target_semaphore(%arg34 : memref<!tpu.dma_semaphore, #tpu.memory_space<semaphore_mem>>)
      } else {
      }
      %mul3A_184 = arith.constant 3 : i32
      %mul3A_185 = arith.muli %mul3A_184, %mul3A_132 : i32
      %add3A_186 = arith.constant 2 : i32
      %add3A_187 = arith.addi %mul3A_185, %add3A_186 : i32
      %dma_wait3A_188 = arith.constant 0 : i32
      %dma_wait3A_189 = arith.constant 0 : i32
      %dma_wait3A_190 = tpu.memref_slice %arg2[%dma_wait3A_188, %dma_wait3A_189] : memref<81920x128xf32, #tpu.memory_space<hbm>> -> memref<81920x128xf32, #tpu.memory_space<hbm>>
      tpu.wait_indirect_dma semaphore(%arg25 : memref<!tpu.dma_semaphore, #tpu.memory_space<semaphore_mem>>) src(%dma_wait3A_190 : memref<81920x128xf32, #tpu.memory_space<hbm>>) dst(%arg9 : memref<96x128xf32, #tpu.memory_space<vmem>>)
      %dma_wait3A_191 = arith.constant 0 : i32
      %dma_wait3A_192 = tpu.memref_slice %arg4[%add3A, %add3A_187, %dma_wait3A_191] : memref<32x108x96xi32, #tpu.memory_space<hbm>> -> memref<1x1x96xi32, #tpu.memory_space<hbm>>
      %dma_wait3A_193 = tpu.memref_squeeze %dma_wait3A_192 : memref<1x1x96xi32, #tpu.memory_space<hbm>> -> memref<96xi32, #tpu.memory_space<hbm>>
      %dma_wait3A_194 = arith.constant 0 : i32
      %dma_wait3A_195 = tpu.memref_slice %arg4[%add3A, %add3A_187, %dma_wait3A_194] : memref<32x108x96xi32, #tpu.memory_space<hbm>> -> memref<1x1x96xi32, #tpu.memory_space<hbm>>
      %dma_wait3A_196 = tpu.memref_squeeze %dma_wait3A_195 : memref<1x1x96xi32, #tpu.memory_space<hbm>> -> memref<96xi32, #tpu.memory_space<hbm>>
      tpu.wait_dma2 semaphore(%arg36 : memref<!tpu.dma_semaphore, #tpu.memory_space<semaphore_mem>>) src(%dma_wait3A_196 : memref<96xi32, #tpu.memory_space<hbm>>) dst(%arg20 : memref<96xi32, #tpu.memory_space<vmem>>)
      "tpu.region"() ({
        %run_scoped3A = tpu.sem_alloc : memref<!tpu.dma_semaphore, #tpu.memory_space<semaphore_mem>>
        %dma_start3A_298 = arith.constant 0 : i32
        %dma_start3A_299 = arith.constant 0 : i32
        %dma_start3A_300 = tpu.memref_slice %arg22[%dma_start3A_298, %dma_start3A_299] : memref<10112x128xf32, #tpu.memory_space<vmem_shared>> -> memref<10112x128xf32, #tpu.memory_space<vmem_shared>>
        tpu.enqueue_indirect_dma source(%arg9 : memref<96x128xf32, #tpu.memory_space<vmem>>) target(%dma_start3A_300 : memref<10112x128xf32, #tpu.memory_space<vmem_shared>>) offsets(%arg20 : memref<96xi32, #tpu.memory_space<vmem>>) semaphore(%run_scoped3A : memref<!tpu.dma_semaphore, #tpu.memory_space<semaphore_mem>>) {add = true}
        %dma_wait3A_301 = arith.constant 0 : i32
        %dma_wait3A_302 = arith.constant 0 : i32
        %dma_wait3A_303 = tpu.memref_slice %arg22[%dma_wait3A_301, %dma_wait3A_302] : memref<10112x128xf32, #tpu.memory_space<vmem_shared>> -> memref<10112x128xf32, #tpu.memory_space<vmem_shared>>
        tpu.wait_indirect_dma semaphore(%run_scoped3A : memref<!tpu.dma_semaphore, #tpu.memory_space<semaphore_mem>>) src(%arg9 : memref<96x128xf32, #tpu.memory_space<vmem>>) dst(%dma_wait3A_303 : memref<10112x128xf32, #tpu.memory_space<vmem_shared>>)
        tpu.yield
      }) : () -> ()
      %add3A_197 = arith.constant 3 : i32
      %add3A_198 = arith.addi %add3A_187, %add3A_197 : i32
      %lt3A_199 = arith.constant 108 : i32
      %lt3A_200 = arith.cmpi slt, %add3A_198, %lt3A_199 : i32
      %convert_element_type3A_201 = arith.extui %lt3A_200 : i1 to i32
      %cond3A_202 = arith.constant 0 : i32
      %cond3A_203 = arith.cmpi ne, %convert_element_type3A_201, %cond3A_202 : i32
      scf.if %cond3A_203 {
        %dma_wait3A_298 = arith.constant 0 : i32
        %dma_wait3A_299 = tpu.memref_slice %arg3[%add3A, %add3A_198, %dma_wait3A_298] : memref<32x108x96xi32, #tpu.memory_space<hbm>> -> memref<1x1x96xi32, #tpu.memory_space<hbm>>
        %dma_wait3A_300 = tpu.memref_squeeze %dma_wait3A_299 : memref<1x1x96xi32, #tpu.memory_space<hbm>> -> memref<96xi32, #tpu.memory_space<hbm>>
        %dma_wait3A_301 = arith.constant 0 : i32
        %dma_wait3A_302 = tpu.memref_slice %arg3[%add3A, %add3A_198, %dma_wait3A_301] : memref<32x108x96xi32, #tpu.memory_space<hbm>> -> memref<1x1x96xi32, #tpu.memory_space<hbm>>
        %dma_wait3A_303 = tpu.memref_squeeze %dma_wait3A_302 : memref<1x1x96xi32, #tpu.memory_space<hbm>> -> memref<96xi32, #tpu.memory_space<hbm>>
        tpu.wait_dma2 semaphore(%arg31 : memref<!tpu.dma_semaphore, #tpu.memory_space<semaphore_mem>>) src(%dma_wait3A_303 : memref<96xi32, #tpu.memory_space<hbm>>) dst(%arg15 : memref<96xi32, #tpu.memory_space<vmem>>)
        %dma_start3A_304 = arith.constant 0 : i32
        %dma_start3A_305 = arith.constant 0 : i32
        %dma_start3A_306 = tpu.memref_slice %arg2[%dma_start3A_304, %dma_start3A_305] : memref<81920x128xf32, #tpu.memory_space<hbm>> -> memref<81920x128xf32, #tpu.memory_space<hbm>>
        tpu.enqueue_indirect_dma source(%dma_start3A_306 : memref<81920x128xf32, #tpu.memory_space<hbm>>) target(%arg9 : memref<96x128xf32, #tpu.memory_space<vmem>>) offsets(%arg15 : memref<96xi32, #tpu.memory_space<vmem>>) semaphore(%arg25 : memref<!tpu.dma_semaphore, #tpu.memory_space<semaphore_mem>>)
      } else {
      }
      %add3A_204 = arith.constant 6 : i32
      %add3A_205 = arith.addi %add3A_187, %add3A_204 : i32
      %lt3A_206 = arith.constant 108 : i32
      %lt3A_207 = arith.cmpi slt, %add3A_205, %lt3A_206 : i32
      %convert_element_type3A_208 = arith.extui %lt3A_207 : i1 to i32
      %cond3A_209 = arith.constant 0 : i32
      %cond3A_210 = arith.cmpi ne, %convert_element_type3A_208, %cond3A_209 : i32
      scf.if %cond3A_210 {
        %dma_start3A_298 = arith.constant 0 : i32
        %dma_start3A_299 = tpu.memref_slice %arg3[%add3A, %add3A_205, %dma_start3A_298] : memref<32x108x96xi32, #tpu.memory_space<hbm>> -> memref<1x1x96xi32, #tpu.memory_space<hbm>>
        %dma_start3A_300 = tpu.memref_squeeze %dma_start3A_299 : memref<1x1x96xi32, #tpu.memory_space<hbm>> -> memref<96xi32, #tpu.memory_space<hbm>>
        %dma_start3A_301 = arith.constant 0 : i32
        %dma_start3A_302 = tpu.memref_slice %arg3[%add3A, %add3A_205, %dma_start3A_301] : memref<32x108x96xi32, #tpu.memory_space<hbm>> -> memref<1x1x96xi32, #tpu.memory_space<hbm>>
        %dma_start3A_303 = tpu.memref_squeeze %dma_start3A_302 : memref<1x1x96xi32, #tpu.memory_space<hbm>> -> memref<96xi32, #tpu.memory_space<hbm>>
        tpu.enqueue_dma source(%dma_start3A_303 : memref<96xi32, #tpu.memory_space<hbm>>) target(%arg14 : memref<96xi32, #tpu.memory_space<vmem>>) target_semaphore(%arg30 : memref<!tpu.dma_semaphore, #tpu.memory_space<semaphore_mem>>)
        %dma_start3A_304 = arith.constant 0 : i32
        %dma_start3A_305 = tpu.memref_slice %arg4[%add3A, %add3A_205, %dma_start3A_304] : memref<32x108x96xi32, #tpu.memory_space<hbm>> -> memref<1x1x96xi32, #tpu.memory_space<hbm>>
        %dma_start3A_306 = tpu.memref_squeeze %dma_start3A_305 : memref<1x1x96xi32, #tpu.memory_space<hbm>> -> memref<96xi32, #tpu.memory_space<hbm>>
        %dma_start3A_307 = arith.constant 0 : i32
        %dma_start3A_308 = tpu.memref_slice %arg4[%add3A, %add3A_205, %dma_start3A_307] : memref<32x108x96xi32, #tpu.memory_space<hbm>> -> memref<1x1x96xi32, #tpu.memory_space<hbm>>
        %dma_start3A_309 = tpu.memref_squeeze %dma_start3A_308 : memref<1x1x96xi32, #tpu.memory_space<hbm>> -> memref<96xi32, #tpu.memory_space<hbm>>
        tpu.enqueue_dma source(%dma_start3A_309 : memref<96xi32, #tpu.memory_space<hbm>>) target(%arg20 : memref<96xi32, #tpu.memory_space<vmem>>) target_semaphore(%arg36 : memref<!tpu.dma_semaphore, #tpu.memory_space<semaphore_mem>>)
      } else {
      }
      %add3A_211 = arith.constant 1 : i32
      %add3A_212 = arith.addi %mul3A_132, %add3A_211 : i32
      %mul3A_213 = arith.constant 3 : i32
      %mul3A_214 = arith.muli %mul3A_213, %add3A_212 : i32
      %add3A_215 = arith.constant 0 : i32
      %add3A_216 = arith.addi %mul3A_214, %add3A_215 : i32
      %dma_wait3A_217 = arith.constant 0 : i32
      %dma_wait3A_218 = arith.constant 0 : i32
      %dma_wait3A_219 = tpu.memref_slice %arg2[%dma_wait3A_217, %dma_wait3A_218] : memref<81920x128xf32, #tpu.memory_space<hbm>> -> memref<81920x128xf32, #tpu.memory_space<hbm>>
      tpu.wait_indirect_dma semaphore(%arg23 : memref<!tpu.dma_semaphore, #tpu.memory_space<semaphore_mem>>) src(%dma_wait3A_219 : memref<81920x128xf32, #tpu.memory_space<hbm>>) dst(%arg7 : memref<96x128xf32, #tpu.memory_space<vmem>>)
      %dma_wait3A_220 = arith.constant 0 : i32
      %dma_wait3A_221 = tpu.memref_slice %arg4[%add3A, %add3A_216, %dma_wait3A_220] : memref<32x108x96xi32, #tpu.memory_space<hbm>> -> memref<1x1x96xi32, #tpu.memory_space<hbm>>
      %dma_wait3A_222 = tpu.memref_squeeze %dma_wait3A_221 : memref<1x1x96xi32, #tpu.memory_space<hbm>> -> memref<96xi32, #tpu.memory_space<hbm>>
      %dma_wait3A_223 = arith.constant 0 : i32
      %dma_wait3A_224 = tpu.memref_slice %arg4[%add3A, %add3A_216, %dma_wait3A_223] : memref<32x108x96xi32, #tpu.memory_space<hbm>> -> memref<1x1x96xi32, #tpu.memory_space<hbm>>
      %dma_wait3A_225 = tpu.memref_squeeze %dma_wait3A_224 : memref<1x1x96xi32, #tpu.memory_space<hbm>> -> memref<96xi32, #tpu.memory_space<hbm>>
      tpu.wait_dma2 semaphore(%arg33 : memref<!tpu.dma_semaphore, #tpu.memory_space<semaphore_mem>>) src(%dma_wait3A_225 : memref<96xi32, #tpu.memory_space<hbm>>) dst(%arg17 : memref<96xi32, #tpu.memory_space<vmem>>)
      "tpu.region"() ({
        %run_scoped3A = tpu.sem_alloc : memref<!tpu.dma_semaphore, #tpu.memory_space<semaphore_mem>>
        %dma_start3A_298 = arith.constant 0 : i32
        %dma_start3A_299 = arith.constant 0 : i32
        %dma_start3A_300 = tpu.memref_slice %arg22[%dma_start3A_298, %dma_start3A_299] : memref<10112x128xf32, #tpu.memory_space<vmem_shared>> -> memref<10112x128xf32, #tpu.memory_space<vmem_shared>>
        tpu.enqueue_indirect_dma source(%arg7 : memref<96x128xf32, #tpu.memory_space<vmem>>) target(%dma_start3A_300 : memref<10112x128xf32, #tpu.memory_space<vmem_shared>>) offsets(%arg17 : memref<96xi32, #tpu.memory_space<vmem>>) semaphore(%run_scoped3A : memref<!tpu.dma_semaphore, #tpu.memory_space<semaphore_mem>>) {add = true}
        %dma_wait3A_301 = arith.constant 0 : i32
        %dma_wait3A_302 = arith.constant 0 : i32
        %dma_wait3A_303 = tpu.memref_slice %arg22[%dma_wait3A_301, %dma_wait3A_302] : memref<10112x128xf32, #tpu.memory_space<vmem_shared>> -> memref<10112x128xf32, #tpu.memory_space<vmem_shared>>
        tpu.wait_indirect_dma semaphore(%run_scoped3A : memref<!tpu.dma_semaphore, #tpu.memory_space<semaphore_mem>>) src(%arg7 : memref<96x128xf32, #tpu.memory_space<vmem>>) dst(%dma_wait3A_303 : memref<10112x128xf32, #tpu.memory_space<vmem_shared>>)
        tpu.yield
      }) : () -> ()
      %add3A_226 = arith.constant 3 : i32
      %add3A_227 = arith.addi %add3A_216, %add3A_226 : i32
      %lt3A_228 = arith.constant 108 : i32
      %lt3A_229 = arith.cmpi slt, %add3A_227, %lt3A_228 : i32
      %convert_element_type3A_230 = arith.extui %lt3A_229 : i1 to i32
      %cond3A_231 = arith.constant 0 : i32
      %cond3A_232 = arith.cmpi ne, %convert_element_type3A_230, %cond3A_231 : i32
      scf.if %cond3A_232 {
        %dma_wait3A_298 = arith.constant 0 : i32
        %dma_wait3A_299 = tpu.memref_slice %arg3[%add3A, %add3A_227, %dma_wait3A_298] : memref<32x108x96xi32, #tpu.memory_space<hbm>> -> memref<1x1x96xi32, #tpu.memory_space<hbm>>
        %dma_wait3A_300 = tpu.memref_squeeze %dma_wait3A_299 : memref<1x1x96xi32, #tpu.memory_space<hbm>> -> memref<96xi32, #tpu.memory_space<hbm>>
        %dma_wait3A_301 = arith.constant 0 : i32
        %dma_wait3A_302 = tpu.memref_slice %arg3[%add3A, %add3A_227, %dma_wait3A_301] : memref<32x108x96xi32, #tpu.memory_space<hbm>> -> memref<1x1x96xi32, #tpu.memory_space<hbm>>
        %dma_wait3A_303 = tpu.memref_squeeze %dma_wait3A_302 : memref<1x1x96xi32, #tpu.memory_space<hbm>> -> memref<96xi32, #tpu.memory_space<hbm>>
        tpu.wait_dma2 semaphore(%arg26 : memref<!tpu.dma_semaphore, #tpu.memory_space<semaphore_mem>>) src(%dma_wait3A_303 : memref<96xi32, #tpu.memory_space<hbm>>) dst(%arg10 : memref<96xi32, #tpu.memory_space<vmem>>)
        %dma_start3A_304 = arith.constant 0 : i32
        %dma_start3A_305 = arith.constant 0 : i32
        %dma_start3A_306 = tpu.memref_slice %arg2[%dma_start3A_304, %dma_start3A_305] : memref<81920x128xf32, #tpu.memory_space<hbm>> -> memref<81920x128xf32, #tpu.memory_space<hbm>>
        tpu.enqueue_indirect_dma source(%dma_start3A_306 : memref<81920x128xf32, #tpu.memory_space<hbm>>) target(%arg7 : memref<96x128xf32, #tpu.memory_space<vmem>>) offsets(%arg10 : memref<96xi32, #tpu.memory_space<vmem>>) semaphore(%arg23 : memref<!tpu.dma_semaphore, #tpu.memory_space<semaphore_mem>>)
      } else {
      }
      %add3A_233 = arith.constant 6 : i32
      %add3A_234 = arith.addi %add3A_216, %add3A_233 : i32
      %lt3A_235 = arith.constant 108 : i32
      %lt3A_236 = arith.cmpi slt, %add3A_234, %lt3A_235 : i32
      %convert_element_type3A_237 = arith.extui %lt3A_236 : i1 to i32
      %cond3A_238 = arith.constant 0 : i32
      %cond3A_239 = arith.cmpi ne, %convert_element_type3A_237, %cond3A_238 : i32
      scf.if %cond3A_239 {
        %dma_start3A_298 = arith.constant 0 : i32
        %dma_start3A_299 = tpu.memref_slice %arg3[%add3A, %add3A_234, %dma_start3A_298] : memref<32x108x96xi32, #tpu.memory_space<hbm>> -> memref<1x1x96xi32, #tpu.memory_space<hbm>>
        %dma_start3A_300 = tpu.memref_squeeze %dma_start3A_299 : memref<1x1x96xi32, #tpu.memory_space<hbm>> -> memref<96xi32, #tpu.memory_space<hbm>>
        %dma_start3A_301 = arith.constant 0 : i32
        %dma_start3A_302 = tpu.memref_slice %arg3[%add3A, %add3A_234, %dma_start3A_301] : memref<32x108x96xi32, #tpu.memory_space<hbm>> -> memref<1x1x96xi32, #tpu.memory_space<hbm>>
        %dma_start3A_303 = tpu.memref_squeeze %dma_start3A_302 : memref<1x1x96xi32, #tpu.memory_space<hbm>> -> memref<96xi32, #tpu.memory_space<hbm>>
        tpu.enqueue_dma source(%dma_start3A_303 : memref<96xi32, #tpu.memory_space<hbm>>) target(%arg11 : memref<96xi32, #tpu.memory_space<vmem>>) target_semaphore(%arg27 : memref<!tpu.dma_semaphore, #tpu.memory_space<semaphore_mem>>)
        %dma_start3A_304 = arith.constant 0 : i32
        %dma_start3A_305 = tpu.memref_slice %arg4[%add3A, %add3A_234, %dma_start3A_304] : memref<32x108x96xi32, #tpu.memory_space<hbm>> -> memref<1x1x96xi32, #tpu.memory_space<hbm>>
        %dma_start3A_306 = tpu.memref_squeeze %dma_start3A_305 : memref<1x1x96xi32, #tpu.memory_space<hbm>> -> memref<96xi32, #tpu.memory_space<hbm>>
        %dma_start3A_307 = arith.constant 0 : i32
        %dma_start3A_308 = tpu.memref_slice %arg4[%add3A, %add3A_234, %dma_start3A_307] : memref<32x108x96xi32, #tpu.memory_space<hbm>> -> memref<1x1x96xi32, #tpu.memory_space<hbm>>
        %dma_start3A_309 = tpu.memref_squeeze %dma_start3A_308 : memref<1x1x96xi32, #tpu.memory_space<hbm>> -> memref<96xi32, #tpu.memory_space<hbm>>
        tpu.enqueue_dma source(%dma_start3A_309 : memref<96xi32, #tpu.memory_space<hbm>>) target(%arg17 : memref<96xi32, #tpu.memory_space<vmem>>) target_semaphore(%arg33 : memref<!tpu.dma_semaphore, #tpu.memory_space<semaphore_mem>>)
      } else {
      }
      %add3A_240 = arith.constant 1 : i32
      %add3A_241 = arith.addi %mul3A_132, %add3A_240 : i32
      %mul3A_242 = arith.constant 3 : i32
      %mul3A_243 = arith.muli %mul3A_242, %add3A_241 : i32
      %add3A_244 = arith.constant 1 : i32
      %add3A_245 = arith.addi %mul3A_243, %add3A_244 : i32
      %dma_wait3A_246 = arith.constant 0 : i32
      %dma_wait3A_247 = arith.constant 0 : i32
      %dma_wait3A_248 = tpu.memref_slice %arg2[%dma_wait3A_246, %dma_wait3A_247] : memref<81920x128xf32, #tpu.memory_space<hbm>> -> memref<81920x128xf32, #tpu.memory_space<hbm>>
      tpu.wait_indirect_dma semaphore(%arg24 : memref<!tpu.dma_semaphore, #tpu.memory_space<semaphore_mem>>) src(%dma_wait3A_248 : memref<81920x128xf32, #tpu.memory_space<hbm>>) dst(%arg8 : memref<96x128xf32, #tpu.memory_space<vmem>>)
      %dma_wait3A_249 = arith.constant 0 : i32
      %dma_wait3A_250 = tpu.memref_slice %arg4[%add3A, %add3A_245, %dma_wait3A_249] : memref<32x108x96xi32, #tpu.memory_space<hbm>> -> memref<1x1x96xi32, #tpu.memory_space<hbm>>
      %dma_wait3A_251 = tpu.memref_squeeze %dma_wait3A_250 : memref<1x1x96xi32, #tpu.memory_space<hbm>> -> memref<96xi32, #tpu.memory_space<hbm>>
      %dma_wait3A_252 = arith.constant 0 : i32
      %dma_wait3A_253 = tpu.memref_slice %arg4[%add3A, %add3A_245, %dma_wait3A_252] : memref<32x108x96xi32, #tpu.memory_space<hbm>> -> memref<1x1x96xi32, #tpu.memory_space<hbm>>
      %dma_wait3A_254 = tpu.memref_squeeze %dma_wait3A_253 : memref<1x1x96xi32, #tpu.memory_space<hbm>> -> memref<96xi32, #tpu.memory_space<hbm>>
      tpu.wait_dma2 semaphore(%arg35 : memref<!tpu.dma_semaphore, #tpu.memory_space<semaphore_mem>>) src(%dma_wait3A_254 : memref<96xi32, #tpu.memory_space<hbm>>) dst(%arg19 : memref<96xi32, #tpu.memory_space<vmem>>)
      "tpu.region"() ({
        %run_scoped3A = tpu.sem_alloc : memref<!tpu.dma_semaphore, #tpu.memory_space<semaphore_mem>>
        %dma_start3A_298 = arith.constant 0 : i32
        %dma_start3A_299 = arith.constant 0 : i32
        %dma_start3A_300 = tpu.memref_slice %arg22[%dma_start3A_298, %dma_start3A_299] : memref<10112x128xf32, #tpu.memory_space<vmem_shared>> -> memref<10112x128xf32, #tpu.memory_space<vmem_shared>>
        tpu.enqueue_indirect_dma source(%arg8 : memref<96x128xf32, #tpu.memory_space<vmem>>) target(%dma_start3A_300 : memref<10112x128xf32, #tpu.memory_space<vmem_shared>>) offsets(%arg19 : memref<96xi32, #tpu.memory_space<vmem>>) semaphore(%run_scoped3A : memref<!tpu.dma_semaphore, #tpu.memory_space<semaphore_mem>>) {add = true}
        %dma_wait3A_301 = arith.constant 0 : i32
        %dma_wait3A_302 = arith.constant 0 : i32
        %dma_wait3A_303 = tpu.memref_slice %arg22[%dma_wait3A_301, %dma_wait3A_302] : memref<10112x128xf32, #tpu.memory_space<vmem_shared>> -> memref<10112x128xf32, #tpu.memory_space<vmem_shared>>
        tpu.wait_indirect_dma semaphore(%run_scoped3A : memref<!tpu.dma_semaphore, #tpu.memory_space<semaphore_mem>>) src(%arg8 : memref<96x128xf32, #tpu.memory_space<vmem>>) dst(%dma_wait3A_303 : memref<10112x128xf32, #tpu.memory_space<vmem_shared>>)
        tpu.yield
      }) : () -> ()
      %add3A_255 = arith.constant 3 : i32
      %add3A_256 = arith.addi %add3A_245, %add3A_255 : i32
      %lt3A_257 = arith.constant 108 : i32
      %lt3A_258 = arith.cmpi slt, %add3A_256, %lt3A_257 : i32
      %convert_element_type3A_259 = arith.extui %lt3A_258 : i1 to i32
      %cond3A_260 = arith.constant 0 : i32
      %cond3A_261 = arith.cmpi ne, %convert_element_type3A_259, %cond3A_260 : i32
      scf.if %cond3A_261 {
        %dma_wait3A_298 = arith.constant 0 : i32
        %dma_wait3A_299 = tpu.memref_slice %arg3[%add3A, %add3A_256, %dma_wait3A_298] : memref<32x108x96xi32, #tpu.memory_space<hbm>> -> memref<1x1x96xi32, #tpu.memory_space<hbm>>
        %dma_wait3A_300 = tpu.memref_squeeze %dma_wait3A_299 : memref<1x1x96xi32, #tpu.memory_space<hbm>> -> memref<96xi32, #tpu.memory_space<hbm>>
        %dma_wait3A_301 = arith.constant 0 : i32
        %dma_wait3A_302 = tpu.memref_slice %arg3[%add3A, %add3A_256, %dma_wait3A_301] : memref<32x108x96xi32, #tpu.memory_space<hbm>> -> memref<1x1x96xi32, #tpu.memory_space<hbm>>
        %dma_wait3A_303 = tpu.memref_squeeze %dma_wait3A_302 : memref<1x1x96xi32, #tpu.memory_space<hbm>> -> memref<96xi32, #tpu.memory_space<hbm>>
        tpu.wait_dma2 semaphore(%arg28 : memref<!tpu.dma_semaphore, #tpu.memory_space<semaphore_mem>>) src(%dma_wait3A_303 : memref<96xi32, #tpu.memory_space<hbm>>) dst(%arg12 : memref<96xi32, #tpu.memory_space<vmem>>)
        %dma_start3A_304 = arith.constant 0 : i32
        %dma_start3A_305 = arith.constant 0 : i32
        %dma_start3A_306 = tpu.memref_slice %arg2[%dma_start3A_304, %dma_start3A_305] : memref<81920x128xf32, #tpu.memory_space<hbm>> -> memref<81920x128xf32, #tpu.memory_space<hbm>>
        tpu.enqueue_indirect_dma source(%dma_start3A_306 : memref<81920x128xf32, #tpu.memory_space<hbm>>) target(%arg8 : memref<96x128xf32, #tpu.memory_space<vmem>>) offsets(%arg12 : memref<96xi32, #tpu.memory_space<vmem>>) semaphore(%arg24 : memref<!tpu.dma_semaphore, #tpu.memory_space<semaphore_mem>>)
      } else {
      }
      %add3A_262 = arith.constant 6 : i32
      %add3A_263 = arith.addi %add3A_245, %add3A_262 : i32
      %lt3A_264 = arith.constant 108 : i32
      %lt3A_265 = arith.cmpi slt, %add3A_263, %lt3A_264 : i32
      %convert_element_type3A_266 = arith.extui %lt3A_265 : i1 to i32
      %cond3A_267 = arith.constant 0 : i32
      %cond3A_268 = arith.cmpi ne, %convert_element_type3A_266, %cond3A_267 : i32
      scf.if %cond3A_268 {
        %dma_start3A_298 = arith.constant 0 : i32
        %dma_start3A_299 = tpu.memref_slice %arg3[%add3A, %add3A_263, %dma_start3A_298] : memref<32x108x96xi32, #tpu.memory_space<hbm>> -> memref<1x1x96xi32, #tpu.memory_space<hbm>>
        %dma_start3A_300 = tpu.memref_squeeze %dma_start3A_299 : memref<1x1x96xi32, #tpu.memory_space<hbm>> -> memref<96xi32, #tpu.memory_space<hbm>>
        %dma_start3A_301 = arith.constant 0 : i32
        %dma_start3A_302 = tpu.memref_slice %arg3[%add3A, %add3A_263, %dma_start3A_301] : memref<32x108x96xi32, #tpu.memory_space<hbm>> -> memref<1x1x96xi32, #tpu.memory_space<hbm>>
        %dma_start3A_303 = tpu.memref_squeeze %dma_start3A_302 : memref<1x1x96xi32, #tpu.memory_space<hbm>> -> memref<96xi32, #tpu.memory_space<hbm>>
        tpu.enqueue_dma source(%dma_start3A_303 : memref<96xi32, #tpu.memory_space<hbm>>) target(%arg13 : memref<96xi32, #tpu.memory_space<vmem>>) target_semaphore(%arg29 : memref<!tpu.dma_semaphore, #tpu.memory_space<semaphore_mem>>)
        %dma_start3A_304 = arith.constant 0 : i32
        %dma_start3A_305 = tpu.memref_slice %arg4[%add3A, %add3A_263, %dma_start3A_304] : memref<32x108x96xi32, #tpu.memory_space<hbm>> -> memref<1x1x96xi32, #tpu.memory_space<hbm>>
        %dma_start3A_306 = tpu.memref_squeeze %dma_start3A_305 : memref<1x1x96xi32, #tpu.memory_space<hbm>> -> memref<96xi32, #tpu.memory_space<hbm>>
        %dma_start3A_307 = arith.constant 0 : i32
        %dma_start3A_308 = tpu.memref_slice %arg4[%add3A, %add3A_263, %dma_start3A_307] : memref<32x108x96xi32, #tpu.memory_space<hbm>> -> memref<1x1x96xi32, #tpu.memory_space<hbm>>
        %dma_start3A_309 = tpu.memref_squeeze %dma_start3A_308 : memref<1x1x96xi32, #tpu.memory_space<hbm>> -> memref<96xi32, #tpu.memory_space<hbm>>
        tpu.enqueue_dma source(%dma_start3A_309 : memref<96xi32, #tpu.memory_space<hbm>>) target(%arg19 : memref<96xi32, #tpu.memory_space<vmem>>) target_semaphore(%arg35 : memref<!tpu.dma_semaphore, #tpu.memory_space<semaphore_mem>>)
      } else {
      }
      %add3A_269 = arith.constant 1 : i32
      %add3A_270 = arith.addi %mul3A_132, %add3A_269 : i32
      %mul3A_271 = arith.constant 3 : i32
      %mul3A_272 = arith.muli %mul3A_271, %add3A_270 : i32
      %add3A_273 = arith.constant 2 : i32
      %add3A_274 = arith.addi %mul3A_272, %add3A_273 : i32
      %dma_wait3A_275 = arith.constant 0 : i32
      %dma_wait3A_276 = arith.constant 0 : i32
      %dma_wait3A_277 = tpu.memref_slice %arg2[%dma_wait3A_275, %dma_wait3A_276] : memref<81920x128xf32, #tpu.memory_space<hbm>> -> memref<81920x128xf32, #tpu.memory_space<hbm>>
      tpu.wait_indirect_dma semaphore(%arg25 : memref<!tpu.dma_semaphore, #tpu.memory_space<semaphore_mem>>) src(%dma_wait3A_277 : memref<81920x128xf32, #tpu.memory_space<hbm>>) dst(%arg9 : memref<96x128xf32, #tpu.memory_space<vmem>>)
      %dma_wait3A_278 = arith.constant 0 : i32
      %dma_wait3A_279 = tpu.memref_slice %arg4[%add3A, %add3A_274, %dma_wait3A_278] : memref<32x108x96xi32, #tpu.memory_space<hbm>> -> memref<1x1x96xi32, #tpu.memory_space<hbm>>
      %dma_wait3A_280 = tpu.memref_squeeze %dma_wait3A_279 : memref<1x1x96xi32, #tpu.memory_space<hbm>> -> memref<96xi32, #tpu.memory_space<hbm>>
      %dma_wait3A_281 = arith.constant 0 : i32
      %dma_wait3A_282 = tpu.memref_slice %arg4[%add3A, %add3A_274, %dma_wait3A_281] : memref<32x108x96xi32, #tpu.memory_space<hbm>> -> memref<1x1x96xi32, #tpu.memory_space<hbm>>
      %dma_wait3A_283 = tpu.memref_squeeze %dma_wait3A_282 : memref<1x1x96xi32, #tpu.memory_space<hbm>> -> memref<96xi32, #tpu.memory_space<hbm>>
      tpu.wait_dma2 semaphore(%arg37 : memref<!tpu.dma_semaphore, #tpu.memory_space<semaphore_mem>>) src(%dma_wait3A_283 : memref<96xi32, #tpu.memory_space<hbm>>) dst(%arg21 : memref<96xi32, #tpu.memory_space<vmem>>)
      "tpu.region"() ({
        %run_scoped3A = tpu.sem_alloc : memref<!tpu.dma_semaphore, #tpu.memory_space<semaphore_mem>>
        %dma_start3A_298 = arith.constant 0 : i32
        %dma_start3A_299 = arith.constant 0 : i32
        %dma_start3A_300 = tpu.memref_slice %arg22[%dma_start3A_298, %dma_start3A_299] : memref<10112x128xf32, #tpu.memory_space<vmem_shared>> -> memref<10112x128xf32, #tpu.memory_space<vmem_shared>>
        tpu.enqueue_indirect_dma source(%arg9 : memref<96x128xf32, #tpu.memory_space<vmem>>) target(%dma_start3A_300 : memref<10112x128xf32, #tpu.memory_space<vmem_shared>>) offsets(%arg21 : memref<96xi32, #tpu.memory_space<vmem>>) semaphore(%run_scoped3A : memref<!tpu.dma_semaphore, #tpu.memory_space<semaphore_mem>>) {add = true}
        %dma_wait3A_301 = arith.constant 0 : i32
        %dma_wait3A_302 = arith.constant 0 : i32
        %dma_wait3A_303 = tpu.memref_slice %arg22[%dma_wait3A_301, %dma_wait3A_302] : memref<10112x128xf32, #tpu.memory_space<vmem_shared>> -> memref<10112x128xf32, #tpu.memory_space<vmem_shared>>
        tpu.wait_indirect_dma semaphore(%run_scoped3A : memref<!tpu.dma_semaphore, #tpu.memory_space<semaphore_mem>>) src(%arg9 : memref<96x128xf32, #tpu.memory_space<vmem>>) dst(%dma_wait3A_303 : memref<10112x128xf32, #tpu.memory_space<vmem_shared>>)
        tpu.yield
      }) : () -> ()
      %add3A_284 = arith.constant 3 : i32
      %add3A_285 = arith.addi %add3A_274, %add3A_284 : i32
      %lt3A_286 = arith.constant 108 : i32
      %lt3A_287 = arith.cmpi slt, %add3A_285, %lt3A_286 : i32
      %convert_element_type3A_288 = arith.extui %lt3A_287 : i1 to i32
      %cond3A_289 = arith.constant 0 : i32
      %cond3A_290 = arith.cmpi ne, %convert_element_type3A_288, %cond3A_289 : i32
      scf.if %cond3A_290 {
        %dma_wait3A_298 = arith.constant 0 : i32
        %dma_wait3A_299 = tpu.memref_slice %arg3[%add3A, %add3A_285, %dma_wait3A_298] : memref<32x108x96xi32, #tpu.memory_space<hbm>> -> memref<1x1x96xi32, #tpu.memory_space<hbm>>
        %dma_wait3A_300 = tpu.memref_squeeze %dma_wait3A_299 : memref<1x1x96xi32, #tpu.memory_space<hbm>> -> memref<96xi32, #tpu.memory_space<hbm>>
        %dma_wait3A_301 = arith.constant 0 : i32
        %dma_wait3A_302 = tpu.memref_slice %arg3[%add3A, %add3A_285, %dma_wait3A_301] : memref<32x108x96xi32, #tpu.memory_space<hbm>> -> memref<1x1x96xi32, #tpu.memory_space<hbm>>
        %dma_wait3A_303 = tpu.memref_squeeze %dma_wait3A_302 : memref<1x1x96xi32, #tpu.memory_space<hbm>> -> memref<96xi32, #tpu.memory_space<hbm>>
        tpu.wait_dma2 semaphore(%arg30 : memref<!tpu.dma_semaphore, #tpu.memory_space<semaphore_mem>>) src(%dma_wait3A_303 : memref<96xi32, #tpu.memory_space<hbm>>) dst(%arg14 : memref<96xi32, #tpu.memory_space<vmem>>)
        %dma_start3A_304 = arith.constant 0 : i32
        %dma_start3A_305 = arith.constant 0 : i32
        %dma_start3A_306 = tpu.memref_slice %arg2[%dma_start3A_304, %dma_start3A_305] : memref<81920x128xf32, #tpu.memory_space<hbm>> -> memref<81920x128xf32, #tpu.memory_space<hbm>>
        tpu.enqueue_indirect_dma source(%dma_start3A_306 : memref<81920x128xf32, #tpu.memory_space<hbm>>) target(%arg9 : memref<96x128xf32, #tpu.memory_space<vmem>>) offsets(%arg14 : memref<96xi32, #tpu.memory_space<vmem>>) semaphore(%arg25 : memref<!tpu.dma_semaphore, #tpu.memory_space<semaphore_mem>>)
      } else {
      }
      %add3A_291 = arith.constant 6 : i32
      %add3A_292 = arith.addi %add3A_274, %add3A_291 : i32
      %lt3A_293 = arith.constant 108 : i32
      %lt3A_294 = arith.cmpi slt, %add3A_292, %lt3A_293 : i32
      %convert_element_type3A_295 = arith.extui %lt3A_294 : i1 to i32
      %cond3A_296 = arith.constant 0 : i32
      %cond3A_297 = arith.cmpi ne, %convert_element_type3A_295, %cond3A_296 : i32
      scf.if %cond3A_297 {
        %dma_start3A_298 = arith.constant 0 : i32
        %dma_start3A_299 = tpu.memref_slice %arg3[%add3A, %add3A_292, %dma_start3A_298] : memref<32x108x96xi32, #tpu.memory_space<hbm>> -> memref<1x1x96xi32, #tpu.memory_space<hbm>>
        %dma_start3A_300 = tpu.memref_squeeze %dma_start3A_299 : memref<1x1x96xi32, #tpu.memory_space<hbm>> -> memref<96xi32, #tpu.memory_space<hbm>>
        %dma_start3A_301 = arith.constant 0 : i32
        %dma_start3A_302 = tpu.memref_slice %arg3[%add3A, %add3A_292, %dma_start3A_301] : memref<32x108x96xi32, #tpu.memory_space<hbm>> -> memref<1x1x96xi32, #tpu.memory_space<hbm>>
        %dma_start3A_303 = tpu.memref_squeeze %dma_start3A_302 : memref<1x1x96xi32, #tpu.memory_space<hbm>> -> memref<96xi32, #tpu.memory_space<hbm>>
        tpu.enqueue_dma source(%dma_start3A_303 : memref<96xi32, #tpu.memory_space<hbm>>) target(%arg15 : memref<96xi32, #tpu.memory_space<vmem>>) target_semaphore(%arg31 : memref<!tpu.dma_semaphore, #tpu.memory_space<semaphore_mem>>)
        %dma_start3A_304 = arith.constant 0 : i32
        %dma_start3A_305 = tpu.memref_slice %arg4[%add3A, %add3A_292, %dma_start3A_304] : memref<32x108x96xi32, #tpu.memory_space<hbm>> -> memref<1x1x96xi32, #tpu.memory_space<hbm>>
        %dma_start3A_306 = tpu.memref_squeeze %dma_start3A_305 : memref<1x1x96xi32, #tpu.memory_space<hbm>> -> memref<96xi32, #tpu.memory_space<hbm>>
        %dma_start3A_307 = arith.constant 0 : i32
        %dma_start3A_308 = tpu.memref_slice %arg4[%add3A, %add3A_292, %dma_start3A_307] : memref<32x108x96xi32, #tpu.memory_space<hbm>> -> memref<1x1x96xi32, #tpu.memory_space<hbm>>
        %dma_start3A_309 = tpu.memref_squeeze %dma_start3A_308 : memref<1x1x96xi32, #tpu.memory_space<hbm>> -> memref<96xi32, #tpu.memory_space<hbm>>
        tpu.enqueue_dma source(%dma_start3A_309 : memref<96xi32, #tpu.memory_space<hbm>>) target(%arg21 : memref<96xi32, #tpu.memory_space<vmem>>) target_semaphore(%arg37 : memref<!tpu.dma_semaphore, #tpu.memory_space<semaphore_mem>>)
      } else {
      }
    }
    %scan3A_121 = arith.constant 18 : i32
    %barrier3A_122 = arith.constant 0 : index
    tpu.barrier barrier_id(%barrier3A_122)
    %mul3A_123 = arith.constant 632 : i32
    %mul3A_124 = arith.muli %arg1, %mul3A_123 : i32
    %mul3A_125 = arith.constant 10240 : i32
    %mul3A_126 = arith.muli %arg0, %mul3A_125 : i32
    %mul3A_127 = arith.constant 632 : i32
    %mul3A_128 = arith.muli %arg1, %mul3A_127 : i32
    %add3A_129 = arith.addi %mul3A_126, %mul3A_128 : i32
    "tpu.region"() ({
      %run_scoped3A = tpu.sem_alloc : memref<!tpu.dma_semaphore, #tpu.memory_space<semaphore_mem>>
      %dma_start3A_130 = arith.constant 0 : i32
      %dma_start3A_131 = tpu.memref_slice %arg6[%add3A_129, %dma_start3A_130] : memref<20480x128xf32, #tpu.memory_space<hbm>> -> memref<632x128xf32, #tpu.memory_space<hbm>>
      %dma_start3A_132 = arith.constant 0 : i32
      %dma_start3A_133 = tpu.memref_slice %arg22[%mul3A_124, %dma_start3A_132] : memref<10112x128xf32, #tpu.memory_space<vmem_shared>> -> memref<632x128xf32, #tpu.memory_space<vmem_shared>>
      tpu.enqueue_dma source(%dma_start3A_133 : memref<632x128xf32, #tpu.memory_space<vmem_shared>>) target(%dma_start3A_131 : memref<632x128xf32, #tpu.memory_space<hbm>>) target_semaphore(%run_scoped3A : memref<!tpu.dma_semaphore, #tpu.memory_space<semaphore_mem>>)
      %dma_wait3A_134 = arith.constant 0 : i32
      %dma_wait3A_135 = tpu.memref_slice %arg6[%add3A_129, %dma_wait3A_134] : memref<20480x128xf32, #tpu.memory_space<hbm>> -> memref<632x128xf32, #tpu.memory_space<hbm>>
      %dma_wait3A_136 = arith.constant 0 : i32
      %dma_wait3A_137 = tpu.memref_slice %arg22[%mul3A_124, %dma_wait3A_136] : memref<10112x128xf32, #tpu.memory_space<vmem_shared>> -> memref<632x128xf32, #tpu.memory_space<vmem_shared>>
      tpu.wait_dma2 semaphore(%run_scoped3A : memref<!tpu.dma_semaphore, #tpu.memory_space<semaphore_mem>>) src(%dma_wait3A_137 : memref<632x128xf32, #tpu.memory_space<vmem_shared>>) dst(%dma_wait3A_135 : memref<632x128xf32, #tpu.memory_space<hbm>>)
      tpu.yield
    }) : () -> ()
    return
  }
}

#map = affine_map<(d0, d1) -> (0, 0)>
#map1 = affine_map<(d0, d1) -> (0, 0, 0)>
module attributes {stable_mosaic.version = 14 : i64} {
  func.func @_sc_edges(%arg0: i32, %arg1: i32, %arg2: memref<81920x128xf32, #tpu.memory_space<hbm>>, %arg3: memref<32x108x96xi32, #tpu.memory_space<hbm>>, %arg4: memref<32x108x96xi32, #tpu.memory_space<hbm>>, %arg5: memref<10240x128xf32, #tpu.memory_space<hbm>>, %arg6: memref<20480x128xf32, #tpu.memory_space<hbm>>, %arg7: memref<96x128xf32, #tpu.memory_space<vmem>>, %arg8: memref<96x128xf32, #tpu.memory_space<vmem>>, %arg9: memref<96x128xf32, #tpu.memory_space<vmem>>, %arg10: memref<96xi32, #tpu.memory_space<vmem>>, %arg11: memref<96xi32, #tpu.memory_space<vmem>>, %arg12: memref<96xi32, #tpu.memory_space<vmem>>, %arg13: memref<96xi32, #tpu.memory_space<vmem>>, %arg14: memref<96xi32, #tpu.memory_space<vmem>>, %arg15: memref<96xi32, #tpu.memory_space<vmem>>, %arg16: memref<96xi32, #tpu.memory_space<vmem>>, %arg17: memref<96xi32, #tpu.memory_space<vmem>>, %arg18: memref<96xi32, #tpu.memory_space<vmem>>, %arg19: memref<96xi32, #tpu.memory_space<vmem>>, %arg20: memref<96xi32, #tpu.memory_space<vmem>>, %arg21: memref<96xi32, #tpu.memory_space<vmem>>, %arg22: memref<10112x128xf32, #tpu.memory_space<vmem_shared>>, %arg23: memref<!tpu.dma_semaphore, #tpu.memory_space<semaphore_mem>>, %arg24: memref<!tpu.dma_semaphore, #tpu.memory_space<semaphore_mem>>, %arg25: memref<!tpu.dma_semaphore, #tpu.memory_space<semaphore_mem>>, %arg26: memref<!tpu.dma_semaphore, #tpu.memory_space<semaphore_mem>>, %arg27: memref<!tpu.dma_semaphore, #tpu.memory_space<semaphore_mem>>, %arg28: memref<!tpu.dma_semaphore, #tpu.memory_space<semaphore_mem>>, %arg29: memref<!tpu.dma_semaphore, #tpu.memory_space<semaphore_mem>>, %arg30: memref<!tpu.dma_semaphore, #tpu.memory_space<semaphore_mem>>, %arg31: memref<!tpu.dma_semaphore, #tpu.memory_space<semaphore_mem>>, %arg32: memref<!tpu.dma_semaphore, #tpu.memory_space<semaphore_mem>>, %arg33: memref<!tpu.dma_semaphore, #tpu.memory_space<semaphore_mem>>, %arg34: memref<!tpu.dma_semaphore, #tpu.memory_space<semaphore_mem>>, %arg35: memref<!tpu.dma_semaphore, #tpu.memory_space<semaphore_mem>>, %arg36: memref<!tpu.dma_semaphore, #tpu.memory_space<semaphore_mem>>, %arg37: memref<!tpu.dma_semaphore, #tpu.memory_space<semaphore_mem>>) attributes {dimension_semantics = [#tpu.dimension_semantics<core_parallel>, #tpu.dimension_semantics<subcore_parallel>], iteration_bounds = array<i64: 2, 16>, scalar_prefetch = 0 : i64, scratch_operands = 31 : i64, tpu.core_type = #tpu.core_type<sc_vector_subcore>, window_params = [{transform_indices = #map}, {transform_indices = #map1}, {transform_indices = #map1}, {transform_indices = #map}, {transform_indices = #map}]} {
    %mul3A = arith.constant 16 : i32
    %mul3A_0 = arith.muli %arg0, %mul3A : i32
    %add3A = arith.addi %mul3A_0, %arg1 : i32
    %mul3A_1 = arith.constant 632 : i32
    %mul3A_2 = arith.muli %arg1, %mul3A_1 : i32
    %mul3A_3 = arith.constant 632 : i32
    %mul3A_4 = arith.muli %arg1, %mul3A_3 : i32
    "tpu.region"() ({
      %run_scoped3A = tpu.sem_alloc : memref<!tpu.dma_semaphore, #tpu.memory_space<semaphore_mem>>
      %dma_start3A_130 = arith.constant 0 : i32
      %dma_start3A_131 = tpu.memref_slice %arg22[%mul3A_4, %dma_start3A_130] : memref<10112x128xf32, #tpu.memory_space<vmem_shared>> -> memref<632x128xf32, #tpu.memory_space<vmem_shared>>
      %dma_start3A_132 = arith.constant 0 : i32
      %dma_start3A_133 = tpu.memref_slice %arg5[%mul3A_2, %dma_start3A_132] : memref<10240x128xf32, #tpu.memory_space<hbm>> -> memref<632x128xf32, #tpu.memory_space<hbm>>
      tpu.enqueue_dma source(%dma_start3A_133 : memref<632x128xf32, #tpu.memory_space<hbm>>) target(%dma_start3A_131 : memref<632x128xf32, #tpu.memory_space<vmem_shared>>) target_semaphore(%run_scoped3A : memref<!tpu.dma_semaphore, #tpu.memory_space<semaphore_mem>>)
      %dma_wait3A_134 = arith.constant 0 : i32
      %dma_wait3A_135 = tpu.memref_slice %arg22[%mul3A_4, %dma_wait3A_134] : memref<10112x128xf32, #tpu.memory_space<vmem_shared>> -> memref<632x128xf32, #tpu.memory_space<vmem_shared>>
      %dma_wait3A_136 = arith.constant 0 : i32
      %dma_wait3A_137 = tpu.memref_slice %arg5[%mul3A_2, %dma_wait3A_136] : memref<10240x128xf32, #tpu.memory_space<hbm>> -> memref<632x128xf32, #tpu.memory_space<hbm>>
      tpu.wait_dma2 semaphore(%run_scoped3A : memref<!tpu.dma_semaphore, #tpu.memory_space<semaphore_mem>>) src(%dma_wait3A_137 : memref<632x128xf32, #tpu.memory_space<hbm>>) dst(%dma_wait3A_135 : memref<632x128xf32, #tpu.memory_space<vmem_shared>>)
      tpu.yield
    }) : () -> ()
    %barrier3A = arith.constant 0 : index
    tpu.barrier barrier_id(%barrier3A)
    %dma_start3A = arith.constant 0 : i32
    %dma_start3A_5 = arith.constant 0 : i32
    %dma_start3A_6 = tpu.memref_slice %arg3[%add3A, %dma_start3A, %dma_start3A_5] : memref<32x108x96xi32, #tpu.memory_space<hbm>> -> memref<1x1x96xi32, #tpu.memory_space<hbm>>
    %dma_start3A_7 = tpu.memref_squeeze %dma_start3A_6 : memref<1x1x96xi32, #tpu.memory_space<hbm>> -> memref<96xi32, #tpu.memory_space<hbm>>
    %dma_start3A_8 = arith.constant 0 : i32
    %dma_start3A_9 = tpu.memref_slice %arg3[%add3A, %dma_start3A, %dma_start3A_8] : memref<32x108x96xi32, #tpu.memory_space<hbm>> -> memref<1x1x96xi32, #tpu.memory_space<hbm>>
    %dma_start3A_10 = tpu.memref_squeeze %dma_start3A_9 : memref<1x1x96xi32, #tpu.memory_space<hbm>> -> memref<96xi32, #tpu.memory_space<hbm>>
    tpu.enqueue_dma source(%dma_start3A_10 : memref<96xi32, #tpu.memory_space<hbm>>) target(%arg10 : memref<96xi32, #tpu.memory_space<vmem>>) target_semaphore(%arg26 : memref<!tpu.dma_semaphore, #tpu.memory_space<semaphore_mem>>)
    %dma_start3A_11 = arith.constant 0 : i32
    %dma_start3A_12 = arith.constant 0 : i32
    %dma_start3A_13 = tpu.memref_slice %arg4[%add3A, %dma_start3A_11, %dma_start3A_12] : memref<32x108x96xi32, #tpu.memory_space<hbm>> -> memref<1x1x96xi32, #tpu.memory_space<hbm>>
    %dma_start3A_14 = tpu.memref_squeeze %dma_start3A_13 : memref<1x1x96xi32, #tpu.memory_space<hbm>> -> memref<96xi32, #tpu.memory_space<hbm>>
    %dma_start3A_15 = arith.constant 0 : i32
    %dma_start3A_16 = tpu.memref_slice %arg4[%add3A, %dma_start3A_11, %dma_start3A_15] : memref<32x108x96xi32, #tpu.memory_space<hbm>> -> memref<1x1x96xi32, #tpu.memory_space<hbm>>
    %dma_start3A_17 = tpu.memref_squeeze %dma_start3A_16 : memref<1x1x96xi32, #tpu.memory_space<hbm>> -> memref<96xi32, #tpu.memory_space<hbm>>
    tpu.enqueue_dma source(%dma_start3A_17 : memref<96xi32, #tpu.memory_space<hbm>>) target(%arg16 : memref<96xi32, #tpu.memory_space<vmem>>) target_semaphore(%arg32 : memref<!tpu.dma_semaphore, #tpu.memory_space<semaphore_mem>>)
    %dma_start3A_18 = arith.constant 1 : i32
    %dma_start3A_19 = arith.constant 0 : i32
    %dma_start3A_20 = tpu.memref_slice %arg3[%add3A, %dma_start3A_18, %dma_start3A_19] : memref<32x108x96xi32, #tpu.memory_space<hbm>> -> memref<1x1x96xi32, #tpu.memory_space<hbm>>
    %dma_start3A_21 = tpu.memref_squeeze %dma_start3A_20 : memref<1x1x96xi32, #tpu.memory_space<hbm>> -> memref<96xi32, #tpu.memory_space<hbm>>
    %dma_start3A_22 = arith.constant 0 : i32
    %dma_start3A_23 = tpu.memref_slice %arg3[%add3A, %dma_start3A_18, %dma_start3A_22] : memref<32x108x96xi32, #tpu.memory_space<hbm>> -> memref<1x1x96xi32, #tpu.memory_space<hbm>>
    %dma_start3A_24 = tpu.memref_squeeze %dma_start3A_23 : memref<1x1x96xi32, #tpu.memory_space<hbm>> -> memref<96xi32, #tpu.memory_space<hbm>>
    tpu.enqueue_dma source(%dma_start3A_24 : memref<96xi32, #tpu.memory_space<hbm>>) target(%arg12 : memref<96xi32, #tpu.memory_space<vmem>>) target_semaphore(%arg28 : memref<!tpu.dma_semaphore, #tpu.memory_space<semaphore_mem>>)
    %dma_start3A_25 = arith.constant 1 : i32
    %dma_start3A_26 = arith.constant 0 : i32
    %dma_start3A_27 = tpu.memref_slice %arg4[%add3A, %dma_start3A_25, %dma_start3A_26] : memref<32x108x96xi32, #tpu.memory_space<hbm>> -> memref<1x1x96xi32, #tpu.memory_space<hbm>>
    %dma_start3A_28 = tpu.memref_squeeze %dma_start3A_27 : memref<1x1x96xi32, #tpu.memory_space<hbm>> -> memref<96xi32, #tpu.memory_space<hbm>>
    %dma_start3A_29 = arith.constant 0 : i32
    %dma_start3A_30 = tpu.memref_slice %arg4[%add3A, %dma_start3A_25, %dma_start3A_29] : memref<32x108x96xi32, #tpu.memory_space<hbm>> -> memref<1x1x96xi32, #tpu.memory_space<hbm>>
    %dma_start3A_31 = tpu.memref_squeeze %dma_start3A_30 : memref<1x1x96xi32, #tpu.memory_space<hbm>> -> memref<96xi32, #tpu.memory_space<hbm>>
    tpu.enqueue_dma source(%dma_start3A_31 : memref<96xi32, #tpu.memory_space<hbm>>) target(%arg18 : memref<96xi32, #tpu.memory_space<vmem>>) target_semaphore(%arg34 : memref<!tpu.dma_semaphore, #tpu.memory_space<semaphore_mem>>)
    %dma_start3A_32 = arith.constant 2 : i32
    %dma_start3A_33 = arith.constant 0 : i32
    %dma_start3A_34 = tpu.memref_slice %arg3[%add3A, %dma_start3A_32, %dma_start3A_33] : memref<32x108x96xi32, #tpu.memory_space<hbm>> -> memref<1x1x96xi32, #tpu.memory_space<hbm>>
    %dma_start3A_35 = tpu.memref_squeeze %dma_start3A_34 : memref<1x1x96xi32, #tpu.memory_space<hbm>> -> memref<96xi32, #tpu.memory_space<hbm>>
    %dma_start3A_36 = arith.constant 0 : i32
    %dma_start3A_37 = tpu.memref_slice %arg3[%add3A, %dma_start3A_32, %dma_start3A_36] : memref<32x108x96xi32, #tpu.memory_space<hbm>> -> memref<1x1x96xi32, #tpu.memory_space<hbm>>
    %dma_start3A_38 = tpu.memref_squeeze %dma_start3A_37 : memref<1x1x96xi32, #tpu.memory_space<hbm>> -> memref<96xi32, #tpu.memory_space<hbm>>
    tpu.enqueue_dma source(%dma_start3A_38 : memref<96xi32, #tpu.memory_space<hbm>>) target(%arg14 : memref<96xi32, #tpu.memory_space<vmem>>) target_semaphore(%arg30 : memref<!tpu.dma_semaphore, #tpu.memory_space<semaphore_mem>>)
    %dma_start3A_39 = arith.constant 2 : i32
    %dma_start3A_40 = arith.constant 0 : i32
    %dma_start3A_41 = tpu.memref_slice %arg4[%add3A, %dma_start3A_39, %dma_start3A_40] : memref<32x108x96xi32, #tpu.memory_space<hbm>> -> memref<1x1x96xi32, #tpu.memory_space<hbm>>
    %dma_start3A_42 = tpu.memref_squeeze %dma_start3A_41 : memref<1x1x96xi32, #tpu.memory_space<hbm>> -> memref<96xi32, #tpu.memory_space<hbm>>
    %dma_start3A_43 = arith.constant 0 : i32
    %dma_start3A_44 = tpu.memref_slice %arg4[%add3A, %dma_start3A_39, %dma_start3A_43] : memref<32x108x96xi32, #tpu.memory_space<hbm>> -> memref<1x1x96xi32, #tpu.memory_space<hbm>>
    %dma_start3A_45 = tpu.memref_squeeze %dma_start3A_44 : memref<1x1x96xi32, #tpu.memory_space<hbm>> -> memref<96xi32, #tpu.memory_space<hbm>>
    tpu.enqueue_dma source(%dma_start3A_45 : memref<96xi32, #tpu.memory_space<hbm>>) target(%arg20 : memref<96xi32, #tpu.memory_space<vmem>>) target_semaphore(%arg36 : memref<!tpu.dma_semaphore, #tpu.memory_space<semaphore_mem>>)
    %dma_start3A_46 = arith.constant 3 : i32
    %dma_start3A_47 = arith.constant 0 : i32
    %dma_start3A_48 = tpu.memref_slice %arg3[%add3A, %dma_start3A_46, %dma_start3A_47] : memref<32x108x96xi32, #tpu.memory_space<hbm>> -> memref<1x1x96xi32, #tpu.memory_space<hbm>>
    %dma_start3A_49 = tpu.memref_squeeze %dma_start3A_48 : memref<1x1x96xi32, #tpu.memory_space<hbm>> -> memref<96xi32, #tpu.memory_space<hbm>>
    %dma_start3A_50 = arith.constant 0 : i32
    %dma_start3A_51 = tpu.memref_slice %arg3[%add3A, %dma_start3A_46, %dma_start3A_50] : memref<32x108x96xi32, #tpu.memory_space<hbm>> -> memref<1x1x96xi32, #tpu.memory_space<hbm>>
    %dma_start3A_52 = tpu.memref_squeeze %dma_start3A_51 : memref<1x1x96xi32, #tpu.memory_space<hbm>> -> memref<96xi32, #tpu.memory_space<hbm>>
    tpu.enqueue_dma source(%dma_start3A_52 : memref<96xi32, #tpu.memory_space<hbm>>) target(%arg11 : memref<96xi32, #tpu.memory_space<vmem>>) target_semaphore(%arg27 : memref<!tpu.dma_semaphore, #tpu.memory_space<semaphore_mem>>)
    %dma_start3A_53 = arith.constant 3 : i32
    %dma_start3A_54 = arith.constant 0 : i32
    %dma_start3A_55 = tpu.memref_slice %arg4[%add3A, %dma_start3A_53, %dma_start3A_54] : memref<32x108x96xi32, #tpu.memory_space<hbm>> -> memref<1x1x96xi32, #tpu.memory_space<hbm>>
    %dma_start3A_56 = tpu.memref_squeeze %dma_start3A_55 : memref<1x1x96xi32, #tpu.memory_space<hbm>> -> memref<96xi32, #tpu.memory_space<hbm>>
    %dma_start3A_57 = arith.constant 0 : i32
    %dma_start3A_58 = tpu.memref_slice %arg4[%add3A, %dma_start3A_53, %dma_start3A_57] : memref<32x108x96xi32, #tpu.memory_space<hbm>> -> memref<1x1x96xi32, #tpu.memory_space<hbm>>
    %dma_start3A_59 = tpu.memref_squeeze %dma_start3A_58 : memref<1x1x96xi32, #tpu.memory_space<hbm>> -> memref<96xi32, #tpu.memory_space<hbm>>
    tpu.enqueue_dma source(%dma_start3A_59 : memref<96xi32, #tpu.memory_space<hbm>>) target(%arg17 : memref<96xi32, #tpu.memory_space<vmem>>) target_semaphore(%arg33 : memref<!tpu.dma_semaphore, #tpu.memory_space<semaphore_mem>>)
    %dma_start3A_60 = arith.constant 4 : i32
    %dma_start3A_61 = arith.constant 0 : i32
    %dma_start3A_62 = tpu.memref_slice %arg3[%add3A, %dma_start3A_60, %dma_start3A_61] : memref<32x108x96xi32, #tpu.memory_space<hbm>> -> memref<1x1x96xi32, #tpu.memory_space<hbm>>
    %dma_start3A_63 = tpu.memref_squeeze %dma_start3A_62 : memref<1x1x96xi32, #tpu.memory_space<hbm>> -> memref<96xi32, #tpu.memory_space<hbm>>
    %dma_start3A_64 = arith.constant 0 : i32
    %dma_start3A_65 = tpu.memref_slice %arg3[%add3A, %dma_start3A_60, %dma_start3A_64] : memref<32x108x96xi32, #tpu.memory_space<hbm>> -> memref<1x1x96xi32, #tpu.memory_space<hbm>>
    %dma_start3A_66 = tpu.memref_squeeze %dma_start3A_65 : memref<1x1x96xi32, #tpu.memory_space<hbm>> -> memref<96xi32, #tpu.memory_space<hbm>>
    tpu.enqueue_dma source(%dma_start3A_66 : memref<96xi32, #tpu.memory_space<hbm>>) target(%arg13 : memref<96xi32, #tpu.memory_space<vmem>>) target_semaphore(%arg29 : memref<!tpu.dma_semaphore, #tpu.memory_space<semaphore_mem>>)
    %dma_start3A_67 = arith.constant 4 : i32
    %dma_start3A_68 = arith.constant 0 : i32
    %dma_start3A_69 = tpu.memref_slice %arg4[%add3A, %dma_start3A_67, %dma_start3A_68] : memref<32x108x96xi32, #tpu.memory_space<hbm>> -> memref<1x1x96xi32, #tpu.memory_space<hbm>>
    %dma_start3A_70 = tpu.memref_squeeze %dma_start3A_69 : memref<1x1x96xi32, #tpu.memory_space<hbm>> -> memref<96xi32, #tpu.memory_space<hbm>>
    %dma_start3A_71 = arith.constant 0 : i32
    %dma_start3A_72 = tpu.memref_slice %arg4[%add3A, %dma_start3A_67, %dma_start3A_71] : memref<32x108x96xi32, #tpu.memory_space<hbm>> -> memref<1x1x96xi32, #tpu.memory_space<hbm>>
    %dma_start3A_73 = tpu.memref_squeeze %dma_start3A_72 : memref<1x1x96xi32, #tpu.memory_space<hbm>> -> memref<96xi32, #tpu.memory_space<hbm>>
    tpu.enqueue_dma source(%dma_start3A_73 : memref<96xi32, #tpu.memory_space<hbm>>) target(%arg19 : memref<96xi32, #tpu.memory_space<vmem>>) target_semaphore(%arg35 : memref<!tpu.dma_semaphore, #tpu.memory_space<semaphore_mem>>)
    %dma_start3A_74 = arith.constant 5 : i32
    %dma_start3A_75 = arith.constant 0 : i32
    %dma_start3A_76 = tpu.memref_slice %arg3[%add3A, %dma_start3A_74, %dma_start3A_75] : memref<32x108x96xi32, #tpu.memory_space<hbm>> -> memref<1x1x96xi32, #tpu.memory_space<hbm>>
    %dma_start3A_77 = tpu.memref_squeeze %dma_start3A_76 : memref<1x1x96xi32, #tpu.memory_space<hbm>> -> memref<96xi32, #tpu.memory_space<hbm>>
    %dma_start3A_78 = arith.constant 0 : i32
    %dma_start3A_79 = tpu.memref_slice %arg3[%add3A, %dma_start3A_74, %dma_start3A_78] : memref<32x108x96xi32, #tpu.memory_space<hbm>> -> memref<1x1x96xi32, #tpu.memory_space<hbm>>
    %dma_start3A_80 = tpu.memref_squeeze %dma_start3A_79 : memref<1x1x96xi32, #tpu.memory_space<hbm>> -> memref<96xi32, #tpu.memory_space<hbm>>
    tpu.enqueue_dma source(%dma_start3A_80 : memref<96xi32, #tpu.memory_space<hbm>>) target(%arg15 : memref<96xi32, #tpu.memory_space<vmem>>) target_semaphore(%arg31 : memref<!tpu.dma_semaphore, #tpu.memory_space<semaphore_mem>>)
    %dma_start3A_81 = arith.constant 5 : i32
    %dma_start3A_82 = arith.constant 0 : i32
    %dma_start3A_83 = tpu.memref_slice %arg4[%add3A, %dma_start3A_81, %dma_start3A_82] : memref<32x108x96xi32, #tpu.memory_space<hbm>> -> memref<1x1x96xi32, #tpu.memory_space<hbm>>
    %dma_start3A_84 = tpu.memref_squeeze %dma_start3A_83 : memref<1x1x96xi32, #tpu.memory_space<hbm>> -> memref<96xi32, #tpu.memory_space<hbm>>
    %dma_start3A_85 = arith.constant 0 : i32
    %dma_start3A_86 = tpu.memref_slice %arg4[%add3A, %dma_start3A_81, %dma_start3A_85] : memref<32x108x96xi32, #tpu.memory_space<hbm>> -> memref<1x1x96xi32, #tpu.memory_space<hbm>>
    %dma_start3A_87 = tpu.memref_squeeze %dma_start3A_86 : memref<1x1x96xi32, #tpu.memory_space<hbm>> -> memref<96xi32, #tpu.memory_space<hbm>>
    tpu.enqueue_dma source(%dma_start3A_87 : memref<96xi32, #tpu.memory_space<hbm>>) target(%arg21 : memref<96xi32, #tpu.memory_space<vmem>>) target_semaphore(%arg37 : memref<!tpu.dma_semaphore, #tpu.memory_space<semaphore_mem>>)
    %dma_wait3A = arith.constant 0 : i32
    %dma_wait3A_88 = arith.constant 0 : i32
    %dma_wait3A_89 = tpu.memref_slice %arg3[%add3A, %dma_wait3A, %dma_wait3A_88] : memref<32x108x96xi32, #tpu.memory_space<hbm>> -> memref<1x1x96xi32, #tpu.memory_space<hbm>>
    %dma_wait3A_90 = tpu.memref_squeeze %dma_wait3A_89 : memref<1x1x96xi32, #tpu.memory_space<hbm>> -> memref<96xi32, #tpu.memory_space<hbm>>
    %dma_wait3A_91 = arith.constant 0 : i32
    %dma_wait3A_92 = tpu.memref_slice %arg3[%add3A, %dma_wait3A, %dma_wait3A_91] : memref<32x108x96xi32, #tpu.memory_space<hbm>> -> memref<1x1x96xi32, #tpu.memory_space<hbm>>
    %dma_wait3A_93 = tpu.memref_squeeze %dma_wait3A_92 : memref<1x1x96xi32, #tpu.memory_space<hbm>> -> memref<96xi32, #tpu.memory_space<hbm>>
    tpu.wait_dma2 semaphore(%arg26 : memref<!tpu.dma_semaphore, #tpu.memory_space<semaphore_mem>>) src(%dma_wait3A_93 : memref<96xi32, #tpu.memory_space<hbm>>) dst(%arg10 : memref<96xi32, #tpu.memory_space<vmem>>)
    %dma_start3A_94 = arith.constant 0 : i32
    %dma_start3A_95 = arith.constant 0 : i32
    %dma_start3A_96 = tpu.memref_slice %arg2[%dma_start3A_94, %dma_start3A_95] : memref<81920x128xf32, #tpu.memory_space<hbm>> -> memref<81920x128xf32, #tpu.memory_space<hbm>>
    tpu.enqueue_indirect_dma source(%dma_start3A_96 : memref<81920x128xf32, #tpu.memory_space<hbm>>) target(%arg7 : memref<96x128xf32, #tpu.memory_space<vmem>>) offsets(%arg10 : memref<96xi32, #tpu.memory_space<vmem>>) semaphore(%arg23 : memref<!tpu.dma_semaphore, #tpu.memory_space<semaphore_mem>>)
    %dma_wait3A_97 = arith.constant 1 : i32
    %dma_wait3A_98 = arith.constant 0 : i32
    %dma_wait3A_99 = tpu.memref_slice %arg3[%add3A, %dma_wait3A_97, %dma_wait3A_98] : memref<32x108x96xi32, #tpu.memory_space<hbm>> -> memref<1x1x96xi32, #tpu.memory_space<hbm>>
    %dma_wait3A_100 = tpu.memref_squeeze %dma_wait3A_99 : memref<1x1x96xi32, #tpu.memory_space<hbm>> -> memref<96xi32, #tpu.memory_space<hbm>>
    %dma_wait3A_101 = arith.constant 0 : i32
    %dma_wait3A_102 = tpu.memref_slice %arg3[%add3A, %dma_wait3A_97, %dma_wait3A_101] : memref<32x108x96xi32, #tpu.memory_space<hbm>> -> memref<1x1x96xi32, #tpu.memory_space<hbm>>
    %dma_wait3A_103 = tpu.memref_squeeze %dma_wait3A_102 : memref<1x1x96xi32, #tpu.memory_space<hbm>> -> memref<96xi32, #tpu.memory_space<hbm>>
    tpu.wait_dma2 semaphore(%arg28 : memref<!tpu.dma_semaphore, #tpu.memory_space<semaphore_mem>>) src(%dma_wait3A_103 : memref<96xi32, #tpu.memory_space<hbm>>) dst(%arg12 : memref<96xi32, #tpu.memory_space<vmem>>)
    %dma_start3A_104 = arith.constant 0 : i32
    %dma_start3A_105 = arith.constant 0 : i32
    %dma_start3A_106 = tpu.memref_slice %arg2[%dma_start3A_104, %dma_start3A_105] : memref<81920x128xf32, #tpu.memory_space<hbm>> -> memref<81920x128xf32, #tpu.memory_space<hbm>>
    tpu.enqueue_indirect_dma source(%dma_start3A_106 : memref<81920x128xf32, #tpu.memory_space<hbm>>) target(%arg8 : memref<96x128xf32, #tpu.memory_space<vmem>>) offsets(%arg12 : memref<96xi32, #tpu.memory_space<vmem>>) semaphore(%arg24 : memref<!tpu.dma_semaphore, #tpu.memory_space<semaphore_mem>>)
    %dma_wait3A_107 = arith.constant 2 : i32
    %dma_wait3A_108 = arith.constant 0 : i32
    %dma_wait3A_109 = tpu.memref_slice %arg3[%add3A, %dma_wait3A_107, %dma_wait3A_108] : memref<32x108x96xi32, #tpu.memory_space<hbm>> -> memref<1x1x96xi32, #tpu.memory_space<hbm>>
    %dma_wait3A_110 = tpu.memref_squeeze %dma_wait3A_109 : memref<1x1x96xi32, #tpu.memory_space<hbm>> -> memref<96xi32, #tpu.memory_space<hbm>>
    %dma_wait3A_111 = arith.constant 0 : i32
    %dma_wait3A_112 = tpu.memref_slice %arg3[%add3A, %dma_wait3A_107, %dma_wait3A_111] : memref<32x108x96xi32, #tpu.memory_space<hbm>> -> memref<1x1x96xi32, #tpu.memory_space<hbm>>
    %dma_wait3A_113 = tpu.memref_squeeze %dma_wait3A_112 : memref<1x1x96xi32, #tpu.memory_space<hbm>> -> memref<96xi32, #tpu.memory_space<hbm>>
    tpu.wait_dma2 semaphore(%arg30 : memref<!tpu.dma_semaphore, #tpu.memory_space<semaphore_mem>>) src(%dma_wait3A_113 : memref<96xi32, #tpu.memory_space<hbm>>) dst(%arg14 : memref<96xi32, #tpu.memory_space<vmem>>)
    %dma_start3A_114 = arith.constant 0 : i32
    %dma_start3A_115 = arith.constant 0 : i32
    %dma_start3A_116 = tpu.memref_slice %arg2[%dma_start3A_114, %dma_start3A_115] : memref<81920x128xf32, #tpu.memory_space<hbm>> -> memref<81920x128xf32, #tpu.memory_space<hbm>>
    tpu.enqueue_indirect_dma source(%dma_start3A_116 : memref<81920x128xf32, #tpu.memory_space<hbm>>) target(%arg9 : memref<96x128xf32, #tpu.memory_space<vmem>>) offsets(%arg14 : memref<96xi32, #tpu.memory_space<vmem>>) semaphore(%arg25 : memref<!tpu.dma_semaphore, #tpu.memory_space<semaphore_mem>>)
    %scan3A = arith.constant 0 : i32
    %scan3A_117 = arith.constant 0 : i32
    %scan3A_118 = arith.constant 18 : i32
    %scan3A_119 = arith.addi %scan3A_117, %scan3A_118 : i32
    %scan3A_120 = arith.constant 1 : i32
    scf.for %scan3A_130 = %scan3A_117 to %scan3A_119 step %scan3A_120  : i32 {
      %mul3A_131 = arith.constant 2 : i32
      %mul3A_132 = arith.muli %mul3A_131, %scan3A_130 : i32
      %mul3A_133 = arith.constant 3 : i32
      %mul3A_134 = arith.muli %mul3A_133, %mul3A_132 : i32
      %add3A_135 = arith.constant 0 : i32
      %add3A_136 = arith.addi %mul3A_134, %add3A_135 : i32
      %dma_wait3A_137 = arith.constant 0 : i32
      %dma_wait3A_138 = arith.constant 0 : i32
      %dma_wait3A_139 = tpu.memref_slice %arg2[%dma_wait3A_137, %dma_wait3A_138] : memref<81920x128xf32, #tpu.memory_space<hbm>> -> memref<81920x128xf32, #tpu.memory_space<hbm>>
      tpu.wait_indirect_dma semaphore(%arg23 : memref<!tpu.dma_semaphore, #tpu.memory_space<semaphore_mem>>) src(%dma_wait3A_139 : memref<81920x128xf32, #tpu.memory_space<hbm>>) dst(%arg7 : memref<96x128xf32, #tpu.memory_space<vmem>>)
      %dma_wait3A_140 = arith.constant 0 : i32
      %dma_wait3A_141 = tpu.memref_slice %arg4[%add3A, %add3A_136, %dma_wait3A_140] : memref<32x108x96xi32, #tpu.memory_space<hbm>> -> memref<1x1x96xi32, #tpu.memory_space<hbm>>
      %dma_wait3A_142 = tpu.memref_squeeze %dma_wait3A_141 : memref<1x1x96xi32, #tpu.memory_space<hbm>> -> memref<96xi32, #tpu.memory_space<hbm>>
      %dma_wait3A_143 = arith.constant 0 : i32
      %dma_wait3A_144 = tpu.memref_slice %arg4[%add3A, %add3A_136, %dma_wait3A_143] : memref<32x108x96xi32, #tpu.memory_space<hbm>> -> memref<1x1x96xi32, #tpu.memory_space<hbm>>
      %dma_wait3A_145 = tpu.memref_squeeze %dma_wait3A_144 : memref<1x1x96xi32, #tpu.memory_space<hbm>> -> memref<96xi32, #tpu.memory_space<hbm>>
      tpu.wait_dma2 semaphore(%arg32 : memref<!tpu.dma_semaphore, #tpu.memory_space<semaphore_mem>>) src(%dma_wait3A_145 : memref<96xi32, #tpu.memory_space<hbm>>) dst(%arg16 : memref<96xi32, #tpu.memory_space<vmem>>)
      "tpu.region"() ({
        %run_scoped3A = tpu.sem_alloc : memref<!tpu.dma_semaphore, #tpu.memory_space<semaphore_mem>>
        %dma_start3A_298 = arith.constant 0 : i32
        %dma_start3A_299 = arith.constant 0 : i32
        %dma_start3A_300 = tpu.memref_slice %arg22[%dma_start3A_298, %dma_start3A_299] : memref<10112x128xf32, #tpu.memory_space<vmem_shared>> -> memref<10112x128xf32, #tpu.memory_space<vmem_shared>>
        tpu.enqueue_indirect_dma source(%arg7 : memref<96x128xf32, #tpu.memory_space<vmem>>) target(%dma_start3A_300 : memref<10112x128xf32, #tpu.memory_space<vmem_shared>>) offsets(%arg16 : memref<96xi32, #tpu.memory_space<vmem>>) semaphore(%run_scoped3A : memref<!tpu.dma_semaphore, #tpu.memory_space<semaphore_mem>>) {add = true}
        %dma_wait3A_301 = arith.constant 0 : i32
        %dma_wait3A_302 = arith.constant 0 : i32
        %dma_wait3A_303 = tpu.memref_slice %arg22[%dma_wait3A_301, %dma_wait3A_302] : memref<10112x128xf32, #tpu.memory_space<vmem_shared>> -> memref<10112x128xf32, #tpu.memory_space<vmem_shared>>
        tpu.wait_indirect_dma semaphore(%run_scoped3A : memref<!tpu.dma_semaphore, #tpu.memory_space<semaphore_mem>>) src(%arg7 : memref<96x128xf32, #tpu.memory_space<vmem>>) dst(%dma_wait3A_303 : memref<10112x128xf32, #tpu.memory_space<vmem_shared>>)
        tpu.yield
      }) : () -> ()
      %add3A_146 = arith.constant 3 : i32
      %add3A_147 = arith.addi %add3A_136, %add3A_146 : i32
      %lt3A = arith.constant 108 : i32
      %lt3A_148 = arith.cmpi slt, %add3A_147, %lt3A : i32
      %convert_element_type3A = arith.extui %lt3A_148 : i1 to i32
      %cond3A = arith.constant 0 : i32
      %cond3A_149 = arith.cmpi ne, %convert_element_type3A, %cond3A : i32
      scf.if %cond3A_149 {
        %dma_wait3A_298 = arith.constant 0 : i32
        %dma_wait3A_299 = tpu.memref_slice %arg3[%add3A, %add3A_147, %dma_wait3A_298] : memref<32x108x96xi32, #tpu.memory_space<hbm>> -> memref<1x1x96xi32, #tpu.memory_space<hbm>>
        %dma_wait3A_300 = tpu.memref_squeeze %dma_wait3A_299 : memref<1x1x96xi32, #tpu.memory_space<hbm>> -> memref<96xi32, #tpu.memory_space<hbm>>
        %dma_wait3A_301 = arith.constant 0 : i32
        %dma_wait3A_302 = tpu.memref_slice %arg3[%add3A, %add3A_147, %dma_wait3A_301] : memref<32x108x96xi32, #tpu.memory_space<hbm>> -> memref<1x1x96xi32, #tpu.memory_space<hbm>>
        %dma_wait3A_303 = tpu.memref_squeeze %dma_wait3A_302 : memref<1x1x96xi32, #tpu.memory_space<hbm>> -> memref<96xi32, #tpu.memory_space<hbm>>
        tpu.wait_dma2 semaphore(%arg27 : memref<!tpu.dma_semaphore, #tpu.memory_space<semaphore_mem>>) src(%dma_wait3A_303 : memref<96xi32, #tpu.memory_space<hbm>>) dst(%arg11 : memref<96xi32, #tpu.memory_space<vmem>>)
        %dma_start3A_304 = arith.constant 0 : i32
        %dma_start3A_305 = arith.constant 0 : i32
        %dma_start3A_306 = tpu.memref_slice %arg2[%dma_start3A_304, %dma_start3A_305] : memref<81920x128xf32, #tpu.memory_space<hbm>> -> memref<81920x128xf32, #tpu.memory_space<hbm>>
        tpu.enqueue_indirect_dma source(%dma_start3A_306 : memref<81920x128xf32, #tpu.memory_space<hbm>>) target(%arg7 : memref<96x128xf32, #tpu.memory_space<vmem>>) offsets(%arg11 : memref<96xi32, #tpu.memory_space<vmem>>) semaphore(%arg23 : memref<!tpu.dma_semaphore, #tpu.memory_space<semaphore_mem>>)
      } else {
      }
      %add3A_150 = arith.constant 6 : i32
      %add3A_151 = arith.addi %add3A_136, %add3A_150 : i32
      %lt3A_152 = arith.constant 108 : i32
      %lt3A_153 = arith.cmpi slt, %add3A_151, %lt3A_152 : i32
      %convert_element_type3A_154 = arith.extui %lt3A_153 : i1 to i32
      %cond3A_155 = arith.constant 0 : i32
      %cond3A_156 = arith.cmpi ne, %convert_element_type3A_154, %cond3A_155 : i32
      scf.if %cond3A_156 {
        %dma_start3A_298 = arith.constant 0 : i32
        %dma_start3A_299 = tpu.memref_slice %arg3[%add3A, %add3A_151, %dma_start3A_298] : memref<32x108x96xi32, #tpu.memory_space<hbm>> -> memref<1x1x96xi32, #tpu.memory_space<hbm>>
        %dma_start3A_300 = tpu.memref_squeeze %dma_start3A_299 : memref<1x1x96xi32, #tpu.memory_space<hbm>> -> memref<96xi32, #tpu.memory_space<hbm>>
        %dma_start3A_301 = arith.constant 0 : i32
        %dma_start3A_302 = tpu.memref_slice %arg3[%add3A, %add3A_151, %dma_start3A_301] : memref<32x108x96xi32, #tpu.memory_space<hbm>> -> memref<1x1x96xi32, #tpu.memory_space<hbm>>
        %dma_start3A_303 = tpu.memref_squeeze %dma_start3A_302 : memref<1x1x96xi32, #tpu.memory_space<hbm>> -> memref<96xi32, #tpu.memory_space<hbm>>
        tpu.enqueue_dma source(%dma_start3A_303 : memref<96xi32, #tpu.memory_space<hbm>>) target(%arg10 : memref<96xi32, #tpu.memory_space<vmem>>) target_semaphore(%arg26 : memref<!tpu.dma_semaphore, #tpu.memory_space<semaphore_mem>>)
        %dma_start3A_304 = arith.constant 0 : i32
        %dma_start3A_305 = tpu.memref_slice %arg4[%add3A, %add3A_151, %dma_start3A_304] : memref<32x108x96xi32, #tpu.memory_space<hbm>> -> memref<1x1x96xi32, #tpu.memory_space<hbm>>
        %dma_start3A_306 = tpu.memref_squeeze %dma_start3A_305 : memref<1x1x96xi32, #tpu.memory_space<hbm>> -> memref<96xi32, #tpu.memory_space<hbm>>
        %dma_start3A_307 = arith.constant 0 : i32
        %dma_start3A_308 = tpu.memref_slice %arg4[%add3A, %add3A_151, %dma_start3A_307] : memref<32x108x96xi32, #tpu.memory_space<hbm>> -> memref<1x1x96xi32, #tpu.memory_space<hbm>>
        %dma_start3A_309 = tpu.memref_squeeze %dma_start3A_308 : memref<1x1x96xi32, #tpu.memory_space<hbm>> -> memref<96xi32, #tpu.memory_space<hbm>>
        tpu.enqueue_dma source(%dma_start3A_309 : memref<96xi32, #tpu.memory_space<hbm>>) target(%arg16 : memref<96xi32, #tpu.memory_space<vmem>>) target_semaphore(%arg32 : memref<!tpu.dma_semaphore, #tpu.memory_space<semaphore_mem>>)
      } else {
      }
      %mul3A_157 = arith.constant 3 : i32
      %mul3A_158 = arith.muli %mul3A_157, %mul3A_132 : i32
      %add3A_159 = arith.constant 1 : i32
      %add3A_160 = arith.addi %mul3A_158, %add3A_159 : i32
      %dma_wait3A_161 = arith.constant 0 : i32
      %dma_wait3A_162 = arith.constant 0 : i32
      %dma_wait3A_163 = tpu.memref_slice %arg2[%dma_wait3A_161, %dma_wait3A_162] : memref<81920x128xf32, #tpu.memory_space<hbm>> -> memref<81920x128xf32, #tpu.memory_space<hbm>>
      tpu.wait_indirect_dma semaphore(%arg24 : memref<!tpu.dma_semaphore, #tpu.memory_space<semaphore_mem>>) src(%dma_wait3A_163 : memref<81920x128xf32, #tpu.memory_space<hbm>>) dst(%arg8 : memref<96x128xf32, #tpu.memory_space<vmem>>)
      %dma_wait3A_164 = arith.constant 0 : i32
      %dma_wait3A_165 = tpu.memref_slice %arg4[%add3A, %add3A_160, %dma_wait3A_164] : memref<32x108x96xi32, #tpu.memory_space<hbm>> -> memref<1x1x96xi32, #tpu.memory_space<hbm>>
      %dma_wait3A_166 = tpu.memref_squeeze %dma_wait3A_165 : memref<1x1x96xi32, #tpu.memory_space<hbm>> -> memref<96xi32, #tpu.memory_space<hbm>>
      %dma_wait3A_167 = arith.constant 0 : i32
      %dma_wait3A_168 = tpu.memref_slice %arg4[%add3A, %add3A_160, %dma_wait3A_167] : memref<32x108x96xi32, #tpu.memory_space<hbm>> -> memref<1x1x96xi32, #tpu.memory_space<hbm>>
      %dma_wait3A_169 = tpu.memref_squeeze %dma_wait3A_168 : memref<1x1x96xi32, #tpu.memory_space<hbm>> -> memref<96xi32, #tpu.memory_space<hbm>>
      tpu.wait_dma2 semaphore(%arg34 : memref<!tpu.dma_semaphore, #tpu.memory_space<semaphore_mem>>) src(%dma_wait3A_169 : memref<96xi32, #tpu.memory_space<hbm>>) dst(%arg18 : memref<96xi32, #tpu.memory_space<vmem>>)
      "tpu.region"() ({
        %run_scoped3A = tpu.sem_alloc : memref<!tpu.dma_semaphore, #tpu.memory_space<semaphore_mem>>
        %dma_start3A_298 = arith.constant 0 : i32
        %dma_start3A_299 = arith.constant 0 : i32
        %dma_start3A_300 = tpu.memref_slice %arg22[%dma_start3A_298, %dma_start3A_299] : memref<10112x128xf32, #tpu.memory_space<vmem_shared>> -> memref<10112x128xf32, #tpu.memory_space<vmem_shared>>
        tpu.enqueue_indirect_dma source(%arg8 : memref<96x128xf32, #tpu.memory_space<vmem>>) target(%dma_start3A_300 : memref<10112x128xf32, #tpu.memory_space<vmem_shared>>) offsets(%arg18 : memref<96xi32, #tpu.memory_space<vmem>>) semaphore(%run_scoped3A : memref<!tpu.dma_semaphore, #tpu.memory_space<semaphore_mem>>) {add = true}
        %dma_wait3A_301 = arith.constant 0 : i32
        %dma_wait3A_302 = arith.constant 0 : i32
        %dma_wait3A_303 = tpu.memref_slice %arg22[%dma_wait3A_301, %dma_wait3A_302] : memref<10112x128xf32, #tpu.memory_space<vmem_shared>> -> memref<10112x128xf32, #tpu.memory_space<vmem_shared>>
        tpu.wait_indirect_dma semaphore(%run_scoped3A : memref<!tpu.dma_semaphore, #tpu.memory_space<semaphore_mem>>) src(%arg8 : memref<96x128xf32, #tpu.memory_space<vmem>>) dst(%dma_wait3A_303 : memref<10112x128xf32, #tpu.memory_space<vmem_shared>>)
        tpu.yield
      }) : () -> ()
      %add3A_170 = arith.constant 3 : i32
      %add3A_171 = arith.addi %add3A_160, %add3A_170 : i32
      %lt3A_172 = arith.constant 108 : i32
      %lt3A_173 = arith.cmpi slt, %add3A_171, %lt3A_172 : i32
      %convert_element_type3A_174 = arith.extui %lt3A_173 : i1 to i32
      %cond3A_175 = arith.constant 0 : i32
      %cond3A_176 = arith.cmpi ne, %convert_element_type3A_174, %cond3A_175 : i32
      scf.if %cond3A_176 {
        %dma_wait3A_298 = arith.constant 0 : i32
        %dma_wait3A_299 = tpu.memref_slice %arg3[%add3A, %add3A_171, %dma_wait3A_298] : memref<32x108x96xi32, #tpu.memory_space<hbm>> -> memref<1x1x96xi32, #tpu.memory_space<hbm>>
        %dma_wait3A_300 = tpu.memref_squeeze %dma_wait3A_299 : memref<1x1x96xi32, #tpu.memory_space<hbm>> -> memref<96xi32, #tpu.memory_space<hbm>>
        %dma_wait3A_301 = arith.constant 0 : i32
        %dma_wait3A_302 = tpu.memref_slice %arg3[%add3A, %add3A_171, %dma_wait3A_301] : memref<32x108x96xi32, #tpu.memory_space<hbm>> -> memref<1x1x96xi32, #tpu.memory_space<hbm>>
        %dma_wait3A_303 = tpu.memref_squeeze %dma_wait3A_302 : memref<1x1x96xi32, #tpu.memory_space<hbm>> -> memref<96xi32, #tpu.memory_space<hbm>>
        tpu.wait_dma2 semaphore(%arg29 : memref<!tpu.dma_semaphore, #tpu.memory_space<semaphore_mem>>) src(%dma_wait3A_303 : memref<96xi32, #tpu.memory_space<hbm>>) dst(%arg13 : memref<96xi32, #tpu.memory_space<vmem>>)
        %dma_start3A_304 = arith.constant 0 : i32
        %dma_start3A_305 = arith.constant 0 : i32
        %dma_start3A_306 = tpu.memref_slice %arg2[%dma_start3A_304, %dma_start3A_305] : memref<81920x128xf32, #tpu.memory_space<hbm>> -> memref<81920x128xf32, #tpu.memory_space<hbm>>
        tpu.enqueue_indirect_dma source(%dma_start3A_306 : memref<81920x128xf32, #tpu.memory_space<hbm>>) target(%arg8 : memref<96x128xf32, #tpu.memory_space<vmem>>) offsets(%arg13 : memref<96xi32, #tpu.memory_space<vmem>>) semaphore(%arg24 : memref<!tpu.dma_semaphore, #tpu.memory_space<semaphore_mem>>)
      } else {
      }
      %add3A_177 = arith.constant 6 : i32
      %add3A_178 = arith.addi %add3A_160, %add3A_177 : i32
      %lt3A_179 = arith.constant 108 : i32
      %lt3A_180 = arith.cmpi slt, %add3A_178, %lt3A_179 : i32
      %convert_element_type3A_181 = arith.extui %lt3A_180 : i1 to i32
      %cond3A_182 = arith.constant 0 : i32
      %cond3A_183 = arith.cmpi ne, %convert_element_type3A_181, %cond3A_182 : i32
      scf.if %cond3A_183 {
        %dma_start3A_298 = arith.constant 0 : i32
        %dma_start3A_299 = tpu.memref_slice %arg3[%add3A, %add3A_178, %dma_start3A_298] : memref<32x108x96xi32, #tpu.memory_space<hbm>> -> memref<1x1x96xi32, #tpu.memory_space<hbm>>
        %dma_start3A_300 = tpu.memref_squeeze %dma_start3A_299 : memref<1x1x96xi32, #tpu.memory_space<hbm>> -> memref<96xi32, #tpu.memory_space<hbm>>
        %dma_start3A_301 = arith.constant 0 : i32
        %dma_start3A_302 = tpu.memref_slice %arg3[%add3A, %add3A_178, %dma_start3A_301] : memref<32x108x96xi32, #tpu.memory_space<hbm>> -> memref<1x1x96xi32, #tpu.memory_space<hbm>>
        %dma_start3A_303 = tpu.memref_squeeze %dma_start3A_302 : memref<1x1x96xi32, #tpu.memory_space<hbm>> -> memref<96xi32, #tpu.memory_space<hbm>>
        tpu.enqueue_dma source(%dma_start3A_303 : memref<96xi32, #tpu.memory_space<hbm>>) target(%arg12 : memref<96xi32, #tpu.memory_space<vmem>>) target_semaphore(%arg28 : memref<!tpu.dma_semaphore, #tpu.memory_space<semaphore_mem>>)
        %dma_start3A_304 = arith.constant 0 : i32
        %dma_start3A_305 = tpu.memref_slice %arg4[%add3A, %add3A_178, %dma_start3A_304] : memref<32x108x96xi32, #tpu.memory_space<hbm>> -> memref<1x1x96xi32, #tpu.memory_space<hbm>>
        %dma_start3A_306 = tpu.memref_squeeze %dma_start3A_305 : memref<1x1x96xi32, #tpu.memory_space<hbm>> -> memref<96xi32, #tpu.memory_space<hbm>>
        %dma_start3A_307 = arith.constant 0 : i32
        %dma_start3A_308 = tpu.memref_slice %arg4[%add3A, %add3A_178, %dma_start3A_307] : memref<32x108x96xi32, #tpu.memory_space<hbm>> -> memref<1x1x96xi32, #tpu.memory_space<hbm>>
        %dma_start3A_309 = tpu.memref_squeeze %dma_start3A_308 : memref<1x1x96xi32, #tpu.memory_space<hbm>> -> memref<96xi32, #tpu.memory_space<hbm>>
        tpu.enqueue_dma source(%dma_start3A_309 : memref<96xi32, #tpu.memory_space<hbm>>) target(%arg18 : memref<96xi32, #tpu.memory_space<vmem>>) target_semaphore(%arg34 : memref<!tpu.dma_semaphore, #tpu.memory_space<semaphore_mem>>)
      } else {
      }
      %mul3A_184 = arith.constant 3 : i32
      %mul3A_185 = arith.muli %mul3A_184, %mul3A_132 : i32
      %add3A_186 = arith.constant 2 : i32
      %add3A_187 = arith.addi %mul3A_185, %add3A_186 : i32
      %dma_wait3A_188 = arith.constant 0 : i32
      %dma_wait3A_189 = arith.constant 0 : i32
      %dma_wait3A_190 = tpu.memref_slice %arg2[%dma_wait3A_188, %dma_wait3A_189] : memref<81920x128xf32, #tpu.memory_space<hbm>> -> memref<81920x128xf32, #tpu.memory_space<hbm>>
      tpu.wait_indirect_dma semaphore(%arg25 : memref<!tpu.dma_semaphore, #tpu.memory_space<semaphore_mem>>) src(%dma_wait3A_190 : memref<81920x128xf32, #tpu.memory_space<hbm>>) dst(%arg9 : memref<96x128xf32, #tpu.memory_space<vmem>>)
      %dma_wait3A_191 = arith.constant 0 : i32
      %dma_wait3A_192 = tpu.memref_slice %arg4[%add3A, %add3A_187, %dma_wait3A_191] : memref<32x108x96xi32, #tpu.memory_space<hbm>> -> memref<1x1x96xi32, #tpu.memory_space<hbm>>
      %dma_wait3A_193 = tpu.memref_squeeze %dma_wait3A_192 : memref<1x1x96xi32, #tpu.memory_space<hbm>> -> memref<96xi32, #tpu.memory_space<hbm>>
      %dma_wait3A_194 = arith.constant 0 : i32
      %dma_wait3A_195 = tpu.memref_slice %arg4[%add3A, %add3A_187, %dma_wait3A_194] : memref<32x108x96xi32, #tpu.memory_space<hbm>> -> memref<1x1x96xi32, #tpu.memory_space<hbm>>
      %dma_wait3A_196 = tpu.memref_squeeze %dma_wait3A_195 : memref<1x1x96xi32, #tpu.memory_space<hbm>> -> memref<96xi32, #tpu.memory_space<hbm>>
      tpu.wait_dma2 semaphore(%arg36 : memref<!tpu.dma_semaphore, #tpu.memory_space<semaphore_mem>>) src(%dma_wait3A_196 : memref<96xi32, #tpu.memory_space<hbm>>) dst(%arg20 : memref<96xi32, #tpu.memory_space<vmem>>)
      "tpu.region"() ({
        %run_scoped3A = tpu.sem_alloc : memref<!tpu.dma_semaphore, #tpu.memory_space<semaphore_mem>>
        %dma_start3A_298 = arith.constant 0 : i32
        %dma_start3A_299 = arith.constant 0 : i32
        %dma_start3A_300 = tpu.memref_slice %arg22[%dma_start3A_298, %dma_start3A_299] : memref<10112x128xf32, #tpu.memory_space<vmem_shared>> -> memref<10112x128xf32, #tpu.memory_space<vmem_shared>>
        tpu.enqueue_indirect_dma source(%arg9 : memref<96x128xf32, #tpu.memory_space<vmem>>) target(%dma_start3A_300 : memref<10112x128xf32, #tpu.memory_space<vmem_shared>>) offsets(%arg20 : memref<96xi32, #tpu.memory_space<vmem>>) semaphore(%run_scoped3A : memref<!tpu.dma_semaphore, #tpu.memory_space<semaphore_mem>>) {add = true}
        %dma_wait3A_301 = arith.constant 0 : i32
        %dma_wait3A_302 = arith.constant 0 : i32
        %dma_wait3A_303 = tpu.memref_slice %arg22[%dma_wait3A_301, %dma_wait3A_302] : memref<10112x128xf32, #tpu.memory_space<vmem_shared>> -> memref<10112x128xf32, #tpu.memory_space<vmem_shared>>
        tpu.wait_indirect_dma semaphore(%run_scoped3A : memref<!tpu.dma_semaphore, #tpu.memory_space<semaphore_mem>>) src(%arg9 : memref<96x128xf32, #tpu.memory_space<vmem>>) dst(%dma_wait3A_303 : memref<10112x128xf32, #tpu.memory_space<vmem_shared>>)
        tpu.yield
      }) : () -> ()
      %add3A_197 = arith.constant 3 : i32
      %add3A_198 = arith.addi %add3A_187, %add3A_197 : i32
      %lt3A_199 = arith.constant 108 : i32
      %lt3A_200 = arith.cmpi slt, %add3A_198, %lt3A_199 : i32
      %convert_element_type3A_201 = arith.extui %lt3A_200 : i1 to i32
      %cond3A_202 = arith.constant 0 : i32
      %cond3A_203 = arith.cmpi ne, %convert_element_type3A_201, %cond3A_202 : i32
      scf.if %cond3A_203 {
        %dma_wait3A_298 = arith.constant 0 : i32
        %dma_wait3A_299 = tpu.memref_slice %arg3[%add3A, %add3A_198, %dma_wait3A_298] : memref<32x108x96xi32, #tpu.memory_space<hbm>> -> memref<1x1x96xi32, #tpu.memory_space<hbm>>
        %dma_wait3A_300 = tpu.memref_squeeze %dma_wait3A_299 : memref<1x1x96xi32, #tpu.memory_space<hbm>> -> memref<96xi32, #tpu.memory_space<hbm>>
        %dma_wait3A_301 = arith.constant 0 : i32
        %dma_wait3A_302 = tpu.memref_slice %arg3[%add3A, %add3A_198, %dma_wait3A_301] : memref<32x108x96xi32, #tpu.memory_space<hbm>> -> memref<1x1x96xi32, #tpu.memory_space<hbm>>
        %dma_wait3A_303 = tpu.memref_squeeze %dma_wait3A_302 : memref<1x1x96xi32, #tpu.memory_space<hbm>> -> memref<96xi32, #tpu.memory_space<hbm>>
        tpu.wait_dma2 semaphore(%arg31 : memref<!tpu.dma_semaphore, #tpu.memory_space<semaphore_mem>>) src(%dma_wait3A_303 : memref<96xi32, #tpu.memory_space<hbm>>) dst(%arg15 : memref<96xi32, #tpu.memory_space<vmem>>)
        %dma_start3A_304 = arith.constant 0 : i32
        %dma_start3A_305 = arith.constant 0 : i32
        %dma_start3A_306 = tpu.memref_slice %arg2[%dma_start3A_304, %dma_start3A_305] : memref<81920x128xf32, #tpu.memory_space<hbm>> -> memref<81920x128xf32, #tpu.memory_space<hbm>>
        tpu.enqueue_indirect_dma source(%dma_start3A_306 : memref<81920x128xf32, #tpu.memory_space<hbm>>) target(%arg9 : memref<96x128xf32, #tpu.memory_space<vmem>>) offsets(%arg15 : memref<96xi32, #tpu.memory_space<vmem>>) semaphore(%arg25 : memref<!tpu.dma_semaphore, #tpu.memory_space<semaphore_mem>>)
      } else {
      }
      %add3A_204 = arith.constant 6 : i32
      %add3A_205 = arith.addi %add3A_187, %add3A_204 : i32
      %lt3A_206 = arith.constant 108 : i32
      %lt3A_207 = arith.cmpi slt, %add3A_205, %lt3A_206 : i32
      %convert_element_type3A_208 = arith.extui %lt3A_207 : i1 to i32
      %cond3A_209 = arith.constant 0 : i32
      %cond3A_210 = arith.cmpi ne, %convert_element_type3A_208, %cond3A_209 : i32
      scf.if %cond3A_210 {
        %dma_start3A_298 = arith.constant 0 : i32
        %dma_start3A_299 = tpu.memref_slice %arg3[%add3A, %add3A_205, %dma_start3A_298] : memref<32x108x96xi32, #tpu.memory_space<hbm>> -> memref<1x1x96xi32, #tpu.memory_space<hbm>>
        %dma_start3A_300 = tpu.memref_squeeze %dma_start3A_299 : memref<1x1x96xi32, #tpu.memory_space<hbm>> -> memref<96xi32, #tpu.memory_space<hbm>>
        %dma_start3A_301 = arith.constant 0 : i32
        %dma_start3A_302 = tpu.memref_slice %arg3[%add3A, %add3A_205, %dma_start3A_301] : memref<32x108x96xi32, #tpu.memory_space<hbm>> -> memref<1x1x96xi32, #tpu.memory_space<hbm>>
        %dma_start3A_303 = tpu.memref_squeeze %dma_start3A_302 : memref<1x1x96xi32, #tpu.memory_space<hbm>> -> memref<96xi32, #tpu.memory_space<hbm>>
        tpu.enqueue_dma source(%dma_start3A_303 : memref<96xi32, #tpu.memory_space<hbm>>) target(%arg14 : memref<96xi32, #tpu.memory_space<vmem>>) target_semaphore(%arg30 : memref<!tpu.dma_semaphore, #tpu.memory_space<semaphore_mem>>)
        %dma_start3A_304 = arith.constant 0 : i32
        %dma_start3A_305 = tpu.memref_slice %arg4[%add3A, %add3A_205, %dma_start3A_304] : memref<32x108x96xi32, #tpu.memory_space<hbm>> -> memref<1x1x96xi32, #tpu.memory_space<hbm>>
        %dma_start3A_306 = tpu.memref_squeeze %dma_start3A_305 : memref<1x1x96xi32, #tpu.memory_space<hbm>> -> memref<96xi32, #tpu.memory_space<hbm>>
        %dma_start3A_307 = arith.constant 0 : i32
        %dma_start3A_308 = tpu.memref_slice %arg4[%add3A, %add3A_205, %dma_start3A_307] : memref<32x108x96xi32, #tpu.memory_space<hbm>> -> memref<1x1x96xi32, #tpu.memory_space<hbm>>
        %dma_start3A_309 = tpu.memref_squeeze %dma_start3A_308 : memref<1x1x96xi32, #tpu.memory_space<hbm>> -> memref<96xi32, #tpu.memory_space<hbm>>
        tpu.enqueue_dma source(%dma_start3A_309 : memref<96xi32, #tpu.memory_space<hbm>>) target(%arg20 : memref<96xi32, #tpu.memory_space<vmem>>) target_semaphore(%arg36 : memref<!tpu.dma_semaphore, #tpu.memory_space<semaphore_mem>>)
      } else {
      }
      %add3A_211 = arith.constant 1 : i32
      %add3A_212 = arith.addi %mul3A_132, %add3A_211 : i32
      %mul3A_213 = arith.constant 3 : i32
      %mul3A_214 = arith.muli %mul3A_213, %add3A_212 : i32
      %add3A_215 = arith.constant 0 : i32
      %add3A_216 = arith.addi %mul3A_214, %add3A_215 : i32
      %dma_wait3A_217 = arith.constant 0 : i32
      %dma_wait3A_218 = arith.constant 0 : i32
      %dma_wait3A_219 = tpu.memref_slice %arg2[%dma_wait3A_217, %dma_wait3A_218] : memref<81920x128xf32, #tpu.memory_space<hbm>> -> memref<81920x128xf32, #tpu.memory_space<hbm>>
      tpu.wait_indirect_dma semaphore(%arg23 : memref<!tpu.dma_semaphore, #tpu.memory_space<semaphore_mem>>) src(%dma_wait3A_219 : memref<81920x128xf32, #tpu.memory_space<hbm>>) dst(%arg7 : memref<96x128xf32, #tpu.memory_space<vmem>>)
      %dma_wait3A_220 = arith.constant 0 : i32
      %dma_wait3A_221 = tpu.memref_slice %arg4[%add3A, %add3A_216, %dma_wait3A_220] : memref<32x108x96xi32, #tpu.memory_space<hbm>> -> memref<1x1x96xi32, #tpu.memory_space<hbm>>
      %dma_wait3A_222 = tpu.memref_squeeze %dma_wait3A_221 : memref<1x1x96xi32, #tpu.memory_space<hbm>> -> memref<96xi32, #tpu.memory_space<hbm>>
      %dma_wait3A_223 = arith.constant 0 : i32
      %dma_wait3A_224 = tpu.memref_slice %arg4[%add3A, %add3A_216, %dma_wait3A_223] : memref<32x108x96xi32, #tpu.memory_space<hbm>> -> memref<1x1x96xi32, #tpu.memory_space<hbm>>
      %dma_wait3A_225 = tpu.memref_squeeze %dma_wait3A_224 : memref<1x1x96xi32, #tpu.memory_space<hbm>> -> memref<96xi32, #tpu.memory_space<hbm>>
      tpu.wait_dma2 semaphore(%arg33 : memref<!tpu.dma_semaphore, #tpu.memory_space<semaphore_mem>>) src(%dma_wait3A_225 : memref<96xi32, #tpu.memory_space<hbm>>) dst(%arg17 : memref<96xi32, #tpu.memory_space<vmem>>)
      "tpu.region"() ({
        %run_scoped3A = tpu.sem_alloc : memref<!tpu.dma_semaphore, #tpu.memory_space<semaphore_mem>>
        %dma_start3A_298 = arith.constant 0 : i32
        %dma_start3A_299 = arith.constant 0 : i32
        %dma_start3A_300 = tpu.memref_slice %arg22[%dma_start3A_298, %dma_start3A_299] : memref<10112x128xf32, #tpu.memory_space<vmem_shared>> -> memref<10112x128xf32, #tpu.memory_space<vmem_shared>>
        tpu.enqueue_indirect_dma source(%arg7 : memref<96x128xf32, #tpu.memory_space<vmem>>) target(%dma_start3A_300 : memref<10112x128xf32, #tpu.memory_space<vmem_shared>>) offsets(%arg17 : memref<96xi32, #tpu.memory_space<vmem>>) semaphore(%run_scoped3A : memref<!tpu.dma_semaphore, #tpu.memory_space<semaphore_mem>>) {add = true}
        %dma_wait3A_301 = arith.constant 0 : i32
        %dma_wait3A_302 = arith.constant 0 : i32
        %dma_wait3A_303 = tpu.memref_slice %arg22[%dma_wait3A_301, %dma_wait3A_302] : memref<10112x128xf32, #tpu.memory_space<vmem_shared>> -> memref<10112x128xf32, #tpu.memory_space<vmem_shared>>
        tpu.wait_indirect_dma semaphore(%run_scoped3A : memref<!tpu.dma_semaphore, #tpu.memory_space<semaphore_mem>>) src(%arg7 : memref<96x128xf32, #tpu.memory_space<vmem>>) dst(%dma_wait3A_303 : memref<10112x128xf32, #tpu.memory_space<vmem_shared>>)
        tpu.yield
      }) : () -> ()
      %add3A_226 = arith.constant 3 : i32
      %add3A_227 = arith.addi %add3A_216, %add3A_226 : i32
      %lt3A_228 = arith.constant 108 : i32
      %lt3A_229 = arith.cmpi slt, %add3A_227, %lt3A_228 : i32
      %convert_element_type3A_230 = arith.extui %lt3A_229 : i1 to i32
      %cond3A_231 = arith.constant 0 : i32
      %cond3A_232 = arith.cmpi ne, %convert_element_type3A_230, %cond3A_231 : i32
      scf.if %cond3A_232 {
        %dma_wait3A_298 = arith.constant 0 : i32
        %dma_wait3A_299 = tpu.memref_slice %arg3[%add3A, %add3A_227, %dma_wait3A_298] : memref<32x108x96xi32, #tpu.memory_space<hbm>> -> memref<1x1x96xi32, #tpu.memory_space<hbm>>
        %dma_wait3A_300 = tpu.memref_squeeze %dma_wait3A_299 : memref<1x1x96xi32, #tpu.memory_space<hbm>> -> memref<96xi32, #tpu.memory_space<hbm>>
        %dma_wait3A_301 = arith.constant 0 : i32
        %dma_wait3A_302 = tpu.memref_slice %arg3[%add3A, %add3A_227, %dma_wait3A_301] : memref<32x108x96xi32, #tpu.memory_space<hbm>> -> memref<1x1x96xi32, #tpu.memory_space<hbm>>
        %dma_wait3A_303 = tpu.memref_squeeze %dma_wait3A_302 : memref<1x1x96xi32, #tpu.memory_space<hbm>> -> memref<96xi32, #tpu.memory_space<hbm>>
        tpu.wait_dma2 semaphore(%arg26 : memref<!tpu.dma_semaphore, #tpu.memory_space<semaphore_mem>>) src(%dma_wait3A_303 : memref<96xi32, #tpu.memory_space<hbm>>) dst(%arg10 : memref<96xi32, #tpu.memory_space<vmem>>)
        %dma_start3A_304 = arith.constant 0 : i32
        %dma_start3A_305 = arith.constant 0 : i32
        %dma_start3A_306 = tpu.memref_slice %arg2[%dma_start3A_304, %dma_start3A_305] : memref<81920x128xf32, #tpu.memory_space<hbm>> -> memref<81920x128xf32, #tpu.memory_space<hbm>>
        tpu.enqueue_indirect_dma source(%dma_start3A_306 : memref<81920x128xf32, #tpu.memory_space<hbm>>) target(%arg7 : memref<96x128xf32, #tpu.memory_space<vmem>>) offsets(%arg10 : memref<96xi32, #tpu.memory_space<vmem>>) semaphore(%arg23 : memref<!tpu.dma_semaphore, #tpu.memory_space<semaphore_mem>>)
      } else {
      }
      %add3A_233 = arith.constant 6 : i32
      %add3A_234 = arith.addi %add3A_216, %add3A_233 : i32
      %lt3A_235 = arith.constant 108 : i32
      %lt3A_236 = arith.cmpi slt, %add3A_234, %lt3A_235 : i32
      %convert_element_type3A_237 = arith.extui %lt3A_236 : i1 to i32
      %cond3A_238 = arith.constant 0 : i32
      %cond3A_239 = arith.cmpi ne, %convert_element_type3A_237, %cond3A_238 : i32
      scf.if %cond3A_239 {
        %dma_start3A_298 = arith.constant 0 : i32
        %dma_start3A_299 = tpu.memref_slice %arg3[%add3A, %add3A_234, %dma_start3A_298] : memref<32x108x96xi32, #tpu.memory_space<hbm>> -> memref<1x1x96xi32, #tpu.memory_space<hbm>>
        %dma_start3A_300 = tpu.memref_squeeze %dma_start3A_299 : memref<1x1x96xi32, #tpu.memory_space<hbm>> -> memref<96xi32, #tpu.memory_space<hbm>>
        %dma_start3A_301 = arith.constant 0 : i32
        %dma_start3A_302 = tpu.memref_slice %arg3[%add3A, %add3A_234, %dma_start3A_301] : memref<32x108x96xi32, #tpu.memory_space<hbm>> -> memref<1x1x96xi32, #tpu.memory_space<hbm>>
        %dma_start3A_303 = tpu.memref_squeeze %dma_start3A_302 : memref<1x1x96xi32, #tpu.memory_space<hbm>> -> memref<96xi32, #tpu.memory_space<hbm>>
        tpu.enqueue_dma source(%dma_start3A_303 : memref<96xi32, #tpu.memory_space<hbm>>) target(%arg11 : memref<96xi32, #tpu.memory_space<vmem>>) target_semaphore(%arg27 : memref<!tpu.dma_semaphore, #tpu.memory_space<semaphore_mem>>)
        %dma_start3A_304 = arith.constant 0 : i32
        %dma_start3A_305 = tpu.memref_slice %arg4[%add3A, %add3A_234, %dma_start3A_304] : memref<32x108x96xi32, #tpu.memory_space<hbm>> -> memref<1x1x96xi32, #tpu.memory_space<hbm>>
        %dma_start3A_306 = tpu.memref_squeeze %dma_start3A_305 : memref<1x1x96xi32, #tpu.memory_space<hbm>> -> memref<96xi32, #tpu.memory_space<hbm>>
        %dma_start3A_307 = arith.constant 0 : i32
        %dma_start3A_308 = tpu.memref_slice %arg4[%add3A, %add3A_234, %dma_start3A_307] : memref<32x108x96xi32, #tpu.memory_space<hbm>> -> memref<1x1x96xi32, #tpu.memory_space<hbm>>
        %dma_start3A_309 = tpu.memref_squeeze %dma_start3A_308 : memref<1x1x96xi32, #tpu.memory_space<hbm>> -> memref<96xi32, #tpu.memory_space<hbm>>
        tpu.enqueue_dma source(%dma_start3A_309 : memref<96xi32, #tpu.memory_space<hbm>>) target(%arg17 : memref<96xi32, #tpu.memory_space<vmem>>) target_semaphore(%arg33 : memref<!tpu.dma_semaphore, #tpu.memory_space<semaphore_mem>>)
      } else {
      }
      %add3A_240 = arith.constant 1 : i32
      %add3A_241 = arith.addi %mul3A_132, %add3A_240 : i32
      %mul3A_242 = arith.constant 3 : i32
      %mul3A_243 = arith.muli %mul3A_242, %add3A_241 : i32
      %add3A_244 = arith.constant 1 : i32
      %add3A_245 = arith.addi %mul3A_243, %add3A_244 : i32
      %dma_wait3A_246 = arith.constant 0 : i32
      %dma_wait3A_247 = arith.constant 0 : i32
      %dma_wait3A_248 = tpu.memref_slice %arg2[%dma_wait3A_246, %dma_wait3A_247] : memref<81920x128xf32, #tpu.memory_space<hbm>> -> memref<81920x128xf32, #tpu.memory_space<hbm>>
      tpu.wait_indirect_dma semaphore(%arg24 : memref<!tpu.dma_semaphore, #tpu.memory_space<semaphore_mem>>) src(%dma_wait3A_248 : memref<81920x128xf32, #tpu.memory_space<hbm>>) dst(%arg8 : memref<96x128xf32, #tpu.memory_space<vmem>>)
      %dma_wait3A_249 = arith.constant 0 : i32
      %dma_wait3A_250 = tpu.memref_slice %arg4[%add3A, %add3A_245, %dma_wait3A_249] : memref<32x108x96xi32, #tpu.memory_space<hbm>> -> memref<1x1x96xi32, #tpu.memory_space<hbm>>
      %dma_wait3A_251 = tpu.memref_squeeze %dma_wait3A_250 : memref<1x1x96xi32, #tpu.memory_space<hbm>> -> memref<96xi32, #tpu.memory_space<hbm>>
      %dma_wait3A_252 = arith.constant 0 : i32
      %dma_wait3A_253 = tpu.memref_slice %arg4[%add3A, %add3A_245, %dma_wait3A_252] : memref<32x108x96xi32, #tpu.memory_space<hbm>> -> memref<1x1x96xi32, #tpu.memory_space<hbm>>
      %dma_wait3A_254 = tpu.memref_squeeze %dma_wait3A_253 : memref<1x1x96xi32, #tpu.memory_space<hbm>> -> memref<96xi32, #tpu.memory_space<hbm>>
      tpu.wait_dma2 semaphore(%arg35 : memref<!tpu.dma_semaphore, #tpu.memory_space<semaphore_mem>>) src(%dma_wait3A_254 : memref<96xi32, #tpu.memory_space<hbm>>) dst(%arg19 : memref<96xi32, #tpu.memory_space<vmem>>)
      "tpu.region"() ({
        %run_scoped3A = tpu.sem_alloc : memref<!tpu.dma_semaphore, #tpu.memory_space<semaphore_mem>>
        %dma_start3A_298 = arith.constant 0 : i32
        %dma_start3A_299 = arith.constant 0 : i32
        %dma_start3A_300 = tpu.memref_slice %arg22[%dma_start3A_298, %dma_start3A_299] : memref<10112x128xf32, #tpu.memory_space<vmem_shared>> -> memref<10112x128xf32, #tpu.memory_space<vmem_shared>>
        tpu.enqueue_indirect_dma source(%arg8 : memref<96x128xf32, #tpu.memory_space<vmem>>) target(%dma_start3A_300 : memref<10112x128xf32, #tpu.memory_space<vmem_shared>>) offsets(%arg19 : memref<96xi32, #tpu.memory_space<vmem>>) semaphore(%run_scoped3A : memref<!tpu.dma_semaphore, #tpu.memory_space<semaphore_mem>>) {add = true}
        %dma_wait3A_301 = arith.constant 0 : i32
        %dma_wait3A_302 = arith.constant 0 : i32
        %dma_wait3A_303 = tpu.memref_slice %arg22[%dma_wait3A_301, %dma_wait3A_302] : memref<10112x128xf32, #tpu.memory_space<vmem_shared>> -> memref<10112x128xf32, #tpu.memory_space<vmem_shared>>
        tpu.wait_indirect_dma semaphore(%run_scoped3A : memref<!tpu.dma_semaphore, #tpu.memory_space<semaphore_mem>>) src(%arg8 : memref<96x128xf32, #tpu.memory_space<vmem>>) dst(%dma_wait3A_303 : memref<10112x128xf32, #tpu.memory_space<vmem_shared>>)
        tpu.yield
      }) : () -> ()
      %add3A_255 = arith.constant 3 : i32
      %add3A_256 = arith.addi %add3A_245, %add3A_255 : i32
      %lt3A_257 = arith.constant 108 : i32
      %lt3A_258 = arith.cmpi slt, %add3A_256, %lt3A_257 : i32
      %convert_element_type3A_259 = arith.extui %lt3A_258 : i1 to i32
      %cond3A_260 = arith.constant 0 : i32
      %cond3A_261 = arith.cmpi ne, %convert_element_type3A_259, %cond3A_260 : i32
      scf.if %cond3A_261 {
        %dma_wait3A_298 = arith.constant 0 : i32
        %dma_wait3A_299 = tpu.memref_slice %arg3[%add3A, %add3A_256, %dma_wait3A_298] : memref<32x108x96xi32, #tpu.memory_space<hbm>> -> memref<1x1x96xi32, #tpu.memory_space<hbm>>
        %dma_wait3A_300 = tpu.memref_squeeze %dma_wait3A_299 : memref<1x1x96xi32, #tpu.memory_space<hbm>> -> memref<96xi32, #tpu.memory_space<hbm>>
        %dma_wait3A_301 = arith.constant 0 : i32
        %dma_wait3A_302 = tpu.memref_slice %arg3[%add3A, %add3A_256, %dma_wait3A_301] : memref<32x108x96xi32, #tpu.memory_space<hbm>> -> memref<1x1x96xi32, #tpu.memory_space<hbm>>
        %dma_wait3A_303 = tpu.memref_squeeze %dma_wait3A_302 : memref<1x1x96xi32, #tpu.memory_space<hbm>> -> memref<96xi32, #tpu.memory_space<hbm>>
        tpu.wait_dma2 semaphore(%arg28 : memref<!tpu.dma_semaphore, #tpu.memory_space<semaphore_mem>>) src(%dma_wait3A_303 : memref<96xi32, #tpu.memory_space<hbm>>) dst(%arg12 : memref<96xi32, #tpu.memory_space<vmem>>)
        %dma_start3A_304 = arith.constant 0 : i32
        %dma_start3A_305 = arith.constant 0 : i32
        %dma_start3A_306 = tpu.memref_slice %arg2[%dma_start3A_304, %dma_start3A_305] : memref<81920x128xf32, #tpu.memory_space<hbm>> -> memref<81920x128xf32, #tpu.memory_space<hbm>>
        tpu.enqueue_indirect_dma source(%dma_start3A_306 : memref<81920x128xf32, #tpu.memory_space<hbm>>) target(%arg8 : memref<96x128xf32, #tpu.memory_space<vmem>>) offsets(%arg12 : memref<96xi32, #tpu.memory_space<vmem>>) semaphore(%arg24 : memref<!tpu.dma_semaphore, #tpu.memory_space<semaphore_mem>>)
      } else {
      }
      %add3A_262 = arith.constant 6 : i32
      %add3A_263 = arith.addi %add3A_245, %add3A_262 : i32
      %lt3A_264 = arith.constant 108 : i32
      %lt3A_265 = arith.cmpi slt, %add3A_263, %lt3A_264 : i32
      %convert_element_type3A_266 = arith.extui %lt3A_265 : i1 to i32
      %cond3A_267 = arith.constant 0 : i32
      %cond3A_268 = arith.cmpi ne, %convert_element_type3A_266, %cond3A_267 : i32
      scf.if %cond3A_268 {
        %dma_start3A_298 = arith.constant 0 : i32
        %dma_start3A_299 = tpu.memref_slice %arg3[%add3A, %add3A_263, %dma_start3A_298] : memref<32x108x96xi32, #tpu.memory_space<hbm>> -> memref<1x1x96xi32, #tpu.memory_space<hbm>>
        %dma_start3A_300 = tpu.memref_squeeze %dma_start3A_299 : memref<1x1x96xi32, #tpu.memory_space<hbm>> -> memref<96xi32, #tpu.memory_space<hbm>>
        %dma_start3A_301 = arith.constant 0 : i32
        %dma_start3A_302 = tpu.memref_slice %arg3[%add3A, %add3A_263, %dma_start3A_301] : memref<32x108x96xi32, #tpu.memory_space<hbm>> -> memref<1x1x96xi32, #tpu.memory_space<hbm>>
        %dma_start3A_303 = tpu.memref_squeeze %dma_start3A_302 : memref<1x1x96xi32, #tpu.memory_space<hbm>> -> memref<96xi32, #tpu.memory_space<hbm>>
        tpu.enqueue_dma source(%dma_start3A_303 : memref<96xi32, #tpu.memory_space<hbm>>) target(%arg13 : memref<96xi32, #tpu.memory_space<vmem>>) target_semaphore(%arg29 : memref<!tpu.dma_semaphore, #tpu.memory_space<semaphore_mem>>)
        %dma_start3A_304 = arith.constant 0 : i32
        %dma_start3A_305 = tpu.memref_slice %arg4[%add3A, %add3A_263, %dma_start3A_304] : memref<32x108x96xi32, #tpu.memory_space<hbm>> -> memref<1x1x96xi32, #tpu.memory_space<hbm>>
        %dma_start3A_306 = tpu.memref_squeeze %dma_start3A_305 : memref<1x1x96xi32, #tpu.memory_space<hbm>> -> memref<96xi32, #tpu.memory_space<hbm>>
        %dma_start3A_307 = arith.constant 0 : i32
        %dma_start3A_308 = tpu.memref_slice %arg4[%add3A, %add3A_263, %dma_start3A_307] : memref<32x108x96xi32, #tpu.memory_space<hbm>> -> memref<1x1x96xi32, #tpu.memory_space<hbm>>
        %dma_start3A_309 = tpu.memref_squeeze %dma_start3A_308 : memref<1x1x96xi32, #tpu.memory_space<hbm>> -> memref<96xi32, #tpu.memory_space<hbm>>
        tpu.enqueue_dma source(%dma_start3A_309 : memref<96xi32, #tpu.memory_space<hbm>>) target(%arg19 : memref<96xi32, #tpu.memory_space<vmem>>) target_semaphore(%arg35 : memref<!tpu.dma_semaphore, #tpu.memory_space<semaphore_mem>>)
      } else {
      }
      %add3A_269 = arith.constant 1 : i32
      %add3A_270 = arith.addi %mul3A_132, %add3A_269 : i32
      %mul3A_271 = arith.constant 3 : i32
      %mul3A_272 = arith.muli %mul3A_271, %add3A_270 : i32
      %add3A_273 = arith.constant 2 : i32
      %add3A_274 = arith.addi %mul3A_272, %add3A_273 : i32
      %dma_wait3A_275 = arith.constant 0 : i32
      %dma_wait3A_276 = arith.constant 0 : i32
      %dma_wait3A_277 = tpu.memref_slice %arg2[%dma_wait3A_275, %dma_wait3A_276] : memref<81920x128xf32, #tpu.memory_space<hbm>> -> memref<81920x128xf32, #tpu.memory_space<hbm>>
      tpu.wait_indirect_dma semaphore(%arg25 : memref<!tpu.dma_semaphore, #tpu.memory_space<semaphore_mem>>) src(%dma_wait3A_277 : memref<81920x128xf32, #tpu.memory_space<hbm>>) dst(%arg9 : memref<96x128xf32, #tpu.memory_space<vmem>>)
      %dma_wait3A_278 = arith.constant 0 : i32
      %dma_wait3A_279 = tpu.memref_slice %arg4[%add3A, %add3A_274, %dma_wait3A_278] : memref<32x108x96xi32, #tpu.memory_space<hbm>> -> memref<1x1x96xi32, #tpu.memory_space<hbm>>
      %dma_wait3A_280 = tpu.memref_squeeze %dma_wait3A_279 : memref<1x1x96xi32, #tpu.memory_space<hbm>> -> memref<96xi32, #tpu.memory_space<hbm>>
      %dma_wait3A_281 = arith.constant 0 : i32
      %dma_wait3A_282 = tpu.memref_slice %arg4[%add3A, %add3A_274, %dma_wait3A_281] : memref<32x108x96xi32, #tpu.memory_space<hbm>> -> memref<1x1x96xi32, #tpu.memory_space<hbm>>
      %dma_wait3A_283 = tpu.memref_squeeze %dma_wait3A_282 : memref<1x1x96xi32, #tpu.memory_space<hbm>> -> memref<96xi32, #tpu.memory_space<hbm>>
      tpu.wait_dma2 semaphore(%arg37 : memref<!tpu.dma_semaphore, #tpu.memory_space<semaphore_mem>>) src(%dma_wait3A_283 : memref<96xi32, #tpu.memory_space<hbm>>) dst(%arg21 : memref<96xi32, #tpu.memory_space<vmem>>)
      "tpu.region"() ({
        %run_scoped3A = tpu.sem_alloc : memref<!tpu.dma_semaphore, #tpu.memory_space<semaphore_mem>>
        %dma_start3A_298 = arith.constant 0 : i32
        %dma_start3A_299 = arith.constant 0 : i32
        %dma_start3A_300 = tpu.memref_slice %arg22[%dma_start3A_298, %dma_start3A_299] : memref<10112x128xf32, #tpu.memory_space<vmem_shared>> -> memref<10112x128xf32, #tpu.memory_space<vmem_shared>>
        tpu.enqueue_indirect_dma source(%arg9 : memref<96x128xf32, #tpu.memory_space<vmem>>) target(%dma_start3A_300 : memref<10112x128xf32, #tpu.memory_space<vmem_shared>>) offsets(%arg21 : memref<96xi32, #tpu.memory_space<vmem>>) semaphore(%run_scoped3A : memref<!tpu.dma_semaphore, #tpu.memory_space<semaphore_mem>>) {add = true}
        %dma_wait3A_301 = arith.constant 0 : i32
        %dma_wait3A_302 = arith.constant 0 : i32
        %dma_wait3A_303 = tpu.memref_slice %arg22[%dma_wait3A_301, %dma_wait3A_302] : memref<10112x128xf32, #tpu.memory_space<vmem_shared>> -> memref<10112x128xf32, #tpu.memory_space<vmem_shared>>
        tpu.wait_indirect_dma semaphore(%run_scoped3A : memref<!tpu.dma_semaphore, #tpu.memory_space<semaphore_mem>>) src(%arg9 : memref<96x128xf32, #tpu.memory_space<vmem>>) dst(%dma_wait3A_303 : memref<10112x128xf32, #tpu.memory_space<vmem_shared>>)
        tpu.yield
      }) : () -> ()
      %add3A_284 = arith.constant 3 : i32
      %add3A_285 = arith.addi %add3A_274, %add3A_284 : i32
      %lt3A_286 = arith.constant 108 : i32
      %lt3A_287 = arith.cmpi slt, %add3A_285, %lt3A_286 : i32
      %convert_element_type3A_288 = arith.extui %lt3A_287 : i1 to i32
      %cond3A_289 = arith.constant 0 : i32
      %cond3A_290 = arith.cmpi ne, %convert_element_type3A_288, %cond3A_289 : i32
      scf.if %cond3A_290 {
        %dma_wait3A_298 = arith.constant 0 : i32
        %dma_wait3A_299 = tpu.memref_slice %arg3[%add3A, %add3A_285, %dma_wait3A_298] : memref<32x108x96xi32, #tpu.memory_space<hbm>> -> memref<1x1x96xi32, #tpu.memory_space<hbm>>
        %dma_wait3A_300 = tpu.memref_squeeze %dma_wait3A_299 : memref<1x1x96xi32, #tpu.memory_space<hbm>> -> memref<96xi32, #tpu.memory_space<hbm>>
        %dma_wait3A_301 = arith.constant 0 : i32
        %dma_wait3A_302 = tpu.memref_slice %arg3[%add3A, %add3A_285, %dma_wait3A_301] : memref<32x108x96xi32, #tpu.memory_space<hbm>> -> memref<1x1x96xi32, #tpu.memory_space<hbm>>
        %dma_wait3A_303 = tpu.memref_squeeze %dma_wait3A_302 : memref<1x1x96xi32, #tpu.memory_space<hbm>> -> memref<96xi32, #tpu.memory_space<hbm>>
        tpu.wait_dma2 semaphore(%arg30 : memref<!tpu.dma_semaphore, #tpu.memory_space<semaphore_mem>>) src(%dma_wait3A_303 : memref<96xi32, #tpu.memory_space<hbm>>) dst(%arg14 : memref<96xi32, #tpu.memory_space<vmem>>)
        %dma_start3A_304 = arith.constant 0 : i32
        %dma_start3A_305 = arith.constant 0 : i32
        %dma_start3A_306 = tpu.memref_slice %arg2[%dma_start3A_304, %dma_start3A_305] : memref<81920x128xf32, #tpu.memory_space<hbm>> -> memref<81920x128xf32, #tpu.memory_space<hbm>>
        tpu.enqueue_indirect_dma source(%dma_start3A_306 : memref<81920x128xf32, #tpu.memory_space<hbm>>) target(%arg9 : memref<96x128xf32, #tpu.memory_space<vmem>>) offsets(%arg14 : memref<96xi32, #tpu.memory_space<vmem>>) semaphore(%arg25 : memref<!tpu.dma_semaphore, #tpu.memory_space<semaphore_mem>>)
      } else {
      }
      %add3A_291 = arith.constant 6 : i32
      %add3A_292 = arith.addi %add3A_274, %add3A_291 : i32
      %lt3A_293 = arith.constant 108 : i32
      %lt3A_294 = arith.cmpi slt, %add3A_292, %lt3A_293 : i32
      %convert_element_type3A_295 = arith.extui %lt3A_294 : i1 to i32
      %cond3A_296 = arith.constant 0 : i32
      %cond3A_297 = arith.cmpi ne, %convert_element_type3A_295, %cond3A_296 : i32
      scf.if %cond3A_297 {
        %dma_start3A_298 = arith.constant 0 : i32
        %dma_start3A_299 = tpu.memref_slice %arg3[%add3A, %add3A_292, %dma_start3A_298] : memref<32x108x96xi32, #tpu.memory_space<hbm>> -> memref<1x1x96xi32, #tpu.memory_space<hbm>>
        %dma_start3A_300 = tpu.memref_squeeze %dma_start3A_299 : memref<1x1x96xi32, #tpu.memory_space<hbm>> -> memref<96xi32, #tpu.memory_space<hbm>>
        %dma_start3A_301 = arith.constant 0 : i32
        %dma_start3A_302 = tpu.memref_slice %arg3[%add3A, %add3A_292, %dma_start3A_301] : memref<32x108x96xi32, #tpu.memory_space<hbm>> -> memref<1x1x96xi32, #tpu.memory_space<hbm>>
        %dma_start3A_303 = tpu.memref_squeeze %dma_start3A_302 : memref<1x1x96xi32, #tpu.memory_space<hbm>> -> memref<96xi32, #tpu.memory_space<hbm>>
        tpu.enqueue_dma source(%dma_start3A_303 : memref<96xi32, #tpu.memory_space<hbm>>) target(%arg15 : memref<96xi32, #tpu.memory_space<vmem>>) target_semaphore(%arg31 : memref<!tpu.dma_semaphore, #tpu.memory_space<semaphore_mem>>)
        %dma_start3A_304 = arith.constant 0 : i32
        %dma_start3A_305 = tpu.memref_slice %arg4[%add3A, %add3A_292, %dma_start3A_304] : memref<32x108x96xi32, #tpu.memory_space<hbm>> -> memref<1x1x96xi32, #tpu.memory_space<hbm>>
        %dma_start3A_306 = tpu.memref_squeeze %dma_start3A_305 : memref<1x1x96xi32, #tpu.memory_space<hbm>> -> memref<96xi32, #tpu.memory_space<hbm>>
        %dma_start3A_307 = arith.constant 0 : i32
        %dma_start3A_308 = tpu.memref_slice %arg4[%add3A, %add3A_292, %dma_start3A_307] : memref<32x108x96xi32, #tpu.memory_space<hbm>> -> memref<1x1x96xi32, #tpu.memory_space<hbm>>
        %dma_start3A_309 = tpu.memref_squeeze %dma_start3A_308 : memref<1x1x96xi32, #tpu.memory_space<hbm>> -> memref<96xi32, #tpu.memory_space<hbm>>
        tpu.enqueue_dma source(%dma_start3A_309 : memref<96xi32, #tpu.memory_space<hbm>>) target(%arg21 : memref<96xi32, #tpu.memory_space<vmem>>) target_semaphore(%arg37 : memref<!tpu.dma_semaphore, #tpu.memory_space<semaphore_mem>>)
      } else {
      }
    }
    %scan3A_121 = arith.constant 18 : i32
    %barrier3A_122 = arith.constant 0 : index
    tpu.barrier barrier_id(%barrier3A_122)
    %mul3A_123 = arith.constant 632 : i32
    %mul3A_124 = arith.muli %arg1, %mul3A_123 : i32
    %mul3A_125 = arith.constant 10240 : i32
    %mul3A_126 = arith.muli %arg0, %mul3A_125 : i32
    %mul3A_127 = arith.constant 632 : i32
    %mul3A_128 = arith.muli %arg1, %mul3A_127 : i32
    %add3A_129 = arith.addi %mul3A_126, %mul3A_128 : i32
    "tpu.region"() ({
      %run_scoped3A = tpu.sem_alloc : memref<!tpu.dma_semaphore, #tpu.memory_space<semaphore_mem>>
      %dma_start3A_130 = arith.constant 0 : i32
      %dma_start3A_131 = tpu.memref_slice %arg6[%add3A_129, %dma_start3A_130] : memref<20480x128xf32, #tpu.memory_space<hbm>> -> memref<632x128xf32, #tpu.memory_space<hbm>>
      %dma_start3A_132 = arith.constant 0 : i32
      %dma_start3A_133 = tpu.memref_slice %arg22[%mul3A_124, %dma_start3A_132] : memref<10112x128xf32, #tpu.memory_space<vmem_shared>> -> memref<632x128xf32, #tpu.memory_space<vmem_shared>>
      tpu.enqueue_dma source(%dma_start3A_133 : memref<632x128xf32, #tpu.memory_space<vmem_shared>>) target(%dma_start3A_131 : memref<632x128xf32, #tpu.memory_space<hbm>>) target_semaphore(%run_scoped3A : memref<!tpu.dma_semaphore, #tpu.memory_space<semaphore_mem>>)
      %dma_wait3A_134 = arith.constant 0 : i32
      %dma_wait3A_135 = tpu.memref_slice %arg6[%add3A_129, %dma_wait3A_134] : memref<20480x128xf32, #tpu.memory_space<hbm>> -> memref<632x128xf32, #tpu.memory_space<hbm>>
      %dma_wait3A_136 = arith.constant 0 : i32
      %dma_wait3A_137 = tpu.memref_slice %arg22[%mul3A_124, %dma_wait3A_136] : memref<10112x128xf32, #tpu.memory_space<vmem_shared>> -> memref<632x128xf32, #tpu.memory_space<vmem_shared>>
      tpu.wait_dma2 semaphore(%run_scoped3A : memref<!tpu.dma_semaphore, #tpu.memory_space<semaphore_mem>>) src(%dma_wait3A_137 : memref<632x128xf32, #tpu.memory_space<vmem_shared>>) dst(%dma_wait3A_135 : memref<632x128xf32, #tpu.memory_space<hbm>>)
      tpu.yield
    }) : () -> ()
    return
  }
}

module attributes {stable_mosaic.version = 14 : i64} {
  func.func @_table_body(%arg0: i32, %arg1: i32, %arg2: memref<8x4xf32, #tpu.memory_space<smem>>, %arg3: memref<2048x128xf32, #tpu.memory_space<vmem>>, %arg4: memref<4x128x128xf32, #tpu.memory_space<vmem>>, %arg5: memref<2048x128xf32, #tpu.memory_space<vmem>>) attributes {dimension_semantics = [#tpu.dimension_semantics<arbitrary>, #tpu.dimension_semantics<arbitrary>], iteration_bounds = array<i64: 5, 8>, scalar_prefetch = 0 : i64, scratch_operands = 0 : i64, tpu.core_type = #tpu.core_type<tc>, window_params = [{transform_indices = @transform_0, window_bounds = array<i64: 8, 4>}, {transform_indices = @transform_1, window_bounds = array<i64: 2048, 128>}, {pipeline_mode = #tpu.pipeline_mode<synchronous>, transform_indices = @transform_2, window_bounds = array<i64: 4, 128, 128>}, {transform_indices = @transform_3, window_bounds = array<i64: 2048, 128>}]} {
    %get3A = arith.index_cast %arg1 : i32 to index
    %get3A_0 = arith.constant 0 : index
    %get3A_1 = memref.load %arg2[%get3A, %get3A_0] : memref<8x4xf32, #tpu.memory_space<smem>>
    %get3A_2 = arith.constant 0 : index
    %get3A_3 = arith.constant 0 : index
    %get3A_4 = arith.constant 0 : index
    %get3A_5 = vector.load %arg4[%get3A_2, %get3A_3, %get3A_4] : memref<4x128x128xf32, #tpu.memory_space<vmem>>, vector<1x128x128xf32>
    %get3A_6 = vector.shape_cast %get3A_5 : vector<1x128x128xf32> to vector<128x128xf32>
    %mul3A = vector.broadcast %get3A_1 : f32 to vector<128x128xf32>
    %mul3A_7 = arith.mulf %mul3A, %get3A_6 : vector<128x128xf32>
    %get3A_8 = arith.index_cast %arg1 : i32 to index
    %get3A_9 = arith.constant 1 : index
    %get3A_10 = memref.load %arg2[%get3A_8, %get3A_9] : memref<8x4xf32, #tpu.memory_space<smem>>
    %get3A_11 = arith.constant 1 : index
    %get3A_12 = arith.constant 0 : index
    %get3A_13 = arith.constant 0 : index
    %get3A_14 = vector.load %arg4[%get3A_11, %get3A_12, %get3A_13] : memref<4x128x128xf32, #tpu.memory_space<vmem>>, vector<1x128x128xf32>
    %get3A_15 = vector.shape_cast %get3A_14 : vector<1x128x128xf32> to vector<128x128xf32>
    %mul3A_16 = vector.broadcast %get3A_10 : f32 to vector<128x128xf32>
    %mul3A_17 = arith.mulf %mul3A_16, %get3A_15 : vector<128x128xf32>
    %add3A = arith.addf %mul3A_7, %mul3A_17 : vector<128x128xf32>
    %get3A_18 = arith.index_cast %arg1 : i32 to index
    %get3A_19 = arith.constant 2 : index
    %get3A_20 = memref.load %arg2[%get3A_18, %get3A_19] : memref<8x4xf32, #tpu.memory_space<smem>>
    %get3A_21 = arith.constant 2 : index
    %get3A_22 = arith.constant 0 : index
    %get3A_23 = arith.constant 0 : index
    %get3A_24 = vector.load %arg4[%get3A_21, %get3A_22, %get3A_23] : memref<4x128x128xf32, #tpu.memory_space<vmem>>, vector<1x128x128xf32>
    %get3A_25 = vector.shape_cast %get3A_24 : vector<1x128x128xf32> to vector<128x128xf32>
    %mul3A_26 = vector.broadcast %get3A_20 : f32 to vector<128x128xf32>
    %mul3A_27 = arith.mulf %mul3A_26, %get3A_25 : vector<128x128xf32>
    %add3A_28 = arith.addf %add3A, %mul3A_27 : vector<128x128xf32>
    %get3A_29 = arith.index_cast %arg1 : i32 to index
    %get3A_30 = arith.constant 3 : index
    %get3A_31 = memref.load %arg2[%get3A_29, %get3A_30] : memref<8x4xf32, #tpu.memory_space<smem>>
    %get3A_32 = arith.constant 3 : index
    %get3A_33 = arith.constant 0 : index
    %get3A_34 = arith.constant 0 : index
    %get3A_35 = vector.load %arg4[%get3A_32, %get3A_33, %get3A_34] : memref<4x128x128xf32, #tpu.memory_space<vmem>>, vector<1x128x128xf32>
    %get3A_36 = vector.shape_cast %get3A_35 : vector<1x128x128xf32> to vector<128x128xf32>
    %mul3A_37 = vector.broadcast %get3A_31 : f32 to vector<128x128xf32>
    %mul3A_38 = arith.mulf %mul3A_37, %get3A_36 : vector<128x128xf32>
    %add3A_39 = arith.addf %add3A_28, %mul3A_38 : vector<128x128xf32>
    %get3A_40 = arith.constant 0 : index
    %get3A_41 = arith.constant 0 : index
    %get3A_42 = vector.load %arg3[%get3A_40, %get3A_41] : memref<2048x128xf32, #tpu.memory_space<vmem>>, vector<2048x128xf32>
    %dot_general3A = arith.constant dense<0.000000e+00> : vector<2048x128xf32>
    %dot_general3A_43 = tpu.matmul %get3A_42, %add3A_39, %dot_general3A {dimension_numbers = #tpu.dot_dimension_numbers<[1], [0], [0], [1], [0, 0, 1, 1], [], []>, transpose_lhs_hint = false} : vector<2048x128xf32>, vector<128x128xf32>, vector<2048x128xf32> -> vector<2048x128xf32>
    %swap3A = arith.constant 0 : index
    %swap3A_44 = arith.constant 0 : index
    %swap3A_45 = vector.load %arg5[%swap3A, %swap3A_44] : memref<2048x128xf32, #tpu.memory_space<vmem>>, vector<2048x128xf32>
    tpu.vector_store %arg5[%swap3A, %swap3A_44], %dot_general3A_43 {strides = array<i32>} : memref<2048x128xf32, #tpu.memory_space<vmem>>, vector<2048x128xf32>,
    return
  }
  func.func @transform_0(%arg0: i32, %arg1: i32) -> (i32, i32) {
    %c0_i32 = arith.constant 0 : i32
    %c0_i32_0 = arith.constant 0 : i32
    %c0_i32_1 = arith.constant 0 : i32
    return %c0_i32, %c0_i32_0 : i32, i32
  }
  func.func @transform_1(%arg0: i32, %arg1: i32) -> (i32, i32) {
    %c0_i32 = arith.constant 0 : i32
    %c0_i32_0 = arith.constant 0 : i32
    return %arg0, %c0_i32 : i32, i32
  }
  func.func @transform_2(%arg0: i32, %arg1: i32) -> (i32, i32, i32) {
    %c0_i32 = arith.constant 0 : i32
    %c0_i32_0 = arith.constant 0 : i32
    %c0_i32_1 = arith.constant 0 : i32
    %c0_i32_2 = arith.constant 0 : i32
    return %c0_i32, %c0_i32_0, %c0_i32_1 : i32, i32, i32
  }
  func.func @transform_3(%arg0: i32, %arg1: i32) -> (i32, i32) {
    %mul3A = arith.constant 5 : i32
    %mul3A_0 = arith.muli %arg1, %mul3A : i32
    %add3A = arith.addi %mul3A_0, %arg0 : i32
    %c0_i32 = arith.constant 0 : i32
    %c0_i32_1 = arith.constant 0 : i32
    return %add3A, %c0_i32 : i32, i32
  }
}

module attributes {stable_mosaic.version = 14 : i64} {
  func.func @_comb_table_body(%arg0: i32, %arg1: memref<8x4xf32, #tpu.memory_space<smem>>, %arg2: memref<2048x128xf32, #tpu.memory_space<vmem>>, %arg3: memref<2048x128xf32, #tpu.memory_space<vmem>>, %arg4: memref<2048x128xf32, #tpu.memory_space<vmem>>, %arg5: memref<128x128xf32, #tpu.memory_space<vmem>>, %arg6: memref<1x128xf32, #tpu.memory_space<vmem>>, %arg7: memref<4x128x128xf32, #tpu.memory_space<vmem>>, %arg8: memref<8x2048x128xf32, #tpu.memory_space<vmem>>, %arg9: memref<2048x128xf32, #tpu.memory_space<vmem>>) attributes {dimension_semantics = [#tpu.dimension_semantics<arbitrary>], iteration_bounds = array<i64: 5>, scalar_prefetch = 0 : i64, scratch_operands = 0 : i64, tpu.core_type = #tpu.core_type<tc>, window_params = [{transform_indices = @transform_0, window_bounds = array<i64: 8, 4>}, {transform_indices = @transform_1, window_bounds = array<i64: 2048, 128>}, {transform_indices = @transform_2, window_bounds = array<i64: 2048, 128>}, {transform_indices = @transform_3, window_bounds = array<i64: 2048, 128>}, {pipeline_mode = #tpu.pipeline_mode<synchronous>, transform_indices = @transform_4, window_bounds = array<i64: 128, 128>}, {pipeline_mode = #tpu.pipeline_mode<synchronous>, transform_indices = @transform_5, window_bounds = array<i64: 1, 128>}, {pipeline_mode = #tpu.pipeline_mode<synchronous>, transform_indices = @transform_6, window_bounds = array<i64: 4, 128, 128>}, {transform_indices = @transform_7, window_bounds = array<i64: 8, 2048, 128>}, {transform_indices = @transform_8, window_bounds = array<i64: 2048, 128>}]} {
    %get3A = arith.constant 0 : index
    %get3A_0 = arith.constant 0 : index
    %get3A_1 = vector.load %arg2[%get3A, %get3A_0] : memref<2048x128xf32, #tpu.memory_space<vmem>>, vector<2048x128xf32>
    %get3A_2 = arith.constant 0 : index
    %get3A_3 = arith.constant 0 : index
    %get3A_4 = vector.load %arg3[%get3A_2, %get3A_3] : memref<2048x128xf32, #tpu.memory_space<vmem>>, vector<2048x128xf32>
    %add3A = arith.addf %get3A_1, %get3A_4 : vector<2048x128xf32>
    %get3A_5 = arith.constant 0 : index
    %get3A_6 = arith.constant 0 : index
    %get3A_7 = vector.load %arg6[%get3A_5, %get3A_6] : memref<1x128xf32, #tpu.memory_space<vmem>>, vector<1x128xf32>
    %add3A_8 = vector.broadcast %get3A_7 : vector<1x128xf32> to vector<2048x128xf32>
    %add3A_9 = arith.addf %add3A, %add3A_8 : vector<2048x128xf32>
    %get3A_10 = arith.constant 0 : index
    %get3A_11 = arith.constant 0 : index
    %get3A_12 = vector.load %arg4[%get3A_10, %get3A_11] : memref<2048x128xf32, #tpu.memory_space<vmem>>, vector<2048x128xf32>
    %get3A_13 = arith.constant 0 : index
    %get3A_14 = arith.constant 0 : index
    %get3A_15 = vector.load %arg5[%get3A_13, %get3A_14] : memref<128x128xf32, #tpu.memory_space<vmem>>, vector<128x128xf32>
    %dot_general3A = arith.constant dense<0.000000e+00> : vector<2048x128xf32>
    %dot_general3A_16 = tpu.matmul %get3A_12, %get3A_15, %dot_general3A {dimension_numbers = #tpu.dot_dimension_numbers<[1], [0], [0], [1], [0, 0, 1, 1], [], []>, transpose_lhs_hint = false} : vector<2048x128xf32>, vector<128x128xf32>, vector<2048x128xf32> -> vector<2048x128xf32>
    %add3A_17 = arith.addf %add3A_9, %dot_general3A_16 : vector<2048x128xf32>
    %max3A = arith.constant 0.000000e+00 : f32
    %max3A_18 = vector.broadcast %max3A : f32 to vector<2048x128xf32>
    %max3A_19 = arith.maximumf %add3A_17, %max3A_18 : vector<2048x128xf32>
    %swap3A = arith.constant 0 : index
    %swap3A_20 = arith.constant 0 : index
    %swap3A_21 = vector.load %arg9[%swap3A, %swap3A_20] : memref<2048x128xf32, #tpu.memory_space<vmem>>, vector<2048x128xf32>
    tpu.vector_store %arg9[%swap3A, %swap3A_20], %max3A_19 {strides = array<i32>} : memref<2048x128xf32, #tpu.memory_space<vmem>>, vector<2048x128xf32>,
    %get3A_22 = arith.constant 0 : index
    %get3A_23 = arith.constant 0 : index
    %get3A_24 = memref.load %arg1[%get3A_22, %get3A_23] : memref<8x4xf32, #tpu.memory_space<smem>>
    %get3A_25 = arith.constant 0 : index
    %get3A_26 = arith.constant 0 : index
    %get3A_27 = arith.constant 0 : index
    %get3A_28 = vector.load %arg7[%get3A_25, %get3A_26, %get3A_27] : memref<4x128x128xf32, #tpu.memory_space<vmem>>, vector<1x128x128xf32>
    %get3A_29 = vector.shape_cast %get3A_28 : vector<1x128x128xf32> to vector<128x128xf32>
    %mul3A = vector.broadcast %get3A_24 : f32 to vector<128x128xf32>
    %mul3A_30 = arith.mulf %mul3A, %get3A_29 : vector<128x128xf32>
    %get3A_31 = arith.constant 0 : index
    %get3A_32 = arith.constant 1 : index
    %get3A_33 = memref.load %arg1[%get3A_31, %get3A_32] : memref<8x4xf32, #tpu.memory_space<smem>>
    %get3A_34 = arith.constant 1 : index
    %get3A_35 = arith.constant 0 : index
    %get3A_36 = arith.constant 0 : index
    %get3A_37 = vector.load %arg7[%get3A_34, %get3A_35, %get3A_36] : memref<4x128x128xf32, #tpu.memory_space<vmem>>, vector<1x128x128xf32>
    %get3A_38 = vector.shape_cast %get3A_37 : vector<1x128x128xf32> to vector<128x128xf32>
    %mul3A_39 = vector.broadcast %get3A_33 : f32 to vector<128x128xf32>
    %mul3A_40 = arith.mulf %mul3A_39, %get3A_38 : vector<128x128xf32>
    %add3A_41 = arith.addf %mul3A_30, %mul3A_40 : vector<128x128xf32>
    %get3A_42 = arith.constant 0 : index
    %get3A_43 = arith.constant 2 : index
    %get3A_44 = memref.load %arg1[%get3A_42, %get3A_43] : memref<8x4xf32, #tpu.memory_space<smem>>
    %get3A_45 = arith.constant 2 : index
    %get3A_46 = arith.constant 0 : index
    %get3A_47 = arith.constant 0 : index
    %get3A_48 = vector.load %arg7[%get3A_45, %get3A_46, %get3A_47] : memref<4x128x128xf32, #tpu.memory_space<vmem>>, vector<1x128x128xf32>
    %get3A_49 = vector.shape_cast %get3A_48 : vector<1x128x128xf32> to vector<128x128xf32>
    %mul3A_50 = vector.broadcast %get3A_44 : f32 to vector<128x128xf32>
    %mul3A_51 = arith.mulf %mul3A_50, %get3A_49 : vector<128x128xf32>
    %add3A_52 = arith.addf %add3A_41, %mul3A_51 : vector<128x128xf32>
    %get3A_53 = arith.constant 0 : index
    %get3A_54 = arith.constant 3 : index
    %get3A_55 = memref.load %arg1[%get3A_53, %get3A_54] : memref<8x4xf32, #tpu.memory_space<smem>>
    %get3A_56 = arith.constant 3 : index
    %get3A_57 = arith.constant 0 : index
    %get3A_58 = arith.constant 0 : index
    %get3A_59 = vector.load %arg7[%get3A_56, %get3A_57, %get3A_58] : memref<4x128x128xf32, #tpu.memory_space<vmem>>, vector<1x128x128xf32>
    %get3A_60 = vector.shape_cast %get3A_59 : vector<1x128x128xf32> to vector<128x128xf32>
    %mul3A_61 = vector.broadcast %get3A_55 : f32 to vector<128x128xf32>
    %mul3A_62 = arith.mulf %mul3A_61, %get3A_60 : vector<128x128xf32>
    %add3A_63 = arith.addf %add3A_52, %mul3A_62 : vector<128x128xf32>
    %dot_general3A_64 = arith.constant dense<0.000000e+00> : vector<2048x128xf32>
    %dot_general3A_65 = tpu.matmul %max3A_19, %add3A_63, %dot_general3A_64 {dimension_numbers = #tpu.dot_dimension_numbers<[1], [0], [0], [1], [0, 0, 1, 1], [], []>, transpose_lhs_hint = false} : vector<2048x128xf32>, vector<128x128xf32>, vector<2048x128xf32> -> vector<2048x128xf32>
    %swap3A_66 = arith.constant 0 : index
    %swap3A_67 = arith.constant 0 : index
    %swap3A_68 = arith.constant 0 : index
    %swap3A_69 = vector.load %arg8[%swap3A_66, %swap3A_67, %swap3A_68] : memref<8x2048x128xf32, #tpu.memory_space<vmem>>, vector<1x2048x128xf32>
    %swap3A_70 = vector.shape_cast %swap3A_69 : vector<1x2048x128xf32> to vector<2048x128xf32>
    %swap3A_71 = vector.shape_cast %dot_general3A_65 : vector<2048x128xf32> to vector<1x2048x128xf32>
    tpu.vector_store %arg8[%swap3A_66, %swap3A_67, %swap3A_68], %swap3A_71 {strides = array<i32>} : memref<8x2048x128xf32, #tpu.memory_space<vmem>>, vector<1x2048x128xf32>,
    %get3A_72 = arith.constant 1 : index
    %get3A_73 = arith.constant 0 : index
    %get3A_74 = memref.load %arg1[%get3A_72, %get3A_73] : memref<8x4xf32, #tpu.memory_space<smem>>
    %get3A_75 = arith.constant 0 : index
    %get3A_76 = arith.constant 0 : index
    %get3A_77 = arith.constant 0 : index
    %get3A_78 = vector.load %arg7[%get3A_75, %get3A_76, %get3A_77] : memref<4x128x128xf32, #tpu.memory_space<vmem>>, vector<1x128x128xf32>
    %get3A_79 = vector.shape_cast %get3A_78 : vector<1x128x128xf32> to vector<128x128xf32>
    %mul3A_80 = vector.broadcast %get3A_74 : f32 to vector<128x128xf32>
    %mul3A_81 = arith.mulf %mul3A_80, %get3A_79 : vector<128x128xf32>
    %get3A_82 = arith.constant 1 : index
    %get3A_83 = arith.constant 1 : index
    %get3A_84 = memref.load %arg1[%get3A_82, %get3A_83] : memref<8x4xf32, #tpu.memory_space<smem>>
    %get3A_85 = arith.constant 1 : index
    %get3A_86 = arith.constant 0 : index
    %get3A_87 = arith.constant 0 : index
    %get3A_88 = vector.load %arg7[%get3A_85, %get3A_86, %get3A_87] : memref<4x128x128xf32, #tpu.memory_space<vmem>>, vector<1x128x128xf32>
    %get3A_89 = vector.shape_cast %get3A_88 : vector<1x128x128xf32> to vector<128x128xf32>
    %mul3A_90 = vector.broadcast %get3A_84 : f32 to vector<128x128xf32>
    %mul3A_91 = arith.mulf %mul3A_90, %get3A_89 : vector<128x128xf32>
    %add3A_92 = arith.addf %mul3A_81, %mul3A_91 : vector<128x128xf32>
    %get3A_93 = arith.constant 1 : index
    %get3A_94 = arith.constant 2 : index
    %get3A_95 = memref.load %arg1[%get3A_93, %get3A_94] : memref<8x4xf32, #tpu.memory_space<smem>>
    %get3A_96 = arith.constant 2 : index
    %get3A_97 = arith.constant 0 : index
    %get3A_98 = arith.constant 0 : index
    %get3A_99 = vector.load %arg7[%get3A_96, %get3A_97, %get3A_98] : memref<4x128x128xf32, #tpu.memory_space<vmem>>, vector<1x128x128xf32>
    %get3A_100 = vector.shape_cast %get3A_99 : vector<1x128x128xf32> to vector<128x128xf32>
    %mul3A_101 = vector.broadcast %get3A_95 : f32 to vector<128x128xf32>
    %mul3A_102 = arith.mulf %mul3A_101, %get3A_100 : vector<128x128xf32>
    %add3A_103 = arith.addf %add3A_92, %mul3A_102 : vector<128x128xf32>
    %get3A_104 = arith.constant 1 : index
    %get3A_105 = arith.constant 3 : index
    %get3A_106 = memref.load %arg1[%get3A_104, %get3A_105] : memref<8x4xf32, #tpu.memory_space<smem>>
    %get3A_107 = arith.constant 3 : index
    %get3A_108 = arith.constant 0 : index
    %get3A_109 = arith.constant 0 : index
    %get3A_110 = vector.load %arg7[%get3A_107, %get3A_108, %get3A_109] : memref<4x128x128xf32, #tpu.memory_space<vmem>>, vector<1x128x128xf32>
    %get3A_111 = vector.shape_cast %get3A_110 : vector<1x128x128xf32> to vector<128x128xf32>
    %mul3A_112 = vector.broadcast %get3A_106 : f32 to vector<128x128xf32>
    %mul3A_113 = arith.mulf %mul3A_112, %get3A_111 : vector<128x128xf32>
    %add3A_114 = arith.addf %add3A_103, %mul3A_113 : vector<128x128xf32>
    %dot_general3A_115 = arith.constant dense<0.000000e+00> : vector<2048x128xf32>
    %dot_general3A_116 = tpu.matmul %max3A_19, %add3A_114, %dot_general3A_115 {dimension_numbers = #tpu.dot_dimension_numbers<[1], [0], [0], [1], [0, 0, 1, 1], [], []>, transpose_lhs_hint = false} : vector<2048x128xf32>, vector<128x128xf32>, vector<2048x128xf32> -> vector<2048x128xf32>
    %swap3A_117 = arith.constant 1 : index
    %swap3A_118 = arith.constant 0 : index
    %swap3A_119 = arith.constant 0 : index
    %swap3A_120 = vector.load %arg8[%swap3A_117, %swap3A_118, %swap3A_119] : memref<8x2048x128xf32, #tpu.memory_space<vmem>>, vector<1x2048x128xf32>
    %swap3A_121 = vector.shape_cast %swap3A_120 : vector<1x2048x128xf32> to vector<2048x128xf32>
    %swap3A_122 = vector.shape_cast %dot_general3A_116 : vector<2048x128xf32> to vector<1x2048x128xf32>
    tpu.vector_store %arg8[%swap3A_117, %swap3A_118, %swap3A_119], %swap3A_122 {strides = array<i32>} : memref<8x2048x128xf32, #tpu.memory_space<vmem>>, vector<1x2048x128xf32>,
    %get3A_123 = arith.constant 2 : index
    %get3A_124 = arith.constant 0 : index
    %get3A_125 = memref.load %arg1[%get3A_123, %get3A_124] : memref<8x4xf32, #tpu.memory_space<smem>>
    %get3A_126 = arith.constant 0 : index
    %get3A_127 = arith.constant 0 : index
    %get3A_128 = arith.constant 0 : index
    %get3A_129 = vector.load %arg7[%get3A_126, %get3A_127, %get3A_128] : memref<4x128x128xf32, #tpu.memory_space<vmem>>, vector<1x128x128xf32>
    %get3A_130 = vector.shape_cast %get3A_129 : vector<1x128x128xf32> to vector<128x128xf32>
    %mul3A_131 = vector.broadcast %get3A_125 : f32 to vector<128x128xf32>
    %mul3A_132 = arith.mulf %mul3A_131, %get3A_130 : vector<128x128xf32>
    %get3A_133 = arith.constant 2 : index
    %get3A_134 = arith.constant 1 : index
    %get3A_135 = memref.load %arg1[%get3A_133, %get3A_134] : memref<8x4xf32, #tpu.memory_space<smem>>
    %get3A_136 = arith.constant 1 : index
    %get3A_137 = arith.constant 0 : index
    %get3A_138 = arith.constant 0 : index
    %get3A_139 = vector.load %arg7[%get3A_136, %get3A_137, %get3A_138] : memref<4x128x128xf32, #tpu.memory_space<vmem>>, vector<1x128x128xf32>
    %get3A_140 = vector.shape_cast %get3A_139 : vector<1x128x128xf32> to vector<128x128xf32>
    %mul3A_141 = vector.broadcast %get3A_135 : f32 to vector<128x128xf32>
    %mul3A_142 = arith.mulf %mul3A_141, %get3A_140 : vector<128x128xf32>
    %add3A_143 = arith.addf %mul3A_132, %mul3A_142 : vector<128x128xf32>
    %get3A_144 = arith.constant 2 : index
    %get3A_145 = arith.constant 2 : index
    %get3A_146 = memref.load %arg1[%get3A_144, %get3A_145] : memref<8x4xf32, #tpu.memory_space<smem>>
    %get3A_147 = arith.constant 2 : index
    %get3A_148 = arith.constant 0 : index
    %get3A_149 = arith.constant 0 : index
    %get3A_150 = vector.load %arg7[%get3A_147, %get3A_148, %get3A_149] : memref<4x128x128xf32, #tpu.memory_space<vmem>>, vector<1x128x128xf32>
    %get3A_151 = vector.shape_cast %get3A_150 : vector<1x128x128xf32> to vector<128x128xf32>
    %mul3A_152 = vector.broadcast %get3A_146 : f32 to vector<128x128xf32>
    %mul3A_153 = arith.mulf %mul3A_152, %get3A_151 : vector<128x128xf32>
    %add3A_154 = arith.addf %add3A_143, %mul3A_153 : vector<128x128xf32>
    %get3A_155 = arith.constant 2 : index
    %get3A_156 = arith.constant 3 : index
    %get3A_157 = memref.load %arg1[%get3A_155, %get3A_156] : memref<8x4xf32, #tpu.memory_space<smem>>
    %get3A_158 = arith.constant 3 : index
    %get3A_159 = arith.constant 0 : index
    %get3A_160 = arith.constant 0 : index
    %get3A_161 = vector.load %arg7[%get3A_158, %get3A_159, %get3A_160] : memref<4x128x128xf32, #tpu.memory_space<vmem>>, vector<1x128x128xf32>
    %get3A_162 = vector.shape_cast %get3A_161 : vector<1x128x128xf32> to vector<128x128xf32>
    %mul3A_163 = vector.broadcast %get3A_157 : f32 to vector<128x128xf32>
    %mul3A_164 = arith.mulf %mul3A_163, %get3A_162 : vector<128x128xf32>
    %add3A_165 = arith.addf %add3A_154, %mul3A_164 : vector<128x128xf32>
    %dot_general3A_166 = arith.constant dense<0.000000e+00> : vector<2048x128xf32>
    %dot_general3A_167 = tpu.matmul %max3A_19, %add3A_165, %dot_general3A_166 {dimension_numbers = #tpu.dot_dimension_numbers<[1], [0], [0], [1], [0, 0, 1, 1], [], []>, transpose_lhs_hint = false} : vector<2048x128xf32>, vector<128x128xf32>, vector<2048x128xf32> -> vector<2048x128xf32>
    %swap3A_168 = arith.constant 2 : index
    %swap3A_169 = arith.constant 0 : index
    %swap3A_170 = arith.constant 0 : index
    %swap3A_171 = vector.load %arg8[%swap3A_168, %swap3A_169, %swap3A_170] : memref<8x2048x128xf32, #tpu.memory_space<vmem>>, vector<1x2048x128xf32>
    %swap3A_172 = vector.shape_cast %swap3A_171 : vector<1x2048x128xf32> to vector<2048x128xf32>
    %swap3A_173 = vector.shape_cast %dot_general3A_167 : vector<2048x128xf32> to vector<1x2048x128xf32>
    tpu.vector_store %arg8[%swap3A_168, %swap3A_169, %swap3A_170], %swap3A_173 {strides = array<i32>} : memref<8x2048x128xf32, #tpu.memory_space<vmem>>, vector<1x2048x128xf32>,
    %get3A_174 = arith.constant 3 : index
    %get3A_175 = arith.constant 0 : index
    %get3A_176 = memref.load %arg1[%get3A_174, %get3A_175] : memref<8x4xf32, #tpu.memory_space<smem>>
    %get3A_177 = arith.constant 0 : index
    %get3A_178 = arith.constant 0 : index
    %get3A_179 = arith.constant 0 : index
    %get3A_180 = vector.load %arg7[%get3A_177, %get3A_178, %get3A_179] : memref<4x128x128xf32, #tpu.memory_space<vmem>>, vector<1x128x128xf32>
    %get3A_181 = vector.shape_cast %get3A_180 : vector<1x128x128xf32> to vector<128x128xf32>
    %mul3A_182 = vector.broadcast %get3A_176 : f32 to vector<128x128xf32>
    %mul3A_183 = arith.mulf %mul3A_182, %get3A_181 : vector<128x128xf32>
    %get3A_184 = arith.constant 3 : index
    %get3A_185 = arith.constant 1 : index
    %get3A_186 = memref.load %arg1[%get3A_184, %get3A_185] : memref<8x4xf32, #tpu.memory_space<smem>>
    %get3A_187 = arith.constant 1 : index
    %get3A_188 = arith.constant 0 : index
    %get3A_189 = arith.constant 0 : index
    %get3A_190 = vector.load %arg7[%get3A_187, %get3A_188, %get3A_189] : memref<4x128x128xf32, #tpu.memory_space<vmem>>, vector<1x128x128xf32>
    %get3A_191 = vector.shape_cast %get3A_190 : vector<1x128x128xf32> to vector<128x128xf32>
    %mul3A_192 = vector.broadcast %get3A_186 : f32 to vector<128x128xf32>
    %mul3A_193 = arith.mulf %mul3A_192, %get3A_191 : vector<128x128xf32>
    %add3A_194 = arith.addf %mul3A_183, %mul3A_193 : vector<128x128xf32>
    %get3A_195 = arith.constant 3 : index
    %get3A_196 = arith.constant 2 : index
    %get3A_197 = memref.load %arg1[%get3A_195, %get3A_196] : memref<8x4xf32, #tpu.memory_space<smem>>
    %get3A_198 = arith.constant 2 : index
    %get3A_199 = arith.constant 0 : index
    %get3A_200 = arith.constant 0 : index
    %get3A_201 = vector.load %arg7[%get3A_198, %get3A_199, %get3A_200] : memref<4x128x128xf32, #tpu.memory_space<vmem>>, vector<1x128x128xf32>
    %get3A_202 = vector.shape_cast %get3A_201 : vector<1x128x128xf32> to vector<128x128xf32>
    %mul3A_203 = vector.broadcast %get3A_197 : f32 to vector<128x128xf32>
    %mul3A_204 = arith.mulf %mul3A_203, %get3A_202 : vector<128x128xf32>
    %add3A_205 = arith.addf %add3A_194, %mul3A_204 : vector<128x128xf32>
    %get3A_206 = arith.constant 3 : index
    %get3A_207 = arith.constant 3 : index
    %get3A_208 = memref.load %arg1[%get3A_206, %get3A_207] : memref<8x4xf32, #tpu.memory_space<smem>>
    %get3A_209 = arith.constant 3 : index
    %get3A_210 = arith.constant 0 : index
    %get3A_211 = arith.constant 0 : index
    %get3A_212 = vector.load %arg7[%get3A_209, %get3A_210, %get3A_211] : memref<4x128x128xf32, #tpu.memory_space<vmem>>, vector<1x128x128xf32>
    %get3A_213 = vector.shape_cast %get3A_212 : vector<1x128x128xf32> to vector<128x128xf32>
    %mul3A_214 = vector.broadcast %get3A_208 : f32 to vector<128x128xf32>
    %mul3A_215 = arith.mulf %mul3A_214, %get3A_213 : vector<128x128xf32>
    %add3A_216 = arith.addf %add3A_205, %mul3A_215 : vector<128x128xf32>
    %dot_general3A_217 = arith.constant dense<0.000000e+00> : vector<2048x128xf32>
    %dot_general3A_218 = tpu.matmul %max3A_19, %add3A_216, %dot_general3A_217 {dimension_numbers = #tpu.dot_dimension_numbers<[1], [0], [0], [1], [0, 0, 1, 1], [], []>, transpose_lhs_hint = false} : vector<2048x128xf32>, vector<128x128xf32>, vector<2048x128xf32> -> vector<2048x128xf32>
    %swap3A_219 = arith.constant 3 : index
    %swap3A_220 = arith.constant 0 : index
    %swap3A_221 = arith.constant 0 : index
    %swap3A_222 = vector.load %arg8[%swap3A_219, %swap3A_220, %swap3A_221] : memref<8x2048x128xf32, #tpu.memory_space<vmem>>, vector<1x2048x128xf32>
    %swap3A_223 = vector.shape_cast %swap3A_222 : vector<1x2048x128xf32> to vector<2048x128xf32>
    %swap3A_224 = vector.shape_cast %dot_general3A_218 : vector<2048x128xf32> to vector<1x2048x128xf32>
    tpu.vector_store %arg8[%swap3A_219, %swap3A_220, %swap3A_221], %swap3A_224 {strides = array<i32>} : memref<8x2048x128xf32, #tpu.memory_space<vmem>>, vector<1x2048x128xf32>,
    %get3A_225 = arith.constant 4 : index
    %get3A_226 = arith.constant 0 : index
    %get3A_227 = memref.load %arg1[%get3A_225, %get3A_226] : memref<8x4xf32, #tpu.memory_space<smem>>
    %get3A_228 = arith.constant 0 : index
    %get3A_229 = arith.constant 0 : index
    %get3A_230 = arith.constant 0 : index
    %get3A_231 = vector.load %arg7[%get3A_228, %get3A_229, %get3A_230] : memref<4x128x128xf32, #tpu.memory_space<vmem>>, vector<1x128x128xf32>
    %get3A_232 = vector.shape_cast %get3A_231 : vector<1x128x128xf32> to vector<128x128xf32>
    %mul3A_233 = vector.broadcast %get3A_227 : f32 to vector<128x128xf32>
    %mul3A_234 = arith.mulf %mul3A_233, %get3A_232 : vector<128x128xf32>
    %get3A_235 = arith.constant 4 : index
    %get3A_236 = arith.constant 1 : index
    %get3A_237 = memref.load %arg1[%get3A_235, %get3A_236] : memref<8x4xf32, #tpu.memory_space<smem>>
    %get3A_238 = arith.constant 1 : index
    %get3A_239 = arith.constant 0 : index
    %get3A_240 = arith.constant 0 : index
    %get3A_241 = vector.load %arg7[%get3A_238, %get3A_239, %get3A_240] : memref<4x128x128xf32, #tpu.memory_space<vmem>>, vector<1x128x128xf32>
    %get3A_242 = vector.shape_cast %get3A_241 : vector<1x128x128xf32> to vector<128x128xf32>
    %mul3A_243 = vector.broadcast %get3A_237 : f32 to vector<128x128xf32>
    %mul3A_244 = arith.mulf %mul3A_243, %get3A_242 : vector<128x128xf32>
    %add3A_245 = arith.addf %mul3A_234, %mul3A_244 : vector<128x128xf32>
    %get3A_246 = arith.constant 4 : index
    %get3A_247 = arith.constant 2 : index
    %get3A_248 = memref.load %arg1[%get3A_246, %get3A_247] : memref<8x4xf32, #tpu.memory_space<smem>>
    %get3A_249 = arith.constant 2 : index
    %get3A_250 = arith.constant 0 : index
    %get3A_251 = arith.constant 0 : index
    %get3A_252 = vector.load %arg7[%get3A_249, %get3A_250, %get3A_251] : memref<4x128x128xf32, #tpu.memory_space<vmem>>, vector<1x128x128xf32>
    %get3A_253 = vector.shape_cast %get3A_252 : vector<1x128x128xf32> to vector<128x128xf32>
    %mul3A_254 = vector.broadcast %get3A_248 : f32 to vector<128x128xf32>
    %mul3A_255 = arith.mulf %mul3A_254, %get3A_253 : vector<128x128xf32>
    %add3A_256 = arith.addf %add3A_245, %mul3A_255 : vector<128x128xf32>
    %get3A_257 = arith.constant 4 : index
    %get3A_258 = arith.constant 3 : index
    %get3A_259 = memref.load %arg1[%get3A_257, %get3A_258] : memref<8x4xf32, #tpu.memory_space<smem>>
    %get3A_260 = arith.constant 3 : index
    %get3A_261 = arith.constant 0 : index
    %get3A_262 = arith.constant 0 : index
    %get3A_263 = vector.load %arg7[%get3A_260, %get3A_261, %get3A_262] : memref<4x128x128xf32, #tpu.memory_space<vmem>>, vector<1x128x128xf32>
    %get3A_264 = vector.shape_cast %get3A_263 : vector<1x128x128xf32> to vector<128x128xf32>
    %mul3A_265 = vector.broadcast %get3A_259 : f32 to vector<128x128xf32>
    %mul3A_266 = arith.mulf %mul3A_265, %get3A_264 : vector<128x128xf32>
    %add3A_267 = arith.addf %add3A_256, %mul3A_266 : vector<128x128xf32>
    %dot_general3A_268 = arith.constant dense<0.000000e+00> : vector<2048x128xf32>
    %dot_general3A_269 = tpu.matmul %max3A_19, %add3A_267, %dot_general3A_268 {dimension_numbers = #tpu.dot_dimension_numbers<[1], [0], [0], [1], [0, 0, 1, 1], [], []>, transpose_lhs_hint = false} : vector<2048x128xf32>, vector<128x128xf32>, vector<2048x128xf32> -> vector<2048x128xf32>
    %swap3A_270 = arith.constant 4 : index
    %swap3A_271 = arith.constant 0 : index
    %swap3A_272 = arith.constant 0 : index
    %swap3A_273 = vector.load %arg8[%swap3A_270, %swap3A_271, %swap3A_272] : memref<8x2048x128xf32, #tpu.memory_space<vmem>>, vector<1x2048x128xf32>
    %swap3A_274 = vector.shape_cast %swap3A_273 : vector<1x2048x128xf32> to vector<2048x128xf32>
    %swap3A_275 = vector.shape_cast %dot_general3A_269 : vector<2048x128xf32> to vector<1x2048x128xf32>
    tpu.vector_store %arg8[%swap3A_270, %swap3A_271, %swap3A_272], %swap3A_275 {strides = array<i32>} : memref<8x2048x128xf32, #tpu.memory_space<vmem>>, vector<1x2048x128xf32>,
    %get3A_276 = arith.constant 5 : index
    %get3A_277 = arith.constant 0 : index
    %get3A_278 = memref.load %arg1[%get3A_276, %get3A_277] : memref<8x4xf32, #tpu.memory_space<smem>>
    %get3A_279 = arith.constant 0 : index
    %get3A_280 = arith.constant 0 : index
    %get3A_281 = arith.constant 0 : index
    %get3A_282 = vector.load %arg7[%get3A_279, %get3A_280, %get3A_281] : memref<4x128x128xf32, #tpu.memory_space<vmem>>, vector<1x128x128xf32>
    %get3A_283 = vector.shape_cast %get3A_282 : vector<1x128x128xf32> to vector<128x128xf32>
    %mul3A_284 = vector.broadcast %get3A_278 : f32 to vector<128x128xf32>
    %mul3A_285 = arith.mulf %mul3A_284, %get3A_283 : vector<128x128xf32>
    %get3A_286 = arith.constant 5 : index
    %get3A_287 = arith.constant 1 : index
    %get3A_288 = memref.load %arg1[%get3A_286, %get3A_287] : memref<8x4xf32, #tpu.memory_space<smem>>
    %get3A_289 = arith.constant 1 : index
    %get3A_290 = arith.constant 0 : index
    %get3A_291 = arith.constant 0 : index
    %get3A_292 = vector.load %arg7[%get3A_289, %get3A_290, %get3A_291] : memref<4x128x128xf32, #tpu.memory_space<vmem>>, vector<1x128x128xf32>
    %get3A_293 = vector.shape_cast %get3A_292 : vector<1x128x128xf32> to vector<128x128xf32>
    %mul3A_294 = vector.broadcast %get3A_288 : f32 to vector<128x128xf32>
    %mul3A_295 = arith.mulf %mul3A_294, %get3A_293 : vector<128x128xf32>
    %add3A_296 = arith.addf %mul3A_285, %mul3A_295 : vector<128x128xf32>
    %get3A_297 = arith.constant 5 : index
    %get3A_298 = arith.constant 2 : index
    %get3A_299 = memref.load %arg1[%get3A_297, %get3A_298] : memref<8x4xf32, #tpu.memory_space<smem>>
    %get3A_300 = arith.constant 2 : index
    %get3A_301 = arith.constant 0 : index
    %get3A_302 = arith.constant 0 : index
    %get3A_303 = vector.load %arg7[%get3A_300, %get3A_301, %get3A_302] : memref<4x128x128xf32, #tpu.memory_space<vmem>>, vector<1x128x128xf32>
    %get3A_304 = vector.shape_cast %get3A_303 : vector<1x128x128xf32> to vector<128x128xf32>
    %mul3A_305 = vector.broadcast %get3A_299 : f32 to vector<128x128xf32>
    %mul3A_306 = arith.mulf %mul3A_305, %get3A_304 : vector<128x128xf32>
    %add3A_307 = arith.addf %add3A_296, %mul3A_306 : vector<128x128xf32>
    %get3A_308 = arith.constant 5 : index
    %get3A_309 = arith.constant 3 : index
    %get3A_310 = memref.load %arg1[%get3A_308, %get3A_309] : memref<8x4xf32, #tpu.memory_space<smem>>
    %get3A_311 = arith.constant 3 : index
    %get3A_312 = arith.constant 0 : index
    %get3A_313 = arith.constant 0 : index
    %get3A_314 = vector.load %arg7[%get3A_311, %get3A_312, %get3A_313] : memref<4x128x128xf32, #tpu.memory_space<vmem>>, vector<1x128x128xf32>
    %get3A_315 = vector.shape_cast %get3A_314 : vector<1x128x128xf32> to vector<128x128xf32>
    %mul3A_316 = vector.broadcast %get3A_310 : f32 to vector<128x128xf32>
    %mul3A_317 = arith.mulf %mul3A_316, %get3A_315 : vector<128x128xf32>
    %add3A_318 = arith.addf %add3A_307, %mul3A_317 : vector<128x128xf32>
    %dot_general3A_319 = arith.constant dense<0.000000e+00> : vector<2048x128xf32>
    %dot_general3A_320 = tpu.matmul %max3A_19, %add3A_318, %dot_general3A_319 {dimension_numbers = #tpu.dot_dimension_numbers<[1], [0], [0], [1], [0, 0, 1, 1], [], []>, transpose_lhs_hint = false} : vector<2048x128xf32>, vector<128x128xf32>, vector<2048x128xf32> -> vector<2048x128xf32>
    %swap3A_321 = arith.constant 5 : index
    %swap3A_322 = arith.constant 0 : index
    %swap3A_323 = arith.constant 0 : index
    %swap3A_324 = vector.load %arg8[%swap3A_321, %swap3A_322, %swap3A_323] : memref<8x2048x128xf32, #tpu.memory_space<vmem>>, vector<1x2048x128xf32>
    %swap3A_325 = vector.shape_cast %swap3A_324 : vector<1x2048x128xf32> to vector<2048x128xf32>
    %swap3A_326 = vector.shape_cast %dot_general3A_320 : vector<2048x128xf32> to vector<1x2048x128xf32>
    tpu.vector_store %arg8[%swap3A_321, %swap3A_322, %swap3A_323], %swap3A_326 {strides = array<i32>} : memref<8x2048x128xf32, #tpu.memory_space<vmem>>, vector<1x2048x128xf32>,
    %get3A_327 = arith.constant 6 : index
    %get3A_328 = arith.constant 0 : index
    %get3A_329 = memref.load %arg1[%get3A_327, %get3A_328] : memref<8x4xf32, #tpu.memory_space<smem>>
    %get3A_330 = arith.constant 0 : index
    %get3A_331 = arith.constant 0 : index
    %get3A_332 = arith.constant 0 : index
    %get3A_333 = vector.load %arg7[%get3A_330, %get3A_331, %get3A_332] : memref<4x128x128xf32, #tpu.memory_space<vmem>>, vector<1x128x128xf32>
    %get3A_334 = vector.shape_cast %get3A_333 : vector<1x128x128xf32> to vector<128x128xf32>
    %mul3A_335 = vector.broadcast %get3A_329 : f32 to vector<128x128xf32>
    %mul3A_336 = arith.mulf %mul3A_335, %get3A_334 : vector<128x128xf32>
    %get3A_337 = arith.constant 6 : index
    %get3A_338 = arith.constant 1 : index
    %get3A_339 = memref.load %arg1[%get3A_337, %get3A_338] : memref<8x4xf32, #tpu.memory_space<smem>>
    %get3A_340 = arith.constant 1 : index
    %get3A_341 = arith.constant 0 : index
    %get3A_342 = arith.constant 0 : index
    %get3A_343 = vector.load %arg7[%get3A_340, %get3A_341, %get3A_342] : memref<4x128x128xf32, #tpu.memory_space<vmem>>, vector<1x128x128xf32>
    %get3A_344 = vector.shape_cast %get3A_343 : vector<1x128x128xf32> to vector<128x128xf32>
    %mul3A_345 = vector.broadcast %get3A_339 : f32 to vector<128x128xf32>
    %mul3A_346 = arith.mulf %mul3A_345, %get3A_344 : vector<128x128xf32>
    %add3A_347 = arith.addf %mul3A_336, %mul3A_346 : vector<128x128xf32>
    %get3A_348 = arith.constant 6 : index
    %get3A_349 = arith.constant 2 : index
    %get3A_350 = memref.load %arg1[%get3A_348, %get3A_349] : memref<8x4xf32, #tpu.memory_space<smem>>
    %get3A_351 = arith.constant 2 : index
    %get3A_352 = arith.constant 0 : index
    %get3A_353 = arith.constant 0 : index
    %get3A_354 = vector.load %arg7[%get3A_351, %get3A_352, %get3A_353] : memref<4x128x128xf32, #tpu.memory_space<vmem>>, vector<1x128x128xf32>
    %get3A_355 = vector.shape_cast %get3A_354 : vector<1x128x128xf32> to vector<128x128xf32>
    %mul3A_356 = vector.broadcast %get3A_350 : f32 to vector<128x128xf32>
    %mul3A_357 = arith.mulf %mul3A_356, %get3A_355 : vector<128x128xf32>
    %add3A_358 = arith.addf %add3A_347, %mul3A_357 : vector<128x128xf32>
    %get3A_359 = arith.constant 6 : index
    %get3A_360 = arith.constant 3 : index
    %get3A_361 = memref.load %arg1[%get3A_359, %get3A_360] : memref<8x4xf32, #tpu.memory_space<smem>>
    %get3A_362 = arith.constant 3 : index
    %get3A_363 = arith.constant 0 : index
    %get3A_364 = arith.constant 0 : index
    %get3A_365 = vector.load %arg7[%get3A_362, %get3A_363, %get3A_364] : memref<4x128x128xf32, #tpu.memory_space<vmem>>, vector<1x128x128xf32>
    %get3A_366 = vector.shape_cast %get3A_365 : vector<1x128x128xf32> to vector<128x128xf32>
    %mul3A_367 = vector.broadcast %get3A_361 : f32 to vector<128x128xf32>
    %mul3A_368 = arith.mulf %mul3A_367, %get3A_366 : vector<128x128xf32>
    %add3A_369 = arith.addf %add3A_358, %mul3A_368 : vector<128x128xf32>
    %dot_general3A_370 = arith.constant dense<0.000000e+00> : vector<2048x128xf32>
    %dot_general3A_371 = tpu.matmul %max3A_19, %add3A_369, %dot_general3A_370 {dimension_numbers = #tpu.dot_dimension_numbers<[1], [0], [0], [1], [0, 0, 1, 1], [], []>, transpose_lhs_hint = false} : vector<2048x128xf32>, vector<128x128xf32>, vector<2048x128xf32> -> vector<2048x128xf32>
    %swap3A_372 = arith.constant 6 : index
    %swap3A_373 = arith.constant 0 : index
    %swap3A_374 = arith.constant 0 : index
    %swap3A_375 = vector.load %arg8[%swap3A_372, %swap3A_373, %swap3A_374] : memref<8x2048x128xf32, #tpu.memory_space<vmem>>, vector<1x2048x128xf32>
    %swap3A_376 = vector.shape_cast %swap3A_375 : vector<1x2048x128xf32> to vector<2048x128xf32>
    %swap3A_377 = vector.shape_cast %dot_general3A_371 : vector<2048x128xf32> to vector<1x2048x128xf32>
    tpu.vector_store %arg8[%swap3A_372, %swap3A_373, %swap3A_374], %swap3A_377 {strides = array<i32>} : memref<8x2048x128xf32, #tpu.memory_space<vmem>>, vector<1x2048x128xf32>,
    %get3A_378 = arith.constant 7 : index
    %get3A_379 = arith.constant 0 : index
    %get3A_380 = memref.load %arg1[%get3A_378, %get3A_379] : memref<8x4xf32, #tpu.memory_space<smem>>
    %get3A_381 = arith.constant 0 : index
    %get3A_382 = arith.constant 0 : index
    %get3A_383 = arith.constant 0 : index
    %get3A_384 = vector.load %arg7[%get3A_381, %get3A_382, %get3A_383] : memref<4x128x128xf32, #tpu.memory_space<vmem>>, vector<1x128x128xf32>
    %get3A_385 = vector.shape_cast %get3A_384 : vector<1x128x128xf32> to vector<128x128xf32>
    %mul3A_386 = vector.broadcast %get3A_380 : f32 to vector<128x128xf32>
    %mul3A_387 = arith.mulf %mul3A_386, %get3A_385 : vector<128x128xf32>
    %get3A_388 = arith.constant 7 : index
    %get3A_389 = arith.constant 1 : index
    %get3A_390 = memref.load %arg1[%get3A_388, %get3A_389] : memref<8x4xf32, #tpu.memory_space<smem>>
    %get3A_391 = arith.constant 1 : index
    %get3A_392 = arith.constant 0 : index
    %get3A_393 = arith.constant 0 : index
    %get3A_394 = vector.load %arg7[%get3A_391, %get3A_392, %get3A_393] : memref<4x128x128xf32, #tpu.memory_space<vmem>>, vector<1x128x128xf32>
    %get3A_395 = vector.shape_cast %get3A_394 : vector<1x128x128xf32> to vector<128x128xf32>
    %mul3A_396 = vector.broadcast %get3A_390 : f32 to vector<128x128xf32>
    %mul3A_397 = arith.mulf %mul3A_396, %get3A_395 : vector<128x128xf32>
    %add3A_398 = arith.addf %mul3A_387, %mul3A_397 : vector<128x128xf32>
    %get3A_399 = arith.constant 7 : index
    %get3A_400 = arith.constant 2 : index
    %get3A_401 = memref.load %arg1[%get3A_399, %get3A_400] : memref<8x4xf32, #tpu.memory_space<smem>>
    %get3A_402 = arith.constant 2 : index
    %get3A_403 = arith.constant 0 : index
    %get3A_404 = arith.constant 0 : index
    %get3A_405 = vector.load %arg7[%get3A_402, %get3A_403, %get3A_404] : memref<4x128x128xf32, #tpu.memory_space<vmem>>, vector<1x128x128xf32>
    %get3A_406 = vector.shape_cast %get3A_405 : vector<1x128x128xf32> to vector<128x128xf32>
    %mul3A_407 = vector.broadcast %get3A_401 : f32 to vector<128x128xf32>
    %mul3A_408 = arith.mulf %mul3A_407, %get3A_406 : vector<128x128xf32>
    %add3A_409 = arith.addf %add3A_398, %mul3A_408 : vector<128x128xf32>
    %get3A_410 = arith.constant 7 : index
    %get3A_411 = arith.constant 3 : index
    %get3A_412 = memref.load %arg1[%get3A_410, %get3A_411] : memref<8x4xf32, #tpu.memory_space<smem>>
    %get3A_413 = arith.constant 3 : index
    %get3A_414 = arith.constant 0 : index
    %get3A_415 = arith.constant 0 : index
    %get3A_416 = vector.load %arg7[%get3A_413, %get3A_414, %get3A_415] : memref<4x128x128xf32, #tpu.memory_space<vmem>>, vector<1x128x128xf32>
    %get3A_417 = vector.shape_cast %get3A_416 : vector<1x128x128xf32> to vector<128x128xf32>
    %mul3A_418 = vector.broadcast %get3A_412 : f32 to vector<128x128xf32>
    %mul3A_419 = arith.mulf %mul3A_418, %get3A_417 : vector<128x128xf32>
    %add3A_420 = arith.addf %add3A_409, %mul3A_419 : vector<128x128xf32>
    %dot_general3A_421 = arith.constant dense<0.000000e+00> : vector<2048x128xf32>
    %dot_general3A_422 = tpu.matmul %max3A_19, %add3A_420, %dot_general3A_421 {dimension_numbers = #tpu.dot_dimension_numbers<[1], [0], [0], [1], [0, 0, 1, 1], [], []>, transpose_lhs_hint = false} : vector<2048x128xf32>, vector<128x128xf32>, vector<2048x128xf32> -> vector<2048x128xf32>
    %swap3A_423 = arith.constant 7 : index
    %swap3A_424 = arith.constant 0 : index
    %swap3A_425 = arith.constant 0 : index
    %swap3A_426 = vector.load %arg8[%swap3A_423, %swap3A_424, %swap3A_425] : memref<8x2048x128xf32, #tpu.memory_space<vmem>>, vector<1x2048x128xf32>
    %swap3A_427 = vector.shape_cast %swap3A_426 : vector<1x2048x128xf32> to vector<2048x128xf32>
    %swap3A_428 = vector.shape_cast %dot_general3A_422 : vector<2048x128xf32> to vector<1x2048x128xf32>
    tpu.vector_store %arg8[%swap3A_423, %swap3A_424, %swap3A_425], %swap3A_428 {strides = array<i32>} : memref<8x2048x128xf32, #tpu.memory_space<vmem>>, vector<1x2048x128xf32>,
    return
  }
  func.func @transform_0(%arg0: i32) -> (i32, i32) {
    %c0_i32 = arith.constant 0 : i32
    %c0_i32_0 = arith.constant 0 : i32
    %c0_i32_1 = arith.constant 0 : i32
    return %c0_i32, %c0_i32_0 : i32, i32
  }
  func.func @transform_1(%arg0: i32) -> (i32, i32) {
    %c0_i32 = arith.constant 0 : i32
    %c0_i32_0 = arith.constant 0 : i32
    return %arg0, %c0_i32 : i32, i32
  }
  func.func @transform_2(%arg0: i32) -> (i32, i32) {
    %add3A = arith.constant 5 : i32
    %add3A_0 = arith.addi %add3A, %arg0 : i32
    %c0_i32 = arith.constant 0 : i32
    %c0_i32_1 = arith.constant 0 : i32
    return %add3A_0, %c0_i32 : i32, i32
  }
  func.func @transform_3(%arg0: i32) -> (i32, i32) {
    %c0_i32 = arith.constant 0 : i32
    %c0_i32_0 = arith.constant 0 : i32
    return %arg0, %c0_i32 : i32, i32
  }
  func.func @transform_4(%arg0: i32) -> (i32, i32) {
    %c0_i32 = arith.constant 0 : i32
    %c0_i32_0 = arith.constant 0 : i32
    %c0_i32_1 = arith.constant 0 : i32
    return %c0_i32, %c0_i32_0 : i32, i32
  }
  func.func @transform_5(%arg0: i32) -> (i32, i32) {
    %c0_i32 = arith.constant 0 : i32
    %c0_i32_0 = arith.constant 0 : i32
    %c0_i32_1 = arith.constant 0 : i32
    return %c0_i32, %c0_i32_0 : i32, i32
  }
  func.func @transform_6(%arg0: i32) -> (i32, i32, i32) {
    %c0_i32 = arith.constant 0 : i32
    %c0_i32_0 = arith.constant 0 : i32
    %c0_i32_1 = arith.constant 0 : i32
    %c0_i32_2 = arith.constant 0 : i32
    return %c0_i32, %c0_i32_0, %c0_i32_1 : i32, i32, i32
  }
  func.func @transform_7(%arg0: i32) -> (i32, i32, i32) {
    %c0_i32 = arith.constant 0 : i32
    %c0_i32_0 = arith.constant 0 : i32
    %c0_i32_1 = arith.constant 0 : i32
    return %c0_i32, %arg0, %c0_i32_0 : i32, i32, i32
  }
  func.func @transform_8(%arg0: i32) -> (i32, i32) {
    %c0_i32 = arith.constant 0 : i32
    %c0_i32_0 = arith.constant 0 : i32
    return %arg0, %c0_i32 : i32, i32
  }
}

module attributes {stable_mosaic.version = 14 : i64} {
  func.func @_combine_body(%arg0: i32, %arg1: memref<2048x128xf32, #tpu.memory_space<vmem>>, %arg2: memref<2048x128xf32, #tpu.memory_space<vmem>>, %arg3: memref<2048x128xf32, #tpu.memory_space<vmem>>, %arg4: memref<128x128xf32, #tpu.memory_space<vmem>>, %arg5: memref<1x128xf32, #tpu.memory_space<vmem>>, %arg6: memref<2048x128xf32, #tpu.memory_space<vmem>>) attributes {dimension_semantics = [#tpu.dimension_semantics<arbitrary>], iteration_bounds = array<i64: 5>, scalar_prefetch = 0 : i64, scratch_operands = 0 : i64, tpu.core_type = #tpu.core_type<tc>, window_params = [{transform_indices = @transform_0, window_bounds = array<i64: 2048, 128>}, {transform_indices = @transform_1, window_bounds = array<i64: 2048, 128>}, {transform_indices = @transform_2, window_bounds = array<i64: 2048, 128>}, {pipeline_mode = #tpu.pipeline_mode<synchronous>, transform_indices = @transform_3, window_bounds = array<i64: 128, 128>}, {pipeline_mode = #tpu.pipeline_mode<synchronous>, transform_indices = @transform_4, window_bounds = array<i64: 1, 128>}, {transform_indices = @transform_5, window_bounds = array<i64: 2048, 128>}]} {
    %get3A = arith.constant 0 : index
    %get3A_0 = arith.constant 0 : index
    %get3A_1 = vector.load %arg1[%get3A, %get3A_0] : memref<2048x128xf32, #tpu.memory_space<vmem>>, vector<2048x128xf32>
    %get3A_2 = arith.constant 0 : index
    %get3A_3 = arith.constant 0 : index
    %get3A_4 = vector.load %arg2[%get3A_2, %get3A_3] : memref<2048x128xf32, #tpu.memory_space<vmem>>, vector<2048x128xf32>
    %add3A = arith.addf %get3A_1, %get3A_4 : vector<2048x128xf32>
    %get3A_5 = arith.constant 0 : index
    %get3A_6 = arith.constant 0 : index
    %get3A_7 = vector.load %arg5[%get3A_5, %get3A_6] : memref<1x128xf32, #tpu.memory_space<vmem>>, vector<1x128xf32>
    %add3A_8 = vector.broadcast %get3A_7 : vector<1x128xf32> to vector<2048x128xf32>
    %add3A_9 = arith.addf %add3A, %add3A_8 : vector<2048x128xf32>
    %get3A_10 = arith.constant 0 : index
    %get3A_11 = arith.constant 0 : index
    %get3A_12 = vector.load %arg3[%get3A_10, %get3A_11] : memref<2048x128xf32, #tpu.memory_space<vmem>>, vector<2048x128xf32>
    %get3A_13 = arith.constant 0 : index
    %get3A_14 = arith.constant 0 : index
    %get3A_15 = vector.load %arg4[%get3A_13, %get3A_14] : memref<128x128xf32, #tpu.memory_space<vmem>>, vector<128x128xf32>
    %dot_general3A = arith.constant dense<0.000000e+00> : vector<2048x128xf32>
    %dot_general3A_16 = tpu.matmul %get3A_12, %get3A_15, %dot_general3A {dimension_numbers = #tpu.dot_dimension_numbers<[1], [0], [0], [1], [0, 0, 1, 1], [], []>, transpose_lhs_hint = false} : vector<2048x128xf32>, vector<128x128xf32>, vector<2048x128xf32> -> vector<2048x128xf32>
    %add3A_17 = arith.addf %add3A_9, %dot_general3A_16 : vector<2048x128xf32>
    %swap3A = arith.constant 0 : index
    %swap3A_18 = arith.constant 0 : index
    %swap3A_19 = vector.load %arg6[%swap3A, %swap3A_18] : memref<2048x128xf32, #tpu.memory_space<vmem>>, vector<2048x128xf32>
    tpu.vector_store %arg6[%swap3A, %swap3A_18], %add3A_17 {strides = array<i32>} : memref<2048x128xf32, #tpu.memory_space<vmem>>, vector<2048x128xf32>,
    return
  }
  func.func @transform_0(%arg0: i32) -> (i32, i32) {
    %c0_i32 = arith.constant 0 : i32
    %c0_i32_0 = arith.constant 0 : i32
    return %arg0, %c0_i32 : i32, i32
  }
  func.func @transform_1(%arg0: i32) -> (i32, i32) {
    %add3A = arith.constant 5 : i32
    %add3A_0 = arith.addi %add3A, %arg0 : i32
    %c0_i32 = arith.constant 0 : i32
    %c0_i32_1 = arith.constant 0 : i32
    return %add3A_0, %c0_i32 : i32, i32
  }
  func.func @transform_2(%arg0: i32) -> (i32, i32) {
    %c0_i32 = arith.constant 0 : i32
    %c0_i32_0 = arith.constant 0 : i32
    return %arg0, %c0_i32 : i32, i32
  }
  func.func @transform_3(%arg0: i32) -> (i32, i32) {
    %c0_i32 = arith.constant 0 : i32
    %c0_i32_0 = arith.constant 0 : i32
    %c0_i32_1 = arith.constant 0 : i32
    return %c0_i32, %c0_i32_0 : i32, i32
  }
  func.func @transform_4(%arg0: i32) -> (i32, i32) {
    %c0_i32 = arith.constant 0 : i32
    %c0_i32_0 = arith.constant 0 : i32
    %c0_i32_1 = arith.constant 0 : i32
    return %c0_i32, %c0_i32_0 : i32, i32
  }
  func.func @transform_5(%arg0: i32) -> (i32, i32) {
    %c0_i32 = arith.constant 0 : i32
    %c0_i32_0 = arith.constant 0 : i32
    return %arg0, %c0_i32 : i32, i32
  }
}

</mosaic_0001>

<sc_bundles>
// kernel: kernel.10.cloned.1.call-start
scs
__scs_entry_jumppad:
0x0: {  	(pc) =	sbr.rel $0x88, $3  }
0x1: {  	(tag) =	ssettag $0x0;
	lr =	simm.s32 $0x1  }
0x2: {  	[smem:$0x3F96] =	sst lr;
	_ =	strace $0xD0000000  }
0x3: {  	_ = 	snop  }
0x4: {  	_ = 	snop  }
0x5: {  	_ = 	snop  }
0x6: {  	_ = 	snop  }
0x7: {  	_ = 	snop  }
__scs_overlays_trampoline_lowered:
0x8: {  	[smem:$0x3FA5] =	sst s0  }
0x9: {  	[smem:$0x3FA6] =	sst s1  }
0xa: {  	[smem:$0x3FA7] =	sst s2  }
0xb: {  	[smem:$0x3FA8] =	sst s3  }
0xc: {  	[smem:$0x3FA9] =	sst s4  }
0xd: {  	[smem:$0x3FAA] =	sst s5  }
0xe: {  	[smem:$0x3FAB] =	sst s6  }
0xf: {  	[smem:$0x3FAC] =	sst s7  }
0x10: {  	[smem:$0x3FAD] =	sst s8  }
0x11: {  	[smem:$0x3FAE] =	sst s9;
	s0 =	simm.s32 @!p0 $0x0  }
0x12: {  	s1 =	sld [smem:$0x3F94];
	s0 =	simm.s32 @p0 $0x1  }
0x13: {  	[smem:$0x3FAF] =	sst s0;
	s0 =	simm.s32 @!p1 $0x0  }
0x14: {  	s2 =	sld [smem:$0x3F93];
	s0 =	simm.s32 @p1 $0x1  }
0x15: {  	[smem:$0x3FB0] =	sst s0;
	s0 =	simm.s32 @!p2 $0x0  }
0x16: {  	s3 =	sld [smem:$0x3FDB];
	s0 =	simm.s32 @p2 $0x1  }
0x17: {  	s4 =	simm.s32 $0x1BF5;
	[smem:$0x3FB2] =	sst s0  }
0x18: {  	s0 =	sld [smem:$0x3F95];
	_ =	swait.ge [sflag:s4], $0x0  }
0x19: {  	s7 =	sld [smem:$0x3F96]  }
0x1a: {  	s8 =	sadd.s32 $0xFFFFE003, lr  }
0x1b: {  	s9 =	sadd.s32 $0xFFFFFEF7, lr;
	s5 =	simm.s32 $0xFFFFFFFF;
	p2 =	slt.u32 s8, $0xFFFFF086  }
0x1c: {  	p1 =	slt.u32 s9, $0xF7A;
	s5 =	simm.s32 @!p2 $0x0  }
0x1d: {  	s5 =	simm.s32 @p1 $0x1;
	p0 =	seq.s32 s7, s2  }
0x1e: {  	s7 =	smul.u32 @!p0 $0xF7A, s2;
	p2 =	seq.s32 @!p0 s5, $0x0  }
0x1f: {  	s9 =	smul.u32 $0xF7A, s1;
	s8 =	simm.s32 @!p0 $0x1BF5;
	p2 =	por !p2, p0  }
0x20: {  	[sflag:s8] =	ssyncset.s32 @!p0 $0xFFFFF086;
	s6 =	sadd.s32 @!p0 s3, s7;
	s7 =	simm.s32 @!p0 $0x108  }
0x21: {  	s3 =	sadd.s32 s3, s9;
	s6 =	sadd.s32 @!p0 $0x88, s6;
	s7 =	simm.s32 @p2 $0x1082  }
0x22: {  	[simem:s7], [sflag:s8] =	dma.local @!p0 [hbm:s6], $0xF7A  }
0x23: {  	s9 =	sor.u32 $0xD0000000, s2;
	s6 =	simm.s32 $0x108;
	_ =	swait.ge @!p0 [sflag:s8], $0x0  }
0x24: {  	s3 =	sadd.s32 $0x88, s3;
	s6 =	simm.s32 @!p1 $0x1082;
	[sflag:s4] =	ssyncset.s32 $0xFFFFF086  }
0x25: {  	[simem:s6], [sflag:s4] =	dma.local [hbm:s3], $0xF7A  }
0x26: {  	[smem:$0x3F96] =	sst s1;
	(tag) =	ssettag s2;
	_ =	strace s9  }
0x27: {  	s1 =	sld [smem:$0x3FA6]  }
0x28: {  	s2 =	sld [smem:$0x3FA7]  }
0x29: {  	s4 =	sld [smem:$0x3FA9]  }
0x2a: {  	p0 =	seq.s32 s5, $0x0;
	s5 =	sld [smem:$0x3FAA]  }
0x2b: {  	s6 =	sld [smem:$0x3FAB]  }
0x2c: {  	s7 =	sld [smem:$0x3FAC]  }
0x2d: {  	s3 =	simm.s32 $0x108;
	s8 =	sld [smem:$0x3FAD]  }
0x2e: {  	s3 =	simm.s32 @!p0 $0x1082;
	s9 =	sld [smem:$0x3FAE]  }
0x2f: {  	lr =	sadd.s32 s0, s3;
	s0 =	sld [smem:$0x3FA5]  }
0x30: {  	s3 =	sld [smem:$0x3FA8]  }
0x31: {  	[smem:$0x3FB1] =	sst s10  }
0x32: {  	s10 =	sld [smem:$0x3FAF];
	_ =	sdelay $0x3  }
0x33: {  	p0 =	seq.s32 s10, $0x1;
	s10 =	sld [smem:$0x3FB1];
	_ =	sdelay $0x3  }
0x34: {  	[smem:$0x3FB1] =	sst s10  }
0x35: {  	s10 =	sld [smem:$0x3FB0];
	_ =	sdelay $0x3  }
0x36: {  	p1 =	seq.s32 s10, $0x1;
	s10 =	sld [smem:$0x3FB1];
	_ =	sdelay $0x3  }
0x37: {  	[smem:$0x3FB1] =	sst s10  }
0x38: {  	s10 =	sld [smem:$0x3FB2]  }
0x39: {  	_ = 	snop;
	(pc) =	sbr.ind lr, $3  }
0x3a: {  	_ = 	snop  }
0x3b: {  	_ = 	snop  }
0x3c: {  	p2 =	seq.s32 s10, $0x1;
	s10 =	sld [smem:$0x3FB1]  }
0x3d: {  	_ =	shalt  }
0x3e: {  	_ =	shalt  }
0x3f: {  	_ =	shalt  }
0x40: {  	_ =	shalt  }
0x41: {  	_ =	shalt  }
0x42: {  	_ =	shalt  }
0x43: {  	_ =	shalt  }
0x44: {  	_ =	shalt  }
0x45: {  	_ =	shalt  }
0x46: {  	_ =	shalt  }
0x47: {  	_ =	shalt  }
0x48: {  	_ =	shalt  }
0x49: {  	_ =	shalt  }
0x4a: {  	_ =	shalt  }
0x4b: {  	_ =	shalt  }
0x4c: {  	_ =	shalt  }
0x4d: {  	_ =	shalt  }
0x4e: {  	_ =	shalt  }
0x4f: {  	_ =	shalt  }
0x50: {  	_ =	shalt  }
0x51: {  	_ =	shalt  }
0x52: {  	_ =	shalt  }
0x53: {  	_ =	shalt  }
0x54: {  	_ =	shalt  }
0x55: {  	_ =	shalt  }
0x56: {  	_ =	shalt  }
0x57: {  	_ =	shalt  }
0x58: {  	_ =	shalt  }
0x59: {  	_ =	shalt  }
0x5a: {  	_ =	shalt  }
0x5b: {  	_ =	shalt  }
0x5c: {  	_ =	shalt  }
0x5d: {  	_ =	shalt  }
0x5e: {  	_ =	shalt  }
0x5f: {  	_ =	shalt  }
0x60: {  	_ =	shalt  }
0x61: {  	_ =	shalt  }
0x62: {  	_ =	shalt  }
0x63: {  	_ =	shalt  }
0x64: {  	_ =	shalt  }
0x65: {  	_ =	shalt  }
0x66: {  	_ =	shalt  }
0x67: {  	_ =	shalt  }
0x68: {  	_ =	shalt  }
0x69: {  	_ =	shalt  }
0x6a: {  	_ =	shalt  }
0x6b: {  	_ =	shalt  }
0x6c: {  	_ =	shalt  }
0x6d: {  	_ =	shalt  }
0x6e: {  	_ =	shalt  }
0x6f: {  	_ =	shalt  }
0x70: {  	_ =	shalt  }
0x71: {  	_ =	shalt  }
0x72: {  	_ =	shalt  }
0x73: {  	_ =	shalt  }
0x74: {  	_ =	shalt  }
0x75: {  	_ =	shalt  }
0x76: {  	_ =	shalt  }
0x77: {  	_ =	shalt  }
0x78: {  	_ =	shalt  }
0x79: {  	_ =	shalt  }
0x7a: {  	_ =	shalt  }
0x7b: {  	_ =	shalt  }
0x7c: {  	_ =	shalt  }
0x7d: {  	_ =	shalt  }
0x7e: {  	_ =	shalt  }
0x7f: {  	_ =	shalt  }
0x80: {  	_ =	shalt  }
0x81: {  	_ =	shalt  }
0x82: {  	_ =	shalt  }
0x83: {  	_ =	shalt  }
0x84: {  	_ =	shalt  }
0x85: {  	_ =	shalt  }
0x86: {  	_ =	shalt  }
0x87: {  	_ =	shalt  }
.Lfunc_end0:
.L_simem_size_0:
called_computation.1_lowered:
.L_overlay_start_0:
0x88: {  	s2 =	sld [smem:$0x3FD9]  }
0x89: {  	s3 =	sld [smem:$0x3FFE];
	_ =	sdelay $0x1  }
0x8a: {  	s1 =	srdreg.scid  }
0x8b: {  	s0 =	sand.u32 $0x1, s1  }
0x8c: {  	s17 =	sshll.u32 s0, $0xA;
	s2 =	sadd.s32 s3, s2  }
0x8d: {  	s2 =	sadd.s32 s2, s17  }
0x8e: {  	[smem:$0x3FBD] =	sst s2  }
0x8f: {  	_ = 	snop  }
0x90: {  	s2 =	sld [smem:$0x3FD0];
	(tm) =	ssettm $0x1  }
0x91: {  	s18 =	sld [smem:$0x3FFB];
	_ =	sdelay $0x3  }
0x92: {  	_ =	strace s18  }
0x93: {  	s3 =	sld [smem:$0x3FFC];
	_ =	sdelay $0x3  }
0x94: {  	_ =	strace s3  }
0x95: {  	s3 =	sld [smem:$0x3FFD];
	_ =	sdelay $0x3  }
0x96: {  	_ =	strace s3  }
0x97: {  	_ =	strace $0x8FFFFFFF  }
0x98: {  	s19 =	sld [smem:$0x3FDB];
	_ =	sdelay $0x1  }
0x99: {  	s4 =	simm.s32 $_scs_section_size  }
0x9a: {  	s5 =	simm.s32 $_size__tile_overlayer_lowered;
	s6 =	simm.s32 $_tile_overlayer_lowered  }
0x9b: {  	s22 =	simm.s32 $0x1BFF;
	s21 =	sshll.u32 s6, $0x1;
	s3 =	sadd.s32 s4, s19  }
0x9c: {  	s7 =	simm.s32 $0x0;
	s20 =	sshll.u32 s5, $0x1;
	s5 =	sadd.s32 s21, s3  }
0x9d: {  	[timem:s7], [sflag:s22] =	dma.local [hbm:s5], s20  }
0x9e: {  	_ =	swait.ge [sflag:s22], s20  }
0x9f: {  	s4 =	ssub.s32 $0x0, s20;
	[sflag:s22] =	ssyncset.done $0x0  }
0xa0: {  	[sflag:s22] =	ssyncadd.s32 s4;
	_ =	sdelay $0x1  }
0xa1: {  	s23 =	simm.s32 $0x1B8B  }
0xa2: {  	_ =	swait.ge [sflag:s23], $0x1  }
0xa3: {  	[sflag:s23] =	ssyncset.done $0x0  }
0xa4: {  	s25 =	simm.s32 $0x1B8E;
	s24 =	sld [smem:$0x3FFE];
	[sflag:s23] =	ssyncadd.s32 $0xFFFFFFFF  }
0xa5: {  	s26 =	simm.s32 $execute0_lowered;
	[smem:$0x3FD2] =	sst s25  }
0xa6: {  	s5 =	sshll.u32 s26, $0x1;
	_ =	strace $0x80000049;
	[dreg:$0x1] =	wrdreg $0xFFFFFFFF  }
0xa7: {  	s28 =	simm.s32 $_size_execute0_lowered;
	s3 =	sadd.s32 s3, s5;
	[dreg:$0x0] =	wrdreg $0x0  }
0xa8: {  	s5 =	sshll.u32 s28, $0x1;
	[dreg:$0x2] =	wrdreg s3  }
0xa9: {  	[dreg:$0x3] =	wrdreg s5  }
0xaa: {  	[dreg:$0x4] =	wrdreg $0xC0  }
0xab: {  	_ =	task [dreg:s7], $0x5FFFF  }
0xac: {  	[dreg:$0x1] =	wrdreg $0xFFFFFFFF  }
0xad: {  	[dreg:$0x0] =	wrdreg $0x60  }
0xae: {  	[dreg:$0x2] =	wrdreg s24  }
0xaf: {  	[dreg:$0x3] =	wrdreg s2  }
0xb0: {  	[dreg:$0x4] =	wrdreg $0x96000  }
0xb1: {  	[dreg:$0x5] =	wrdreg $0x9  }
0xb2: {  	_ =	task.clear_ibuf [dreg:s7], $0x6FFFF;
	_ =	strace $0x90000049  }
0xb3: {  	s29 =	simm.s32 $0x9;
	_ =	strace $0x8000004B  }
0xb4: {  	_ =	swait.ge [sflag:s29], $0x1  }
0xb5: {  	[sflag:s29] =	ssyncadd.s32 $0xFFFFFFFF  }
0xb6: {  	_ =	strace $0x9000004B  }
0xb7: {  	_ =	sfence  }
0xb8: {  	s30 =	sld [smem:$0x0];
	_ =	sdelay $0x2  }
0xb9: {  	s31 =	sshll.u32 s1, $0xD;
	s1 =	sshrl.u32 s1, $0x2  }
0xba: {  	s3 =	sand.u32 $0x4000, s31;
	s1 =	sadd.s32 s1, s30  }
0xbb: {  	s0 =	sor.u32 s3, s0;
	s1 =	sshll.u32 s1, $0x11  }
0xbc: {  	s0 =	sor.u32 s1, s0  }
0xbd: {  	s0 =	sadd.s32 $0x8F2B, s0  }
0xbe: {  	[sflag:s0] =	ssyncadd.remote.s32 $0x1  }
0xbf: {  	_ =	sfence.sel $0xFFFF  }
0xc0: {  	[dreg:$0x0] =	wrdreg $0xFFFFFFFF;
	(pc) =	sbr.abs _section_cstart, $3  }
0xc1: {  	[dreg:$0x1] =	wrdreg $0xFFFFFFFF  }
0xc2: {  	_ =	task.clear_ibuf [dreg:s7], $0x2FFFF;
	_ =	strace $0x9FFFFFFF  }
0xc3: {  	(tm) =	ssettm $0x7FFFFFFF  }
tec
execute0_lowered:
.L_overlay_start_1:
0x0: {  	(tag) =	ssettag $0x1  }
0x1: {  	s0 =	rddreg [dreg:$0x0]  }
0x2: {  	s1 =	rddreg [dreg:$0x1]  }
0x3: {  	s3 =	rddreg [dreg:$0x2];
	s4 =	simm.s32 $0x0;
	s12 =	stileid.u32  }
0x4: {  	s2 =	srdreg.scid;
	s31 =	simm.s32 $0x9280;
	s28 =	simm.s32 $0xD  }
0x5: {  	s29 =	simm.s32 $0xF;
	[smem:$0x7FF] =	sst s4;
	s7 =	smul.u32 $0x2780, s12  }
0x6: {  	s2 =	sand.u32 $0x1, s2;
	s5 =	sadd.s32 $0xFE00, s0;
	s10 =	smul.u32 $0x4F000, s12  }
0x7: {  	s6 =	sadd.s32 $0x1E00, s0;
	_ =	strace $0x8000004A;
	s8 =	smul.u32 $0x28000, s2  }
0x8: {  	s11 =	sshll.u32 s2, $0x4;
	s2 =	ssub.s32 $0x2, s2;
	s9 =	sadd.s32 s7, s0  }
0x9: {  	s24 =	sor.u32 s12, s11;
	s25 =	sshrl.u32 s2, $0x1;
	s10 =	sshrl.u32 s10, $0x2  }
0xa: {  	s11 =	sshll.u32 s12, $0x6;
	s8 =	sadd.s32 s7, s8;
	s7 =	smul.u32 $0x3800, s24  }
0xb: {  	s2 =	ssub.s32 s2, s25;
	s26 =	sadd.s32 s10, s3;
	s10 =	sadd.s32 $0x14FE00, s9  }
0xc: {  	s30 =	sor.u32 $0x1C10, s11;
	s0 =	sadd.s32 s8, s0;
	[dreg:$0x4] =	wrdreg s26  }
0xd: {  	[dreg:$0x5] =	wrdreg s10;
	s26 =	smax.u32 s2, $0x1;
	s2 =	simm.s32 $0x0  }
0xe: {  	[dreg:$0x6] =	wrdreg s30;
	s12 =	sshrl.u32 s7, $0x3;
	s0 =	sadd.s32 $0x177E00, s0  }
0xf: {  	[dreg:$0x14] =	wrdreg s26;
	s26 =	simm.s32 $0x2;
	s13 =	sadd.s32 s1, s12  }
0x10: {  	s14 =	sor.u32 $0x10, s12;
	s15 =	sadd.s32 s6, s12;
	[dreg:$0x13] =	wrdreg s0  }
0x11: {  	s17 =	sor.u32 $0x20, s12;
	s19 =	sor.u32 $0x30, s12;
	[dreg:$0x7] =	wrdreg s13  }
0x12: {  	s21 =	sor.u32 $0x40, s12;
	[dreg:$0x8] =	wrdreg s15;
	s16 =	sadd.s32 s1, s14  }
0x13: {  	s23 =	sor.u32 $0x50, s12;
	s8 =	sadd.s32 s6, s14;
	[dreg:$0x9] =	wrdreg s16  }
0x14: {  	s12 =	simm.s32 $0x9480;
	s18 =	sadd.s32 s1, s17;
	[dreg:$0xa] =	wrdreg s8  }
0x15: {  	s10 =	sadd.s32 s6, s17;
	s20 =	sadd.s32 s1, s19;
	[dreg:$0xb] =	wrdreg s18  }
0x16: {  	s22 =	sadd.s32 s1, s21;
	s24 =	sadd.s32 s6, s21;
	[dreg:$0xc] =	wrdreg s10  }
0x17: {  	s25 =	sadd.s32 s1, s23;
	s14 =	simm.s32 $0x60;
	[dreg:$0xd] =	wrdreg s20  }
0x18: {  	s15 =	simm.s32 $0x6;
	s17 =	simm.s32 $0x8;
	[dreg:$0xf] =	wrdreg s22  }
0x19: {  	s21 =	simm.s32 $0x5;
	s13 =	simm.s32 $0xE;
	[dreg:$0x10] =	wrdreg s24  }
.Ltmp0:
0x1a: {  	s8 =	sadd.s32 s6, s19;
	[dreg:$0x11] =	wrdreg s25;
	(pc) =	sbr.rel .LBB2_1-.Ltmp0, $4  }
0x1b: {  	s25 =	simm.s32 $0x10;
	s16 =	simm.s32 $0x3000;
	s18 =	simm.s32 $0x6000  }
0x1c: {  	s19 =	simm.s32 $0x1;
	s20 =	simm.s32 $0xA;
	s22 =	simm.s32 $0xC  }
0x1d: {  	s24 =	simm.s32 $0x3;
	[dreg:$0xe] =	wrdreg s8;
	s8 =	sadd.s32 s6, s23  }
0x1e: {  	s10 =	simm.s32 $0x9;
	s23 =	simm.s32 $0x7;
	[dreg:$0x12] =	wrdreg s8  }
.LBB2_4:
0x1f: {  	_ =	swait.ge [sflag:s24], $0x3000  }
0x20: {  	[sflag:s24] =	ssyncset.done $0x0  }
0x21: {  	[sflag:s24] =	ssyncadd.s32 $0xFFFFD000  }
0x22: {  	_ =	swait.ge [sflag:s29], $0x80  }
0x23: {  	[sflag:s29] =	ssyncset.done $0x0  }
0x24: {  	s0 =	simm.s32 $0x9580;
	[sflag:s29] =	ssyncadd.s32 $0xFFFFFF80  }
0x25: {  	[spmem:s3] =	stream.indirect.scatter.add.f32 [tilespmem:s18], [sflag:$0x10], $0x80, s0, s14, $0xb8;
	[tilespmem:$0x1D200] =	vst v63  }
0x26: {  	_ =	swait.ge [sflag:s25], $0x3000  }
0x27: {  	[sflag:s25] =	ssyncset.done $0x0  }
0x28: {  	[sflag:s25] =	ssyncadd.s32 $0xFFFFD000  }
0x29: {  	[bflag:$0x0] =	sbarrier.arrive $0xFFFF  }
0x2a: {  	s30 =	rddreg [dreg:$0x6]  }
0x2b: {  	s8 =	rddreg [dreg:$0x13]  }
0x2c: {  	s2 =	rddreg [dreg:$0x16]  }
0x2d: {  	[hbm:s8], [sflag:s30] =	dma.local [spmem:s2], $0x2780  }
0x2e: {  	_ =	swait.ge [sflag:s25], $0x2780  }
0x2f: {  	s9 =	rddreg [dreg:$0x15]  }
0x30: {  	s11 =	rddreg [dreg:$0x14];
	s2 =	sadd.s32 $0x1, s9  }
0x31: {  	p0 =	sne.s32 s2, s11  }
.Ltmp1:
0x32: {  	_ = 	snop;
	(pc) =	sbr.rel @!p0 .LBB2_5-.Ltmp1, $3  }
0x33: {  	_ =	sdelay $0x1  }
0x34: {  	[sflag:s25] =	ssyncset.done $0x0  }
0x35: {  	s31 =	simm.s32 $0x9280;
	[sflag:s25] =	ssyncadd.s32 $0xFFFFD880  }
.LBB2_1:
0x36: {  	[dreg:$0x15] =	wrdreg s2  }
0x37: {  	s0 =	rddreg [dreg:$0x4]  }
0x38: {  	s8 =	rddreg [dreg:$0x5];
	s0 =	sshrl.u32 s0, $0x3  }
0x39: {  	[dreg:$0x16] =	wrdreg s0  }
0x3a: {  	[spmem:s0], [sflag:s30] =	dma.local [hbm:s8], $0x2780  }
0x3b: {  	_ =	swait.ge [sflag:s25], $0x2780  }
0x3c: {  	[sflag:s25] =	ssyncset.done $0x0  }
0x3d: {  	[sflag:s25] =	ssyncadd.s32 $0xFFFFD880  }
0x3e: {  	[bflag:$0x0] =	sbarrier.arrive $0xFFFF  }
0x3f: {  	s2 =	simm.s32 $0x9000;
	s9 =	rddreg [dreg:$0x7]  }
0x40: {  	[tilespmem:s2], [sflag:$0x4] =	stream.linear.gather [hbm4b:s9+s4], $0x80, $0x38;
	[tilespmem:$0x1D200] =	vst v63  }
0x41: {  	s8 =	simm.s32 $0x9300;
	s11 =	rddreg [dreg:$0x8]  }
0x42: {  	[tilespmem:s8], [sflag:$0xA] =	stream.linear.gather [hbm4b:s11+s4], $0x80, $0x38;
	[tilespmem:$0x1D200] =	vst v63  }
0x43: {  	s9 =	rddreg [dreg:$0x9];
	s8 =	simm.s32 $0x9100  }
0x44: {  	[tilespmem:s8], [sflag:$0x6] =	stream.linear.gather [hbm4b:s9+s4], $0x80, $0x38;
	[tilespmem:$0x1D200] =	vst v63  }
0x45: {  	s11 =	rddreg [dreg:$0xa];
	s9 =	simm.s32 $0x9400  }
0x46: {  	[tilespmem:s9], [sflag:$0xC] =	stream.linear.gather [hbm4b:s11+s4], $0x80, $0x38;
	[tilespmem:$0x1D200] =	vst v63  }
0x47: {  	s11 =	rddreg [dreg:$0xb];
	s9 =	simm.s32 $0x9200  }
0x48: {  	[tilespmem:s9], [sflag:$0x8] =	stream.linear.gather [hbm4b:s11+s4], $0x80, $0x38;
	[tilespmem:$0x1D200] =	vst v63  }
0x49: {  	s30 =	simm.s32 $0x9500;
	s11 =	rddreg [dreg:$0xc]  }
0x4a: {  	[tilespmem:s30], [sflag:$0xE] =	stream.linear.gather [hbm4b:s11+s4], $0x80, $0x38;
	[tilespmem:$0x1D200] =	vst v63  }
0x4b: {  	s11 =	rddreg [dreg:$0xd];
	s30 =	simm.s32 $0x9080  }
0x4c: {  	[tilespmem:s30], [sflag:$0x5] =	stream.linear.gather [hbm4b:s11+s4], $0x80, $0x38;
	[tilespmem:$0x1D200] =	vst v63  }
0x4d: {  	s11 =	rddreg [dreg:$0xe];
	s30 =	simm.s32 $0x9380  }
0x4e: {  	[tilespmem:s30], [sflag:$0xB] =	stream.linear.gather [hbm4b:s11+s4], $0x80, $0x38;
	[tilespmem:$0x1D200] =	vst v63  }
0x4f: {  	s0 =	rddreg [dreg:$0xf];
	s11 =	simm.s32 $0x9180  }
0x50: {  	[tilespmem:s11], [sflag:$0x7] =	stream.linear.gather [hbm4b:s0+s4], $0x80, $0x38;
	[tilespmem:$0x1D200] =	vst v63  }
0x51: {  	s11 =	rddreg [dreg:$0x10]  }
0x52: {  	[tilespmem:s12], [sflag:$0xD] =	stream.linear.gather [hbm4b:s11+s4], $0x80, $0x38;
	[tilespmem:$0x1D200] =	vst v63  }
0x53: {  	s12 =	rddreg [dreg:$0x11]  }
0x54: {  	[tilespmem:s31], [sflag:$0x9] =	stream.linear.gather [hbm4b:s12+s4], $0x80, $0x38;
	[tilespmem:$0x1D200] =	vst v63  }
0x55: {  	s11 =	rddreg [dreg:$0x12];
	s12 =	simm.s32 $0x9580;
	s31 =	simm.s32 $0x4  }
0x56: {  	[tilespmem:s12], [sflag:$0xF] =	stream.linear.gather [hbm4b:s11+s4], $0x80, $0x38;
	[tilespmem:$0x1D200] =	vst v63  }
0x57: {  	_ =	swait.ge [sflag:s31], $0x80  }
0x58: {  	[sflag:s31] =	ssyncset.done $0x0  }
0x59: {  	[sflag:s31] =	ssyncadd.s32 $0xFFFFFF80  }
0x5a: {  	[tilespmem:s4], [sflag:$0x1] =	stream.indirect.gather [hbm4b:s5+s14], $0x80, s2, s14, $0xb8;
	[tilespmem:$0x1D200] =	vst v63  }
0x5b: {  	_ =	swait.ge [sflag:s15], $0x80  }
0x5c: {  	[sflag:s15] =	ssyncset.done $0x0  }
0x5d: {  	[sflag:s15] =	ssyncadd.s32 $0xFFFFFF80  }
0x5e: {  	[tilespmem:s16], [sflag:$0x2] =	stream.indirect.gather [hbm4b:s5+s14], $0x80, s8, s14, $0xb8;
	[tilespmem:$0x1D200] =	vst v63  }
0x5f: {  	_ =	swait.ge [sflag:s17], $0x80  }
0x60: {  	[sflag:s17] =	ssyncset.done $0x0  }
0x61: {  	[sflag:s17] =	ssyncadd.s32 $0xFFFFFF80  }
0x62: {  	[tilespmem:s18], [sflag:$0x3] =	stream.indirect.gather [hbm4b:s5+s14], $0x80, s9, s14, $0xb8;
	[tilespmem:$0x1D200] =	vst v63  }
0x63: {  	s30 =	simm.s32 $0x580;
	s12 =	simm.s32 $0x9480;
	s9 =	simm.s32 $0x9180  }
.LBB2_2:
0x64: {  	_ =	swait.ge [sflag:s19], $0x3000  }
0x65: {  	[sflag:s19] =	ssyncset.done $0x0  }
0x66: {  	[sflag:s19] =	ssyncadd.s32 $0xFFFFD000  }
0x67: {  	_ =	swait.ge [sflag:s20], $0x80  }
0x68: {  	[sflag:s20] =	ssyncset.done $0x0  }
0x69: {  	s0 =	simm.s32 $0x9300;
	[sflag:s20] =	ssyncadd.s32 $0xFFFFFF80  }
0x6a: {  	[spmem:s3] =	stream.indirect.scatter.add.f32 [tilespmem:s4], [sflag:$0x10], $0x80, s0, s14, $0xb8;
	[tilespmem:$0x1D200] =	vst v63  }
0x6b: {  	p0 =	seq.s32 s30, $0x3880;
	_ =	swait.ge [sflag:s25], $0x3000  }
0x6c: {  	s0 =	sadd.s32 @!p0 $0xFFFFFD80, s30;
	[sflag:s25] =	ssyncset.done $0x0  }
0x6d: {  	s31 =	sand.u32 @!p0 $0xFC00, s0;
	[sflag:s25] =	ssyncadd.s32 $0xFFFFD000  }
0x6e: {  	s0 =	sand.u32 @!p0 $0x300, s0;
	s31 =	sadd.s32 @!p0 s7, s31;
	_ =	swait.ge [sflag:s21], $0x80  }
0x6f: {  	s0 =	sor.u32 @!p0 s0, s31;
	[sflag:s21] =	ssyncset.done $0x0  }
0x70: {  	s8 =	simm.s32 $0x9080;
	s2 =	sshrl.u32 @!p0 s0, $0x3;
	[sflag:s21] =	ssyncadd.s32 $0xFFFFFF80  }
0x71: {  	[tilespmem:s4], [sflag:$0x1] =	stream.indirect.gather [hbm4b:s5+s14], $0x80, s8, s14, $0xb8;
	[tilespmem:$0x1D200] =	vst v63  }
0x72: {  	s31 =	simm.s32 @!p0 $0x0;
	s0 =	simm.s32 @!p0 $0x9000;
	s8 =	sadd.s32 @!p0 s1, s2  }
0x73: {  	[tilespmem:s0], [sflag:$0x4] =	stream.linear.gather @!p0 [hbm4b:s8+s31], $0x80, $0x38;
	[tilespmem:$0x1D200] =	vst v63  }
0x74: {  	s2 =	sadd.s32 @!p0 s6, s2;
	s8 =	simm.s32 @!p0 $0x9300  }
0x75: {  	[tilespmem:s8], [sflag:$0xA] =	stream.linear.gather @!p0 [hbm4b:s2+s31], $0x80, $0x38;
	[tilespmem:$0x1D200] =	vst v63  }
0x76: {  	_ =	swait.ge [sflag:s26], $0x3000  }
0x77: {  	[sflag:s26] =	ssyncset.done $0x0  }
0x78: {  	[sflag:s26] =	ssyncadd.s32 $0xFFFFD000  }
0x79: {  	_ =	swait.ge [sflag:s22], $0x80  }
0x7a: {  	[sflag:s22] =	ssyncset.done $0x0  }
0x7b: {  	s11 =	simm.s32 $0x9400;
	[sflag:s22] =	ssyncadd.s32 $0xFFFFFF80  }
0x7c: {  	[spmem:s3] =	stream.indirect.scatter.add.f32 [tilespmem:s16], [sflag:$0x10], $0x80, s11, s14, $0xb8;
	[tilespmem:$0x1D200] =	vst v63  }
0x7d: {  	_ =	swait.ge [sflag:s25], $0x3000  }
0x7e: {  	s2 =	sadd.s32 @!p0 $0xFFFFFE00, s30;
	[sflag:s25] =	ssyncset.done $0x0  }
0x7f: {  	s8 =	sand.u32 @!p0 $0xFC00, s2;
	[sflag:s25] =	ssyncadd.s32 $0xFFFFD000  }
0x80: {  	s2 =	sand.u32 @!p0 $0x380, s2;
	s8 =	sadd.s32 @!p0 s7, s8;
	_ =	swait.ge [sflag:s23], $0x80  }
0x81: {  	s2 =	sor.u32 @!p0 s2, s8;
	[sflag:s23] =	ssyncset.done $0x0  }
0x82: {  	s2 =	sshrl.u32 @!p0 s2, $0x3;
	[sflag:s23] =	ssyncadd.s32 $0xFFFFFF80  }
0x83: {  	[tilespmem:s16], [sflag:$0x2] =	stream.indirect.gather [hbm4b:s5+s14], $0x80, s9, s14, $0xb8;
	[tilespmem:$0x1D200] =	vst v63  }
0x84: {  	s8 =	sadd.s32 @!p0 s1, s2;
	s9 =	simm.s32 @!p0 $0x9100  }
0x85: {  	[tilespmem:s9], [sflag:$0x6] =	stream.linear.gather @!p0 [hbm4b:s8+s31], $0x80, $0x38;
	[tilespmem:$0x1D200] =	vst v63  }
0x86: {  	s2 =	sadd.s32 @!p0 s6, s2;
	s8 =	simm.s32 @!p0 $0x9400  }
0x87: {  	[tilespmem:s8], [sflag:$0xC] =	stream.linear.gather @!p0 [hbm4b:s2+s31], $0x80, $0x38;
	[tilespmem:$0x1D200] =	vst v63  }
0x88: {  	_ =	swait.ge [sflag:s24], $0x3000  }
0x89: {  	[sflag:s24] =	ssyncset.done $0x0  }
0x8a: {  	[sflag:s24] =	ssyncadd.s32 $0xFFFFD000  }
0x8b: {  	_ =	swait.ge [sflag:s13], $0x80  }
0x8c: {  	[sflag:s13] =	ssyncset.done $0x0  }
0x8d: {  	s8 =	simm.s32 $0x9500;
	[sflag:s13] =	ssyncadd.s32 $0xFFFFFF80  }
0x8e: {  	[spmem:s3] =	stream.indirect.scatter.add.f32 [tilespmem:s18], [sflag:$0x10], $0x80, s8, s14, $0xb8;
	[tilespmem:$0x1D200] =	vst v63  }
0x8f: {  	_ =	swait.ge [sflag:s25], $0x3000  }
0x90: {  	[sflag:s25] =	ssyncset.done $0x0  }
0x91: {  	[sflag:s25] =	ssyncadd.s32 $0xFFFFD000  }
0x92: {  	_ =	swait.ge [sflag:s10], $0x80  }
0x93: {  	[sflag:s10] =	ssyncset.done $0x0  }
0x94: {  	s9 =	simm.s32 $0x9280;
	s2 =	simm.s32 @p0 $0x1;
	[sflag:s10] =	ssyncadd.s32 $0xFFFFFF80  }
0x95: {  	[tilespmem:s18], [sflag:$0x3] =	stream.indirect.gather [hbm4b:s5+s14], $0x80, s9, s14, $0xb8;
	[tilespmem:$0x1D200] =	vst v63  }
0x96: {  	_ =	swait.ge @p0 [sflag:s2], $0x3000  }
0x97: {  	[sflag:s2] =	ssyncset.done @p0 $0x0  }
0x98: {  	[sflag:s2] =	ssyncadd.s32 @p0 $0xFFFFD000;
	s2 =	simm.s32 @p0 $0xB  }
0x99: {  	_ =	swait.ge @p0 [sflag:s2], $0x80  }
0x9a: {  	s8 =	simm.s32 @p0 $0x9380;
	[sflag:s2] =	ssyncset.done @p0 $0x0  }
0x9b: {  	s9 =	simm.s32 @p0 $0x0;
	[sflag:s2] =	ssyncadd.s32 @p0 $0xFFFFFF80;
	s2 =	simm.s32 @p0 $0x60  }
0x9c: {  	[spmem:s3] =	stream.indirect.scatter.add.f32 @p0 [tilespmem:s9], [sflag:$0x10], $0x80, s8, s2, $0xb8;
	[tilespmem:$0x1D200] =	vst v63  }
0x9d: {  	s2 =	sadd.s32 @!p0 $0xFFFFFE80, s30  }
0x9e: {  	s8 =	sadd.s32 @!p0 $0xFFFFFA80, s30;
	s2 =	sand.u32 @!p0 $0xFC00, s2  }
0x9f: {  	s9 =	simm.s32 @p0 $0x10;
	s8 =	sand.u32 @!p0 $0x300, s8;
	s2 =	sadd.s32 @!p0 s7, s2  }
0xa0: {  	_ =	swait.ge @p0 [sflag:s9], $0x3000;
	s2 =	sor.u32 @!p0 s8, s2  }
0xa1: {  	[sflag:s9] =	ssyncset.done @p0 $0x0;
	s2 =	sshrl.u32 @!p0 s2, $0x3  }
0xa2: {  	[sflag:s9] =	ssyncadd.s32 @p0 $0xFFFFD000;
	s9 =	simm.s32 @!p0 $0x9200;
	s8 =	sadd.s32 @!p0 s1, s2  }
0xa3: {  	[tilespmem:s9], [sflag:$0x8] =	stream.linear.gather @!p0 [hbm4b:s8+s31], $0x80, $0x38;
	[tilespmem:$0x1D200] =	vst v63  }
0xa4: {  	s2 =	sadd.s32 @!p0 s6, s2;
	s8 =	simm.s32 @!p0 $0x9500  }
0xa5: {  	[tilespmem:s8], [sflag:$0xE] =	stream.linear.gather @!p0 [hbm4b:s2+s31], $0x80, $0x38;
	[tilespmem:$0x1D200] =	vst v63  }
0xa6: {  	s2 =	simm.s32 @!p0 $0x1  }
0xa7: {  	_ =	swait.ge @!p0 [sflag:s2], $0x3000  }
0xa8: {  	[sflag:s2] =	ssyncset.done @!p0 $0x0  }
0xa9: {  	[sflag:s2] =	ssyncadd.s32 @!p0 $0xFFFFD000;
	s2 =	simm.s32 @!p0 $0xB  }
0xaa: {  	_ =	swait.ge @!p0 [sflag:s2], $0x80  }
0xab: {  	s9 =	simm.s32 @!p0 $0x10;
	[sflag:s2] =	ssyncset.done @!p0 $0x0  }
0xac: {  	s8 =	simm.s32 @!p0 $0x9380;
	[sflag:s2] =	ssyncadd.s32 @!p0 $0xFFFFFF80;
	s2 =	simm.s32 @!p0 $0x60  }
0xad: {  	[spmem:s3] =	stream.indirect.scatter.add.f32 @!p0 [tilespmem:s31], [sflag:$0x10], $0x80, s8, s2, $0xb8;
	[tilespmem:$0x1D200] =	vst v63  }
0xae: {  	_ =	swait.ge @!p0 [sflag:s9], $0x3000  }
0xaf: {  	[sflag:s9] =	ssyncset.done @!p0 $0x0  }
0xb0: {  	[sflag:s9] =	ssyncadd.s32 @!p0 $0xFFFFD000;
	s9 =	simm.s32 @!p0 $0x4  }
0xb1: {  	_ =	swait.ge @!p0 [sflag:s9], $0x80  }
0xb2: {  	[sflag:s9] =	ssyncset.done @!p0 $0x0  }
0xb3: {  	[sflag:s9] =	ssyncadd.s32 @!p0 $0xFFFFFF80  }
0xb4: {  	[tilespmem:s31], [sflag:$0x1] =	stream.indirect.gather @!p0 [hbm4b:s5+s2], $0x80, s0, s2, $0xb8;
	[tilespmem:$0x1D200] =	vst v63  }
0xb5: {  	s0 =	sadd.s32 @!p0 $0xFFFFFF00, s30  }
0xb6: {  	s2 =	sand.u32 @!p0 $0xFC00, s0  }
0xb7: {  	s0 =	sand.u32 @!p0 $0x380, s0;
	s2 =	sadd.s32 @!p0 s7, s2  }
0xb8: {  	s0 =	sor.u32 @!p0 s0, s2  }
0xb9: {  	s0 =	sshrl.u32 @!p0 s0, $0x3  }
0xba: {  	s9 =	simm.s32 @!p0 $0x9080;
	s2 =	sadd.s32 @!p0 s1, s0  }
0xbb: {  	[tilespmem:s9], [sflag:$0x5] =	stream.linear.gather @!p0 [hbm4b:s2+s31], $0x80, $0x38;
	[tilespmem:$0x1D200] =	vst v63  }
0xbc: {  	s0 =	sadd.s32 @!p0 s6, s0  }
0xbd: {  	[tilespmem:s8], [sflag:$0xB] =	stream.linear.gather @!p0 [hbm4b:s0+s31], $0x80, $0x38;
	[tilespmem:$0x1D200] =	vst v63  }
0xbe: {  	_ =	swait.ge [sflag:s26], $0x3000  }
0xbf: {  	[sflag:s26] =	ssyncset.done $0x0  }
0xc0: {  	[sflag:s26] =	ssyncadd.s32 $0xFFFFD000  }
0xc1: {  	_ =	swait.ge [sflag:s28], $0x80  }
0xc2: {  	[sflag:s28] =	ssyncset.done $0x0  }
.Ltmp2:
0xc3: {  	[sflag:s28] =	ssyncadd.s32 $0xFFFFFF80;
	(pc) =	sbr.rel @p0 .LBB2_4-.Ltmp2, $4  }
0xc4: {  	[spmem:s3] =	stream.indirect.scatter.add.f32 [tilespmem:s16], [sflag:$0x10], $0x80, s12, s14, $0xb8;
	[tilespmem:$0x1D200] =	vst v63  }
0xc5: {  	_ =	swait.ge [sflag:s25], $0x3000  }
0xc6: {  	[sflag:s25] =	ssyncset.done $0x0  }
0xc7: {  	s11 =	simm.s32 $0x9180;
	s12 =	simm.s32 $0x9480;
	[sflag:s25] =	ssyncadd.s32 $0xFFFFD000  }
0xc8: {  	_ =	swait.ge [sflag:s15], $0x80  }
0xc9: {  	s31 =	sadd.s32 $0xFFFFFF80, s30;
	[sflag:s15] =	ssyncset.done $0x0  }
0xca: {  	s0 =	simm.s32 $0x9100;
	s2 =	sand.u32 $0xFC00, s31;
	[sflag:s15] =	ssyncadd.s32 $0xFFFFFF80  }
0xcb: {  	[tilespmem:s16], [sflag:$0x2] =	stream.indirect.gather [hbm4b:s5+s14], $0x80, s0, s14, $0xb8;
	[tilespmem:$0x1D200] =	vst v63  }
0xcc: {  	s2 =	sadd.s32 s7, s2;
	s0 =	sand.u32 $0x300, s31  }
0xcd: {  	s0 =	sor.u32 s0, s2  }
0xce: {  	s0 =	sshrl.u32 s0, $0x3  }
0xcf: {  	s8 =	sadd.s32 s1, s0  }
0xd0: {  	[tilespmem:s11], [sflag:$0x7] =	stream.linear.gather [hbm4b:s8+s4], $0x80, $0x38;
	[tilespmem:$0x1D200] =	vst v63  }
0xd1: {  	s0 =	sadd.s32 s6, s0  }
0xd2: {  	[tilespmem:s12], [sflag:$0xD] =	stream.linear.gather [hbm4b:s0+s4], $0x80, $0x38;
	[tilespmem:$0x1D200] =	vst v63  }
0xd3: {  	_ =	swait.ge [sflag:s24], $0x3000  }
0xd4: {  	[sflag:s24] =	ssyncset.done $0x0  }
0xd5: {  	[sflag:s24] =	ssyncadd.s32 $0xFFFFD000  }
0xd6: {  	_ =	swait.ge [sflag:s29], $0x80  }
0xd7: {  	[sflag:s29] =	ssyncset.done $0x0  }
0xd8: {  	s8 =	simm.s32 $0x9580;
	[sflag:s29] =	ssyncadd.s32 $0xFFFFFF80  }
0xd9: {  	[spmem:s3] =	stream.indirect.scatter.add.f32 [tilespmem:s18], [sflag:$0x10], $0x80, s8, s14, $0xb8;
	[tilespmem:$0x1D200] =	vst v63  }
0xda: {  	_ =	swait.ge [sflag:s25], $0x3000  }
0xdb: {  	[sflag:s25] =	ssyncset.done $0x0  }
0xdc: {  	[sflag:s25] =	ssyncadd.s32 $0xFFFFD000  }
0xdd: {  	s11 =	sand.u32 $0xFC00, s30;
	_ =	swait.ge [sflag:s17], $0x80  }
0xde: {  	s0 =	sadd.s32 s7, s11;
	s12 =	sand.u32 $0x380, s30;
	[sflag:s17] =	ssyncset.done $0x0  }
0xdf: {  	s9 =	simm.s32 $0x9200;
	s0 =	sor.u32 s12, s0;
	[sflag:s17] =	ssyncadd.s32 $0xFFFFFF80  }
0xe0: {  	[tilespmem:s18], [sflag:$0x3] =	stream.indirect.gather [hbm4b:s5+s14], $0x80, s9, s14, $0xb8;
	[tilespmem:$0x1D200] =	vst v63  }
.Ltmp3:
0xe1: {  	s0 =	sshrl.u32 s0, $0x3;
	(pc) =	sbr.rel .LBB2_2-.Ltmp3, $4  }
0xe2: {  	s30 =	sadd.s32 $0x300, s30;
	s31 =	sadd.s32 s1, s0;
	s9 =	simm.s32 $0x9280  }
0xe3: {  	[tilespmem:s9], [sflag:$0x9] =	stream.linear.gather [hbm4b:s31+s4], $0x80, $0x38;
	[tilespmem:$0x1D200] =	vst v63  }
0xe4: {  	s12 =	simm.s32 $0x9480;
	s0 =	sadd.s32 s6, s0;
	s9 =	simm.s32 $0x9180  }
0xe5: {  	[tilespmem:s8], [sflag:$0xF] =	stream.linear.gather [hbm4b:s0+s4], $0x80, $0x38;
	[tilespmem:$0x1D200] =	vst v63  }
.LBB2_5:
0xe6: {  	_ =	sfence.sel $0x180000  }
0xe7: {  	[bflag:$0x0] =	sbarrier.arrive $0xFFFF  }
0xe8: {  	_ =	strace $0x9000004A  }
0xe9: {  	s0 =	stileid.u32;
	[bflag:$0x2] =	sbarrier.arrive $0xFFFF  }
0xea: {  	p0 =	sne.s32 s0, $0x0;
	s0 =	rddreg [dreg:$0x3]  }
0xeb: {  	s0 =	sadd.s32 @!p0 $0x100000, s0  }
0xec: {  	[sflag:s0] =	ssyncadd.tile.s32 @!p0 $0x1;
	_ =	shalt  }
.Lfunc_end2:
_tile_overlayer_lowered:
.L_overlay_start_2:
0xed: {  	(tag) =	ssettag $0x2  }
0xee: {  	s0 =	rddreg [dreg:$0x0];
	s2 =	stileid.u32  }
0xef: {  	s1 =	rddreg [dreg:$0x1];
	p0 =	sne.s32 s2, $0x0  }
0xf0: {  	s3 =	rddreg [dreg:$0x2];
	[bflag:$0x3] =	sbarrier.arrive $0xFFFF;
	s2 =	simm.s32 @!p0 $0x1C10  }
0xf1: {  	[timem:s3], [sflag:s2] =	dma.local @!p0 [hbm:s0], s1  }
0xf2: {  	s0 =	simm.s32 @!p0 $0x10  }
0xf3: {  	_ =	swait.ge @!p0 [sflag:s0], s1  }
0xf4: {  	s1 =	ssub.s32 @!p0 $0x0, s1;
	[sflag:s0] =	ssyncset.done @!p0 $0x0  }
0xf5: {  	[sflag:s0] =	ssyncadd.s32 @!p0 s1  }
0xf6: {  	[bflag:$0x3] =	sbarrier.arrive $0xFFFF  }
0xf7: {  	_ =	shalt  }

// kernel: kernel.7.cloned.1.call-start
scs
__scs_entry_jumppad:
0x0: {  	(pc) =	sbr.rel $0x88, $3  }
0x1: {  	(tag) =	ssettag $0x0;
	lr =	simm.s32 $0x1  }
0x2: {  	[smem:$0x3F96] =	sst lr;
	_ =	strace $0xD0000000  }
0x3: {  	_ = 	snop  }
0x4: {  	_ = 	snop  }
0x5: {  	_ = 	snop  }
0x6: {  	_ = 	snop  }
0x7: {  	_ = 	snop  }
__scs_overlays_trampoline_lowered:
0x8: {  	[smem:$0x3FA5] =	sst s0  }
0x9: {  	[smem:$0x3FA6] =	sst s1  }
0xa: {  	[smem:$0x3FA7] =	sst s2  }
0xb: {  	[smem:$0x3FA8] =	sst s3  }
0xc: {  	[smem:$0x3FA9] =	sst s4  }
0xd: {  	[smem:$0x3FAA] =	sst s5  }
0xe: {  	[smem:$0x3FAB] =	sst s6  }
0xf: {  	[smem:$0x3FAC] =	sst s7  }
0x10: {  	[smem:$0x3FAD] =	sst s8  }
0x11: {  	[smem:$0x3FAE] =	sst s9;
	s0 =	simm.s32 @!p0 $0x0  }
0x12: {  	s1 =	sld [smem:$0x3F94];
	s0 =	simm.s32 @p0 $0x1  }
0x13: {  	[smem:$0x3FAF] =	sst s0;
	s0 =	simm.s32 @!p1 $0x0  }
0x14: {  	s2 =	sld [smem:$0x3F93];
	s0 =	simm.s32 @p1 $0x1  }
0x15: {  	[smem:$0x3FB0] =	sst s0;
	s0 =	simm.s32 @!p2 $0x0  }
0x16: {  	s3 =	sld [smem:$0x3FDB];
	s0 =	simm.s32 @p2 $0x1  }
0x17: {  	s4 =	simm.s32 $0x1BF5;
	[smem:$0x3FB2] =	sst s0  }
0x18: {  	s0 =	sld [smem:$0x3F95];
	_ =	swait.ge [sflag:s4], $0x0  }
0x19: {  	s7 =	sld [smem:$0x3F96]  }
0x1a: {  	s8 =	sadd.s32 $0xFFFFE003, lr  }
0x1b: {  	s9 =	sadd.s32 $0xFFFFFEF7, lr;
	s5 =	simm.s32 $0xFFFFFFFF;
	p2 =	slt.u32 s8, $0xFFFFF086  }
0x1c: {  	p1 =	slt.u32 s9, $0xF7A;
	s5 =	simm.s32 @!p2 $0x0  }
0x1d: {  	s5 =	simm.s32 @p1 $0x1;
	p0 =	seq.s32 s7, s2  }
0x1e: {  	s7 =	smul.u32 @!p0 $0xF7A, s2;
	p2 =	seq.s32 @!p0 s5, $0x0  }
0x1f: {  	s9 =	smul.u32 $0xF7A, s1;
	s8 =	simm.s32 @!p0 $0x1BF5;
	p2 =	por !p2, p0  }
0x20: {  	[sflag:s8] =	ssyncset.s32 @!p0 $0xFFFFF086;
	s6 =	sadd.s32 @!p0 s3, s7;
	s7 =	simm.s32 @!p0 $0x108  }
0x21: {  	s3 =	sadd.s32 s3, s9;
	s6 =	sadd.s32 @!p0 $0x88, s6;
	s7 =	simm.s32 @p2 $0x1082  }
0x22: {  	[simem:s7], [sflag:s8] =	dma.local @!p0 [hbm:s6], $0xF7A  }
0x23: {  	s9 =	sor.u32 $0xD0000000, s2;
	s6 =	simm.s32 $0x108;
	_ =	swait.ge @!p0 [sflag:s8], $0x0  }
0x24: {  	s3 =	sadd.s32 $0x88, s3;
	s6 =	simm.s32 @!p1 $0x1082;
	[sflag:s4] =	ssyncset.s32 $0xFFFFF086  }
0x25: {  	[simem:s6], [sflag:s4] =	dma.local [hbm:s3], $0xF7A  }
0x26: {  	[smem:$0x3F96] =	sst s1;
	(tag) =	ssettag s2;
	_ =	strace s9  }
0x27: {  	s1 =	sld [smem:$0x3FA6]  }
0x28: {  	s2 =	sld [smem:$0x3FA7]  }
0x29: {  	s4 =	sld [smem:$0x3FA9]  }
0x2a: {  	p0 =	seq.s32 s5, $0x0;
	s5 =	sld [smem:$0x3FAA]  }
0x2b: {  	s6 =	sld [smem:$0x3FAB]  }
0x2c: {  	s7 =	sld [smem:$0x3FAC]  }
0x2d: {  	s3 =	simm.s32 $0x108;
	s8 =	sld [smem:$0x3FAD]  }
0x2e: {  	s3 =	simm.s32 @!p0 $0x1082;
	s9 =	sld [smem:$0x3FAE]  }
0x2f: {  	lr =	sadd.s32 s0, s3;
	s0 =	sld [smem:$0x3FA5]  }
0x30: {  	s3 =	sld [smem:$0x3FA8]  }
0x31: {  	[smem:$0x3FB1] =	sst s10  }
0x32: {  	s10 =	sld [smem:$0x3FAF];
	_ =	sdelay $0x3  }
0x33: {  	p0 =	seq.s32 s10, $0x1;
	s10 =	sld [smem:$0x3FB1];
	_ =	sdelay $0x3  }
0x34: {  	[smem:$0x3FB1] =	sst s10  }
0x35: {  	s10 =	sld [smem:$0x3FB0];
	_ =	sdelay $0x3  }
0x36: {  	p1 =	seq.s32 s10, $0x1;
	s10 =	sld [smem:$0x3FB1];
	_ =	sdelay $0x3  }
0x37: {  	[smem:$0x3FB1] =	sst s10  }
0x38: {  	s10 =	sld [smem:$0x3FB2]  }
0x39: {  	_ = 	snop;
	(pc) =	sbr.ind lr, $3  }
0x3a: {  	_ = 	snop  }
0x3b: {  	_ = 	snop  }
0x3c: {  	p2 =	seq.s32 s10, $0x1;
	s10 =	sld [smem:$0x3FB1]  }
0x3d: {  	_ =	shalt  }
0x3e: {  	_ =	shalt  }
0x3f: {  	_ =	shalt  }
0x40: {  	_ =	shalt  }
0x41: {  	_ =	shalt  }
0x42: {  	_ =	shalt  }
0x43: {  	_ =	shalt  }
0x44: {  	_ =	shalt  }
0x45: {  	_ =	shalt  }
0x46: {  	_ =	shalt  }
0x47: {  	_ =	shalt  }
0x48: {  	_ =	shalt  }
0x49: {  	_ =	shalt  }
0x4a: {  	_ =	shalt  }
0x4b: {  	_ =	shalt  }
0x4c: {  	_ =	shalt  }
0x4d: {  	_ =	shalt  }
0x4e: {  	_ =	shalt  }
0x4f: {  	_ =	shalt  }
0x50: {  	_ =	shalt  }
0x51: {  	_ =	shalt  }
0x52: {  	_ =	shalt  }
0x53: {  	_ =	shalt  }
0x54: {  	_ =	shalt  }
0x55: {  	_ =	shalt  }
0x56: {  	_ =	shalt  }
0x57: {  	_ =	shalt  }
0x58: {  	_ =	shalt  }
0x59: {  	_ =	shalt  }
0x5a: {  	_ =	shalt  }
0x5b: {  	_ =	shalt  }
0x5c: {  	_ =	shalt  }
0x5d: {  	_ =	shalt  }
0x5e: {  	_ =	shalt  }
0x5f: {  	_ =	shalt  }
0x60: {  	_ =	shalt  }
0x61: {  	_ =	shalt  }
0x62: {  	_ =	shalt  }
0x63: {  	_ =	shalt  }
0x64: {  	_ =	shalt  }
0x65: {  	_ =	shalt  }
0x66: {  	_ =	shalt  }
0x67: {  	_ =	shalt  }
0x68: {  	_ =	shalt  }
0x69: {  	_ =	shalt  }
0x6a: {  	_ =	shalt  }
0x6b: {  	_ =	shalt  }
0x6c: {  	_ =	shalt  }
0x6d: {  	_ =	shalt  }
0x6e: {  	_ =	shalt  }
0x6f: {  	_ =	shalt  }
0x70: {  	_ =	shalt  }
0x71: {  	_ =	shalt  }
0x72: {  	_ =	shalt  }
0x73: {  	_ =	shalt  }
0x74: {  	_ =	shalt  }
0x75: {  	_ =	shalt  }
0x76: {  	_ =	shalt  }
0x77: {  	_ =	shalt  }
0x78: {  	_ =	shalt  }
0x79: {  	_ =	shalt  }
0x7a: {  	_ =	shalt  }
0x7b: {  	_ =	shalt  }
0x7c: {  	_ =	shalt  }
0x7d: {  	_ =	shalt  }
0x7e: {  	_ =	shalt  }
0x7f: {  	_ =	shalt  }
0x80: {  	_ =	shalt  }
0x81: {  	_ =	shalt  }
0x82: {  	_ =	shalt  }
0x83: {  	_ =	shalt  }
0x84: {  	_ =	shalt  }
0x85: {  	_ =	shalt  }
0x86: {  	_ =	shalt  }
0x87: {  	_ =	shalt  }
.Lfunc_end0:
.L_simem_size_0:
called_computation_lowered:
.L_overlay_start_0:
0x88: {  	s2 =	sld [smem:$0x3FD9]  }
0x89: {  	s3 =	sld [smem:$0x3FFE];
	_ =	sdelay $0x1  }
0x8a: {  	s1 =	srdreg.scid  }
0x8b: {  	s0 =	sand.u32 $0x1, s1  }
0x8c: {  	s17 =	sshll.u32 s0, $0xA;
	s2 =	sadd.s32 s3, s2  }
0x8d: {  	s2 =	sadd.s32 s2, s17  }
0x8e: {  	[smem:$0x3FBD] =	sst s2  }
0x8f: {  	_ = 	snop  }
0x90: {  	s2 =	sld [smem:$0x3FD0];
	(tm) =	ssettm $0x1  }
0x91: {  	s18 =	sld [smem:$0x3FFB];
	_ =	sdelay $0x3  }
0x92: {  	_ =	strace s18  }
0x93: {  	s3 =	sld [smem:$0x3FFC];
	_ =	sdelay $0x3  }
0x94: {  	_ =	strace s3  }
0x95: {  	s3 =	sld [smem:$0x3FFD];
	_ =	sdelay $0x3  }
0x96: {  	_ =	strace s3  }
0x97: {  	_ =	strace $0x8FFFFFFF  }
0x98: {  	s19 =	sld [smem:$0x3FDB];
	_ =	sdelay $0x1  }
0x99: {  	s4 =	simm.s32 $_scs_section_size  }
0x9a: {  	s5 =	simm.s32 $_size__tile_overlayer_lowered;
	s6 =	simm.s32 $_tile_overlayer_lowered  }
0x9b: {  	s22 =	simm.s32 $0x1BFF;
	s21 =	sshll.u32 s6, $0x1;
	s3 =	sadd.s32 s4, s19  }
0x9c: {  	s7 =	simm.s32 $0x0;
	s20 =	sshll.u32 s5, $0x1;
	s5 =	sadd.s32 s21, s3  }
0x9d: {  	[timem:s7], [sflag:s22] =	dma.local [hbm:s5], s20  }
0x9e: {  	_ =	swait.ge [sflag:s22], s20  }
0x9f: {  	s4 =	ssub.s32 $0x0, s20;
	[sflag:s22] =	ssyncset.done $0x0  }
0xa0: {  	[sflag:s22] =	ssyncadd.s32 s4;
	_ =	sdelay $0x1  }
0xa1: {  	s23 =	simm.s32 $0x1B8B  }
0xa2: {  	_ =	swait.ge [sflag:s23], $0x1  }
0xa3: {  	[sflag:s23] =	ssyncset.done $0x0  }
0xa4: {  	s25 =	simm.s32 $0x1B8E;
	s24 =	sld [smem:$0x3FFE];
	[sflag:s23] =	ssyncadd.s32 $0xFFFFFFFF  }
0xa5: {  	s26 =	simm.s32 $execute0_lowered;
	[smem:$0x3FD2] =	sst s25  }
0xa6: {  	s5 =	sshll.u32 s26, $0x1;
	_ =	strace $0x80000046;
	[dreg:$0x1] =	wrdreg $0xFFFFFFFF  }
0xa7: {  	s28 =	simm.s32 $_size_execute0_lowered;
	s3 =	sadd.s32 s3, s5;
	[dreg:$0x0] =	wrdreg $0x0  }
0xa8: {  	s5 =	sshll.u32 s28, $0x1;
	[dreg:$0x2] =	wrdreg s3  }
0xa9: {  	[dreg:$0x3] =	wrdreg s5  }
0xaa: {  	[dreg:$0x4] =	wrdreg $0xC0  }
0xab: {  	_ =	task [dreg:s7], $0x5FFFF  }
0xac: {  	[dreg:$0x1] =	wrdreg $0xFFFFFFFF  }
0xad: {  	[dreg:$0x0] =	wrdreg $0x60  }
0xae: {  	[dreg:$0x2] =	wrdreg s24  }
0xaf: {  	[dreg:$0x3] =	wrdreg s2  }
0xb0: {  	[dreg:$0x4] =	wrdreg $0x96000  }
0xb1: {  	[dreg:$0x5] =	wrdreg $0x9  }
0xb2: {  	_ =	task.clear_ibuf [dreg:s7], $0x6FFFF;
	_ =	strace $0x90000046  }
0xb3: {  	s29 =	simm.s32 $0x9;
	_ =	strace $0x80000048  }
0xb4: {  	_ =	swait.ge [sflag:s29], $0x1  }
0xb5: {  	[sflag:s29] =	ssyncadd.s32 $0xFFFFFFFF  }
0xb6: {  	_ =	strace $0x90000048  }
0xb7: {  	_ =	sfence  }
0xb8: {  	s30 =	sld [smem:$0x0];
	_ =	sdelay $0x2  }
0xb9: {  	s31 =	sshll.u32 s1, $0xD;
	s1 =	sshrl.u32 s1, $0x2  }
0xba: {  	s3 =	sand.u32 $0x4000, s31;
	s1 =	sadd.s32 s1, s30  }
0xbb: {  	s0 =	sor.u32 s3, s0;
	s1 =	sshll.u32 s1, $0x11  }
0xbc: {  	s0 =	sor.u32 s1, s0  }
0xbd: {  	s0 =	sadd.s32 $0x8F2B, s0  }
0xbe: {  	[sflag:s0] =	ssyncadd.remote.s32 $0x1  }
0xbf: {  	_ =	sfence.sel $0xFFFF  }
0xc0: {  	[dreg:$0x0] =	wrdreg $0xFFFFFFFF;
	(pc) =	sbr.abs _section_cstart, $3  }
0xc1: {  	[dreg:$0x1] =	wrdreg $0xFFFFFFFF  }
0xc2: {  	_ =	task.clear_ibuf [dreg:s7], $0x2FFFF;
	_ =	strace $0x9FFFFFFF  }
0xc3: {  	(tm) =	ssettm $0x7FFFFFFF  }
tec
execute0_lowered:
.L_overlay_start_1:
0x0: {  	(tag) =	ssettag $0x1  }
0x1: {  	s0 =	rddreg [dreg:$0x0]  }
0x2: {  	s1 =	rddreg [dreg:$0x1]  }
0x3: {  	s3 =	rddreg [dreg:$0x2];
	s4 =	simm.s32 $0x0;
	s12 =	stileid.u32  }
0x4: {  	s2 =	srdreg.scid;
	s31 =	simm.s32 $0x9280;
	s28 =	simm.s32 $0xD  }
0x5: {  	s29 =	simm.s32 $0xF;
	[smem:$0x7FF] =	sst s4;
	s7 =	smul.u32 $0x2780, s12  }
0x6: {  	s2 =	sand.u32 $0x1, s2;
	s5 =	sadd.s32 $0xFE00, s0;
	s10 =	smul.u32 $0x4F000, s12  }
0x7: {  	s6 =	sadd.s32 $0x1E00, s0;
	_ =	strace $0x80000047;
	s8 =	smul.u32 $0x28000, s2  }
0x8: {  	s11 =	sshll.u32 s2, $0x4;
	s2 =	ssub.s32 $0x2, s2;
	s9 =	sadd.s32 s7, s0  }
0x9: {  	s24 =	sor.u32 s12, s11;
	s25 =	sshrl.u32 s2, $0x1;
	s10 =	sshrl.u32 s10, $0x2  }
0xa: {  	s11 =	sshll.u32 s12, $0x6;
	s8 =	sadd.s32 s7, s8;
	s7 =	smul.u32 $0x3800, s24  }
0xb: {  	s2 =	ssub.s32 s2, s25;
	s26 =	sadd.s32 s10, s3;
	s10 =	sadd.s32 $0x14FE00, s9  }
0xc: {  	s30 =	sor.u32 $0x1C10, s11;
	s0 =	sadd.s32 s8, s0;
	[dreg:$0x4] =	wrdreg s26  }
0xd: {  	[dreg:$0x5] =	wrdreg s10;
	s26 =	smax.u32 s2, $0x1;
	s2 =	simm.s32 $0x0  }
0xe: {  	[dreg:$0x6] =	wrdreg s30;
	s12 =	sshrl.u32 s7, $0x3;
	s0 =	sadd.s32 $0x177E00, s0  }
0xf: {  	[dreg:$0x14] =	wrdreg s26;
	s26 =	simm.s32 $0x2;
	s13 =	sadd.s32 s1, s12  }
0x10: {  	s14 =	sor.u32 $0x10, s12;
	s15 =	sadd.s32 s6, s12;
	[dreg:$0x13] =	wrdreg s0  }
0x11: {  	s17 =	sor.u32 $0x20, s12;
	s19 =	sor.u32 $0x30, s12;
	[dreg:$0x7] =	wrdreg s13  }
0x12: {  	s21 =	sor.u32 $0x40, s12;
	[dreg:$0x8] =	wrdreg s15;
	s16 =	sadd.s32 s1, s14  }
0x13: {  	s23 =	sor.u32 $0x50, s12;
	s8 =	sadd.s32 s6, s14;
	[dreg:$0x9] =	wrdreg s16  }
0x14: {  	s12 =	simm.s32 $0x9480;
	s18 =	sadd.s32 s1, s17;
	[dreg:$0xa] =	wrdreg s8  }
0x15: {  	s10 =	sadd.s32 s6, s17;
	s20 =	sadd.s32 s1, s19;
	[dreg:$0xb] =	wrdreg s18  }
0x16: {  	s22 =	sadd.s32 s1, s21;
	s24 =	sadd.s32 s6, s21;
	[dreg:$0xc] =	wrdreg s10  }
0x17: {  	s25 =	sadd.s32 s1, s23;
	s14 =	simm.s32 $0x60;
	[dreg:$0xd] =	wrdreg s20  }
0x18: {  	s15 =	simm.s32 $0x6;
	s17 =	simm.s32 $0x8;
	[dreg:$0xf] =	wrdreg s22  }
0x19: {  	s21 =	simm.s32 $0x5;
	s13 =	simm.s32 $0xE;
	[dreg:$0x10] =	wrdreg s24  }
.Ltmp0:
0x1a: {  	s8 =	sadd.s32 s6, s19;
	[dreg:$0x11] =	wrdreg s25;
	(pc) =	sbr.rel .LBB2_1-.Ltmp0, $4  }
0x1b: {  	s25 =	simm.s32 $0x10;
	s16 =	simm.s32 $0x3000;
	s18 =	simm.s32 $0x6000  }
0x1c: {  	s19 =	simm.s32 $0x1;
	s20 =	simm.s32 $0xA;
	s22 =	simm.s32 $0xC  }
0x1d: {  	s24 =	simm.s32 $0x3;
	[dreg:$0xe] =	wrdreg s8;
	s8 =	sadd.s32 s6, s23  }
0x1e: {  	s10 =	simm.s32 $0x9;
	s23 =	simm.s32 $0x7;
	[dreg:$0x12] =	wrdreg s8  }
.LBB2_4:
0x1f: {  	_ =	swait.ge [sflag:s24], $0x3000  }
0x20: {  	[sflag:s24] =	ssyncset.done $0x0  }
0x21: {  	[sflag:s24] =	ssyncadd.s32 $0xFFFFD000  }
0x22: {  	_ =	swait.ge [sflag:s29], $0x80  }
0x23: {  	[sflag:s29] =	ssyncset.done $0x0  }
0x24: {  	s0 =	simm.s32 $0x9580;
	[sflag:s29] =	ssyncadd.s32 $0xFFFFFF80  }
0x25: {  	[spmem:s3] =	stream.indirect.scatter.add.f32 [tilespmem:s18], [sflag:$0x10], $0x80, s0, s14, $0xb8;
	[tilespmem:$0x1D200] =	vst v63  }
0x26: {  	_ =	swait.ge [sflag:s25], $0x3000  }
0x27: {  	[sflag:s25] =	ssyncset.done $0x0  }
0x28: {  	[sflag:s25] =	ssyncadd.s32 $0xFFFFD000  }
0x29: {  	[bflag:$0x0] =	sbarrier.arrive $0xFFFF  }
0x2a: {  	s30 =	rddreg [dreg:$0x6]  }
0x2b: {  	s8 =	rddreg [dreg:$0x13]  }
0x2c: {  	s2 =	rddreg [dreg:$0x16]  }
0x2d: {  	[hbm:s8], [sflag:s30] =	dma.local [spmem:s2], $0x2780  }
0x2e: {  	_ =	swait.ge [sflag:s25], $0x2780  }
0x2f: {  	s9 =	rddreg [dreg:$0x15]  }
0x30: {  	s11 =	rddreg [dreg:$0x14];
	s2 =	sadd.s32 $0x1, s9  }
0x31: {  	p0 =	sne.s32 s2, s11  }
.Ltmp1:
0x32: {  	_ = 	snop;
	(pc) =	sbr.rel @!p0 .LBB2_5-.Ltmp1, $3  }
0x33: {  	_ =	sdelay $0x1  }
0x34: {  	[sflag:s25] =	ssyncset.done $0x0  }
0x35: {  	s31 =	simm.s32 $0x9280;
	[sflag:s25] =	ssyncadd.s32 $0xFFFFD880  }
.LBB2_1:
0x36: {  	[dreg:$0x15] =	wrdreg s2  }
0x37: {  	s0 =	rddreg [dreg:$0x4]  }
0x38: {  	s8 =	rddreg [dreg:$0x5];
	s0 =	sshrl.u32 s0, $0x3  }
0x39: {  	[dreg:$0x16] =	wrdreg s0  }
0x3a: {  	[spmem:s0], [sflag:s30] =	dma.local [hbm:s8], $0x2780  }
0x3b: {  	_ =	swait.ge [sflag:s25], $0x2780  }
0x3c: {  	[sflag:s25] =	ssyncset.done $0x0  }
0x3d: {  	[sflag:s25] =	ssyncadd.s32 $0xFFFFD880  }
0x3e: {  	[bflag:$0x0] =	sbarrier.arrive $0xFFFF  }
0x3f: {  	s2 =	simm.s32 $0x9000;
	s9 =	rddreg [dreg:$0x7]  }
0x40: {  	[tilespmem:s2], [sflag:$0x4] =	stream.linear.gather [hbm4b:s9+s4], $0x80, $0x38;
	[tilespmem:$0x1D200] =	vst v63  }
0x41: {  	s8 =	simm.s32 $0x9300;
	s11 =	rddreg [dreg:$0x8]  }
0x42: {  	[tilespmem:s8], [sflag:$0xA] =	stream.linear.gather [hbm4b:s11+s4], $0x80, $0x38;
	[tilespmem:$0x1D200] =	vst v63  }
0x43: {  	s9 =	rddreg [dreg:$0x9];
	s8 =	simm.s32 $0x9100  }
0x44: {  	[tilespmem:s8], [sflag:$0x6] =	stream.linear.gather [hbm4b:s9+s4], $0x80, $0x38;
	[tilespmem:$0x1D200] =	vst v63  }
0x45: {  	s11 =	rddreg [dreg:$0xa];
	s9 =	simm.s32 $0x9400  }
0x46: {  	[tilespmem:s9], [sflag:$0xC] =	stream.linear.gather [hbm4b:s11+s4], $0x80, $0x38;
	[tilespmem:$0x1D200] =	vst v63  }
0x47: {  	s11 =	rddreg [dreg:$0xb];
	s9 =	simm.s32 $0x9200  }
0x48: {  	[tilespmem:s9], [sflag:$0x8] =	stream.linear.gather [hbm4b:s11+s4], $0x80, $0x38;
	[tilespmem:$0x1D200] =	vst v63  }
0x49: {  	s30 =	simm.s32 $0x9500;
	s11 =	rddreg [dreg:$0xc]  }
0x4a: {  	[tilespmem:s30], [sflag:$0xE] =	stream.linear.gather [hbm4b:s11+s4], $0x80, $0x38;
	[tilespmem:$0x1D200] =	vst v63  }
0x4b: {  	s11 =	rddreg [dreg:$0xd];
	s30 =	simm.s32 $0x9080  }
0x4c: {  	[tilespmem:s30], [sflag:$0x5] =	stream.linear.gather [hbm4b:s11+s4], $0x80, $0x38;
	[tilespmem:$0x1D200] =	vst v63  }
0x4d: {  	s11 =	rddreg [dreg:$0xe];
	s30 =	simm.s32 $0x9380  }
0x4e: {  	[tilespmem:s30], [sflag:$0xB] =	stream.linear.gather [hbm4b:s11+s4], $0x80, $0x38;
	[tilespmem:$0x1D200] =	vst v63  }
0x4f: {  	s0 =	rddreg [dreg:$0xf];
	s11 =	simm.s32 $0x9180  }
0x50: {  	[tilespmem:s11], [sflag:$0x7] =	stream.linear.gather [hbm4b:s0+s4], $0x80, $0x38;
	[tilespmem:$0x1D200] =	vst v63  }
0x51: {  	s11 =	rddreg [dreg:$0x10]  }
0x52: {  	[tilespmem:s12], [sflag:$0xD] =	stream.linear.gather [hbm4b:s11+s4], $0x80, $0x38;
	[tilespmem:$0x1D200] =	vst v63  }
0x53: {  	s12 =	rddreg [dreg:$0x11]  }
0x54: {  	[tilespmem:s31], [sflag:$0x9] =	stream.linear.gather [hbm4b:s12+s4], $0x80, $0x38;
	[tilespmem:$0x1D200] =	vst v63  }
0x55: {  	s11 =	rddreg [dreg:$0x12];
	s12 =	simm.s32 $0x9580;
	s31 =	simm.s32 $0x4  }
0x56: {  	[tilespmem:s12], [sflag:$0xF] =	stream.linear.gather [hbm4b:s11+s4], $0x80, $0x38;
	[tilespmem:$0x1D200] =	vst v63  }
0x57: {  	_ =	swait.ge [sflag:s31], $0x80  }
0x58: {  	[sflag:s31] =	ssyncset.done $0x0  }
0x59: {  	[sflag:s31] =	ssyncadd.s32 $0xFFFFFF80  }
0x5a: {  	[tilespmem:s4], [sflag:$0x1] =	stream.indirect.gather [hbm4b:s5+s14], $0x80, s2, s14, $0xb8;
	[tilespmem:$0x1D200] =	vst v63  }
0x5b: {  	_ =	swait.ge [sflag:s15], $0x80  }
0x5c: {  	[sflag:s15] =	ssyncset.done $0x0  }
0x5d: {  	[sflag:s15] =	ssyncadd.s32 $0xFFFFFF80  }
0x5e: {  	[tilespmem:s16], [sflag:$0x2] =	stream.indirect.gather [hbm4b:s5+s14], $0x80, s8, s14, $0xb8;
	[tilespmem:$0x1D200] =	vst v63  }
0x5f: {  	_ =	swait.ge [sflag:s17], $0x80  }
0x60: {  	[sflag:s17] =	ssyncset.done $0x0  }
0x61: {  	[sflag:s17] =	ssyncadd.s32 $0xFFFFFF80  }
0x62: {  	[tilespmem:s18], [sflag:$0x3] =	stream.indirect.gather [hbm4b:s5+s14], $0x80, s9, s14, $0xb8;
	[tilespmem:$0x1D200] =	vst v63  }
0x63: {  	s30 =	simm.s32 $0x580;
	s12 =	simm.s32 $0x9480;
	s9 =	simm.s32 $0x9180  }
.LBB2_2:
0x64: {  	_ =	swait.ge [sflag:s19], $0x3000  }
0x65: {  	[sflag:s19] =	ssyncset.done $0x0  }
0x66: {  	[sflag:s19] =	ssyncadd.s32 $0xFFFFD000  }
0x67: {  	_ =	swait.ge [sflag:s20], $0x80  }
0x68: {  	[sflag:s20] =	ssyncset.done $0x0  }
0x69: {  	s0 =	simm.s32 $0x9300;
	[sflag:s20] =	ssyncadd.s32 $0xFFFFFF80  }
0x6a: {  	[spmem:s3] =	stream.indirect.scatter.add.f32 [tilespmem:s4], [sflag:$0x10], $0x80, s0, s14, $0xb8;
	[tilespmem:$0x1D200] =	vst v63  }
0x6b: {  	p0 =	seq.s32 s30, $0x3880;
	_ =	swait.ge [sflag:s25], $0x3000  }
0x6c: {  	s0 =	sadd.s32 @!p0 $0xFFFFFD80, s30;
	[sflag:s25] =	ssyncset.done $0x0  }
0x6d: {  	s31 =	sand.u32 @!p0 $0xFC00, s0;
	[sflag:s25] =	ssyncadd.s32 $0xFFFFD000  }
0x6e: {  	s0 =	sand.u32 @!p0 $0x300, s0;
	s31 =	sadd.s32 @!p0 s7, s31;
	_ =	swait.ge [sflag:s21], $0x80  }
0x6f: {  	s0 =	sor.u32 @!p0 s0, s31;
	[sflag:s21] =	ssyncset.done $0x0  }
0x70: {  	s8 =	simm.s32 $0x9080;
	s2 =	sshrl.u32 @!p0 s0, $0x3;
	[sflag:s21] =	ssyncadd.s32 $0xFFFFFF80  }
0x71: {  	[tilespmem:s4], [sflag:$0x1] =	stream.indirect.gather [hbm4b:s5+s14], $0x80, s8, s14, $0xb8;
	[tilespmem:$0x1D200] =	vst v63  }
0x72: {  	s31 =	simm.s32 @!p0 $0x0;
	s0 =	simm.s32 @!p0 $0x9000;
	s8 =	sadd.s32 @!p0 s1, s2  }
0x73: {  	[tilespmem:s0], [sflag:$0x4] =	stream.linear.gather @!p0 [hbm4b:s8+s31], $0x80, $0x38;
	[tilespmem:$0x1D200] =	vst v63  }
0x74: {  	s2 =	sadd.s32 @!p0 s6, s2;
	s8 =	simm.s32 @!p0 $0x9300  }
0x75: {  	[tilespmem:s8], [sflag:$0xA] =	stream.linear.gather @!p0 [hbm4b:s2+s31], $0x80, $0x38;
	[tilespmem:$0x1D200] =	vst v63  }
0x76: {  	_ =	swait.ge [sflag:s26], $0x3000  }
0x77: {  	[sflag:s26] =	ssyncset.done $0x0  }
0x78: {  	[sflag:s26] =	ssyncadd.s32 $0xFFFFD000  }
0x79: {  	_ =	swait.ge [sflag:s22], $0x80  }
0x7a: {  	[sflag:s22] =	ssyncset.done $0x0  }
0x7b: {  	s11 =	simm.s32 $0x9400;
	[sflag:s22] =	ssyncadd.s32 $0xFFFFFF80  }
0x7c: {  	[spmem:s3] =	stream.indirect.scatter.add.f32 [tilespmem:s16], [sflag:$0x10], $0x80, s11, s14, $0xb8;
	[tilespmem:$0x1D200] =	vst v63  }
0x7d: {  	_ =	swait.ge [sflag:s25], $0x3000  }
0x7e: {  	s2 =	sadd.s32 @!p0 $0xFFFFFE00, s30;
	[sflag:s25] =	ssyncset.done $0x0  }
0x7f: {  	s8 =	sand.u32 @!p0 $0xFC00, s2;
	[sflag:s25] =	ssyncadd.s32 $0xFFFFD000  }
0x80: {  	s2 =	sand.u32 @!p0 $0x380, s2;
	s8 =	sadd.s32 @!p0 s7, s8;
	_ =	swait.ge [sflag:s23], $0x80  }
0x81: {  	s2 =	sor.u32 @!p0 s2, s8;
	[sflag:s23] =	ssyncset.done $0x0  }
0x82: {  	s2 =	sshrl.u32 @!p0 s2, $0x3;
	[sflag:s23] =	ssyncadd.s32 $0xFFFFFF80  }
0x83: {  	[tilespmem:s16], [sflag:$0x2] =	stream.indirect.gather [hbm4b:s5+s14], $0x80, s9, s14, $0xb8;
	[tilespmem:$0x1D200] =	vst v63  }
0x84: {  	s8 =	sadd.s32 @!p0 s1, s2;
	s9 =	simm.s32 @!p0 $0x9100  }
0x85: {  	[tilespmem:s9], [sflag:$0x6] =	stream.linear.gather @!p0 [hbm4b:s8+s31], $0x80, $0x38;
	[tilespmem:$0x1D200] =	vst v63  }
0x86: {  	s2 =	sadd.s32 @!p0 s6, s2;
	s8 =	simm.s32 @!p0 $0x9400  }
0x87: {  	[tilespmem:s8], [sflag:$0xC] =	stream.linear.gather @!p0 [hbm4b:s2+s31], $0x80, $0x38;
	[tilespmem:$0x1D200] =	vst v63  }
0x88: {  	_ =	swait.ge [sflag:s24], $0x3000  }
0x89: {  	[sflag:s24] =	ssyncset.done $0x0  }
0x8a: {  	[sflag:s24] =	ssyncadd.s32 $0xFFFFD000  }
0x8b: {  	_ =	swait.ge [sflag:s13], $0x80  }
0x8c: {  	[sflag:s13] =	ssyncset.done $0x0  }
0x8d: {  	s8 =	simm.s32 $0x9500;
	[sflag:s13] =	ssyncadd.s32 $0xFFFFFF80  }
0x8e: {  	[spmem:s3] =	stream.indirect.scatter.add.f32 [tilespmem:s18], [sflag:$0x10], $0x80, s8, s14, $0xb8;
	[tilespmem:$0x1D200] =	vst v63  }
0x8f: {  	_ =	swait.ge [sflag:s25], $0x3000  }
0x90: {  	[sflag:s25] =	ssyncset.done $0x0  }
0x91: {  	[sflag:s25] =	ssyncadd.s32 $0xFFFFD000  }
0x92: {  	_ =	swait.ge [sflag:s10], $0x80  }
0x93: {  	[sflag:s10] =	ssyncset.done $0x0  }
0x94: {  	s9 =	simm.s32 $0x9280;
	s2 =	simm.s32 @p0 $0x1;
	[sflag:s10] =	ssyncadd.s32 $0xFFFFFF80  }
0x95: {  	[tilespmem:s18], [sflag:$0x3] =	stream.indirect.gather [hbm4b:s5+s14], $0x80, s9, s14, $0xb8;
	[tilespmem:$0x1D200] =	vst v63  }
0x96: {  	_ =	swait.ge @p0 [sflag:s2], $0x3000  }
0x97: {  	[sflag:s2] =	ssyncset.done @p0 $0x0  }
0x98: {  	[sflag:s2] =	ssyncadd.s32 @p0 $0xFFFFD000;
	s2 =	simm.s32 @p0 $0xB  }
0x99: {  	_ =	swait.ge @p0 [sflag:s2], $0x80  }
0x9a: {  	s8 =	simm.s32 @p0 $0x9380;
	[sflag:s2] =	ssyncset.done @p0 $0x0  }
0x9b: {  	s9 =	simm.s32 @p0 $0x0;
	[sflag:s2] =	ssyncadd.s32 @p0 $0xFFFFFF80;
	s2 =	simm.s32 @p0 $0x60  }
0x9c: {  	[spmem:s3] =	stream.indirect.scatter.add.f32 @p0 [tilespmem:s9], [sflag:$0x10], $0x80, s8, s2, $0xb8;
	[tilespmem:$0x1D200] =	vst v63  }
0x9d: {  	s2 =	sadd.s32 @!p0 $0xFFFFFE80, s30  }
0x9e: {  	s8 =	sadd.s32 @!p0 $0xFFFFFA80, s30;
	s2 =	sand.u32 @!p0 $0xFC00, s2  }
0x9f: {  	s9 =	simm.s32 @p0 $0x10;
	s8 =	sand.u32 @!p0 $0x300, s8;
	s2 =	sadd.s32 @!p0 s7, s2  }
0xa0: {  	_ =	swait.ge @p0 [sflag:s9], $0x3000;
	s2 =	sor.u32 @!p0 s8, s2  }
0xa1: {  	[sflag:s9] =	ssyncset.done @p0 $0x0;
	s2 =	sshrl.u32 @!p0 s2, $0x3  }
0xa2: {  	[sflag:s9] =	ssyncadd.s32 @p0 $0xFFFFD000;
	s9 =	simm.s32 @!p0 $0x9200;
	s8 =	sadd.s32 @!p0 s1, s2  }
0xa3: {  	[tilespmem:s9], [sflag:$0x8] =	stream.linear.gather @!p0 [hbm4b:s8+s31], $0x80, $0x38;
	[tilespmem:$0x1D200] =	vst v63  }
0xa4: {  	s2 =	sadd.s32 @!p0 s6, s2;
	s8 =	simm.s32 @!p0 $0x9500  }
0xa5: {  	[tilespmem:s8], [sflag:$0xE] =	stream.linear.gather @!p0 [hbm4b:s2+s31], $0x80, $0x38;
	[tilespmem:$0x1D200] =	vst v63  }
0xa6: {  	s2 =	simm.s32 @!p0 $0x1  }
0xa7: {  	_ =	swait.ge @!p0 [sflag:s2], $0x3000  }
0xa8: {  	[sflag:s2] =	ssyncset.done @!p0 $0x0  }
0xa9: {  	[sflag:s2] =	ssyncadd.s32 @!p0 $0xFFFFD000;
	s2 =	simm.s32 @!p0 $0xB  }
0xaa: {  	_ =	swait.ge @!p0 [sflag:s2], $0x80  }
0xab: {  	s9 =	simm.s32 @!p0 $0x10;
	[sflag:s2] =	ssyncset.done @!p0 $0x0  }
0xac: {  	s8 =	simm.s32 @!p0 $0x9380;
	[sflag:s2] =	ssyncadd.s32 @!p0 $0xFFFFFF80;
	s2 =	simm.s32 @!p0 $0x60  }
0xad: {  	[spmem:s3] =	stream.indirect.scatter.add.f32 @!p0 [tilespmem:s31], [sflag:$0x10], $0x80, s8, s2, $0xb8;
	[tilespmem:$0x1D200] =	vst v63  }
0xae: {  	_ =	swait.ge @!p0 [sflag:s9], $0x3000  }
0xaf: {  	[sflag:s9] =	ssyncset.done @!p0 $0x0  }
0xb0: {  	[sflag:s9] =	ssyncadd.s32 @!p0 $0xFFFFD000;
	s9 =	simm.s32 @!p0 $0x4  }
0xb1: {  	_ =	swait.ge @!p0 [sflag:s9], $0x80  }
0xb2: {  	[sflag:s9] =	ssyncset.done @!p0 $0x0  }
0xb3: {  	[sflag:s9] =	ssyncadd.s32 @!p0 $0xFFFFFF80  }
0xb4: {  	[tilespmem:s31], [sflag:$0x1] =	stream.indirect.gather @!p0 [hbm4b:s5+s2], $0x80, s0, s2, $0xb8;
	[tilespmem:$0x1D200] =	vst v63  }
0xb5: {  	s0 =	sadd.s32 @!p0 $0xFFFFFF00, s30  }
0xb6: {  	s2 =	sand.u32 @!p0 $0xFC00, s0  }
0xb7: {  	s0 =	sand.u32 @!p0 $0x380, s0;
	s2 =	sadd.s32 @!p0 s7, s2  }
0xb8: {  	s0 =	sor.u32 @!p0 s0, s2  }
0xb9: {  	s0 =	sshrl.u32 @!p0 s0, $0x3  }
0xba: {  	s9 =	simm.s32 @!p0 $0x9080;
	s2 =	sadd.s32 @!p0 s1, s0  }
0xbb: {  	[tilespmem:s9], [sflag:$0x5] =	stream.linear.gather @!p0 [hbm4b:s2+s31], $0x80, $0x38;
	[tilespmem:$0x1D200] =	vst v63  }
0xbc: {  	s0 =	sadd.s32 @!p0 s6, s0  }
0xbd: {  	[tilespmem:s8], [sflag:$0xB] =	stream.linear.gather @!p0 [hbm4b:s0+s31], $0x80, $0x38;
	[tilespmem:$0x1D200] =	vst v63  }
0xbe: {  	_ =	swait.ge [sflag:s26], $0x3000  }
0xbf: {  	[sflag:s26] =	ssyncset.done $0x0  }
0xc0: {  	[sflag:s26] =	ssyncadd.s32 $0xFFFFD000  }
0xc1: {  	_ =	swait.ge [sflag:s28], $0x80  }
0xc2: {  	[sflag:s28] =	ssyncset.done $0x0  }
.Ltmp2:
0xc3: {  	[sflag:s28] =	ssyncadd.s32 $0xFFFFFF80;
	(pc) =	sbr.rel @p0 .LBB2_4-.Ltmp2, $4  }
0xc4: {  	[spmem:s3] =	stream.indirect.scatter.add.f32 [tilespmem:s16], [sflag:$0x10], $0x80, s12, s14, $0xb8;
	[tilespmem:$0x1D200] =	vst v63  }
0xc5: {  	_ =	swait.ge [sflag:s25], $0x3000  }
0xc6: {  	[sflag:s25] =	ssyncset.done $0x0  }
0xc7: {  	s11 =	simm.s32 $0x9180;
	s12 =	simm.s32 $0x9480;
	[sflag:s25] =	ssyncadd.s32 $0xFFFFD000  }
0xc8: {  	_ =	swait.ge [sflag:s15], $0x80  }
0xc9: {  	s31 =	sadd.s32 $0xFFFFFF80, s30;
	[sflag:s15] =	ssyncset.done $0x0  }
0xca: {  	s0 =	simm.s32 $0x9100;
	s2 =	sand.u32 $0xFC00, s31;
	[sflag:s15] =	ssyncadd.s32 $0xFFFFFF80  }
0xcb: {  	[tilespmem:s16], [sflag:$0x2] =	stream.indirect.gather [hbm4b:s5+s14], $0x80, s0, s14, $0xb8;
	[tilespmem:$0x1D200] =	vst v63  }
0xcc: {  	s2 =	sadd.s32 s7, s2;
	s0 =	sand.u32 $0x300, s31  }
0xcd: {  	s0 =	sor.u32 s0, s2  }
0xce: {  	s0 =	sshrl.u32 s0, $0x3  }
0xcf: {  	s8 =	sadd.s32 s1, s0  }
0xd0: {  	[tilespmem:s11], [sflag:$0x7] =	stream.linear.gather [hbm4b:s8+s4], $0x80, $0x38;
	[tilespmem:$0x1D200] =	vst v63  }
0xd1: {  	s0 =	sadd.s32 s6, s0  }
0xd2: {  	[tilespmem:s12], [sflag:$0xD] =	stream.linear.gather [hbm4b:s0+s4], $0x80, $0x38;
	[tilespmem:$0x1D200] =	vst v63  }
0xd3: {  	_ =	swait.ge [sflag:s24], $0x3000  }
0xd4: {  	[sflag:s24] =	ssyncset.done $0x0  }
0xd5: {  	[sflag:s24] =	ssyncadd.s32 $0xFFFFD000  }
0xd6: {  	_ =	swait.ge [sflag:s29], $0x80  }
0xd7: {  	[sflag:s29] =	ssyncset.done $0x0  }
0xd8: {  	s8 =	simm.s32 $0x9580;
	[sflag:s29] =	ssyncadd.s32 $0xFFFFFF80  }
0xd9: {  	[spmem:s3] =	stream.indirect.scatter.add.f32 [tilespmem:s18], [sflag:$0x10], $0x80, s8, s14, $0xb8;
	[tilespmem:$0x1D200] =	vst v63  }
0xda: {  	_ =	swait.ge [sflag:s25], $0x3000  }
0xdb: {  	[sflag:s25] =	ssyncset.done $0x0  }
0xdc: {  	[sflag:s25] =	ssyncadd.s32 $0xFFFFD000  }
0xdd: {  	s11 =	sand.u32 $0xFC00, s30;
	_ =	swait.ge [sflag:s17], $0x80  }
0xde: {  	s0 =	sadd.s32 s7, s11;
	s12 =	sand.u32 $0x380, s30;
	[sflag:s17] =	ssyncset.done $0x0  }
0xdf: {  	s9 =	simm.s32 $0x9200;
	s0 =	sor.u32 s12, s0;
	[sflag:s17] =	ssyncadd.s32 $0xFFFFFF80  }
0xe0: {  	[tilespmem:s18], [sflag:$0x3] =	stream.indirect.gather [hbm4b:s5+s14], $0x80, s9, s14, $0xb8;
	[tilespmem:$0x1D200] =	vst v63  }
.Ltmp3:
0xe1: {  	s0 =	sshrl.u32 s0, $0x3;
	(pc) =	sbr.rel .LBB2_2-.Ltmp3, $4  }
0xe2: {  	s30 =	sadd.s32 $0x300, s30;
	s31 =	sadd.s32 s1, s0;
	s9 =	simm.s32 $0x9280  }
0xe3: {  	[tilespmem:s9], [sflag:$0x9] =	stream.linear.gather [hbm4b:s31+s4], $0x80, $0x38;
	[tilespmem:$0x1D200] =	vst v63  }
0xe4: {  	s12 =	simm.s32 $0x9480;
	s0 =	sadd.s32 s6, s0;
	s9 =	simm.s32 $0x9180  }
0xe5: {  	[tilespmem:s8], [sflag:$0xF] =	stream.linear.gather [hbm4b:s0+s4], $0x80, $0x38;
	[tilespmem:$0x1D200] =	vst v63  }
.LBB2_5:
0xe6: {  	_ =	sfence.sel $0x180000  }
0xe7: {  	[bflag:$0x0] =	sbarrier.arrive $0xFFFF  }
0xe8: {  	_ =	strace $0x90000047  }
0xe9: {  	s0 =	stileid.u32;
	[bflag:$0x2] =	sbarrier.arrive $0xFFFF  }
0xea: {  	p0 =	sne.s32 s0, $0x0;
	s0 =	rddreg [dreg:$0x3]  }
0xeb: {  	s0 =	sadd.s32 @!p0 $0x100000, s0  }
0xec: {  	[sflag:s0] =	ssyncadd.tile.s32 @!p0 $0x1;
	_ =	shalt  }
.Lfunc_end2:
_tile_overlayer_lowered:
.L_overlay_start_2:
0xed: {  	(tag) =	ssettag $0x2  }
0xee: {  	s0 =	rddreg [dreg:$0x0];
	s2 =	stileid.u32  }
0xef: {  	s1 =	rddreg [dreg:$0x1];
	p0 =	sne.s32 s2, $0x0  }
0xf0: {  	s3 =	rddreg [dreg:$0x2];
	[bflag:$0x3] =	sbarrier.arrive $0xFFFF;
	s2 =	simm.s32 @!p0 $0x1C10  }
0xf1: {  	[timem:s3], [sflag:s2] =	dma.local @!p0 [hbm:s0], s1  }
0xf2: {  	s0 =	simm.s32 @!p0 $0x10  }
0xf3: {  	_ =	swait.ge @!p0 [sflag:s0], s1  }
0xf4: {  	s1 =	ssub.s32 @!p0 $0x0, s1;
	[sflag:s0] =	ssyncset.done @!p0 $0x0  }
0xf5: {  	[sflag:s0] =	ssyncadd.s32 @!p0 s1  }
0xf6: {  	[bflag:$0x3] =	sbarrier.arrive $0xFFFF  }
0xf7: {  	_ =	shalt  }

</sc_bundles>
